<compile_context>
chip_gen: v7x
topology: tpu7x:2x2x1
jax: 0.10.2.dev20260603
libtpu: 0.0.44.dev20260713+nightly
codegen_flags: <defaults>
</compile_context>

<pallas_src>
import functools

import jax
import jax.numpy as jnp
from jax import lax
from jax.experimental import pallas as pl
from jax.experimental.pallas import tpu as pltpu
from jax.experimental.pallas import tpu_sc as plsc

N, E, D, H, ED = 10000, 320000, 128, 128, 16
NC, NS = 2, 16
NW = NC * NS
EW = E // NW
C = 80
NCHUNK = EW // C
ROWS_PER_TILE = N // NS

EB = 2048
EPAD = 321536
GRID = EPAD // EB

_mesh = plsc.VectorSubcoreMesh(core_axis_name="c", subcore_axis_name="s")


CG = 200
NCHG = EW // CG


@functools.partial(
    pl.kernel,
    out_type=(
        jax.ShapeDtypeStruct((EPAD, D), jnp.float32),
        jax.ShapeDtypeStruct((EPAD, D), jnp.float32),
    ),
    mesh=_mesh,
    compiler_params=pltpu.CompilerParams(use_tc_tiling_on_sc=False),
    scratch_types=[
        pltpu.VMEM((CG,), jnp.int32),
        pltpu.VMEM((CG,), jnp.int32),
        pltpu.VMEM((CG, D), jnp.float32),
        pltpu.VMEM((CG, D), jnp.float32),
        pltpu.SemaphoreType.DMA,
        pltpu.SemaphoreType.DMA,
    ],
)
def _gather_k(h_hbm, src_hbm, dst_hbm, gs_hbm, gd_hbm,
              idx_s, idx_d, buf_s, buf_d, sem_s, sem_d):
    wid = lax.axis_index("s") * NC + lax.axis_index("c")
    base = wid * EW

    def body(i, carry):
        off = base + i * CG
        pltpu.sync_copy(src_hbm.at[pl.ds(off, CG)], idx_s)
        pltpu.sync_copy(dst_hbm.at[pl.ds(off, CG)], idx_d)
        cs0 = pltpu.async_copy(h_hbm.at[idx_s.at[pl.ds(0, 128)]],
                               buf_s.at[pl.ds(0, 128)], sem_s)
        cs1 = pltpu.async_copy(h_hbm.at[idx_s.at[pl.ds(128, CG - 128)]],
                               buf_s.at[pl.ds(128, CG - 128)], sem_s)
        cd0 = pltpu.async_copy(h_hbm.at[idx_d.at[pl.ds(0, 128)]],
                               buf_d.at[pl.ds(0, 128)], sem_d)
        cd1 = pltpu.async_copy(h_hbm.at[idx_d.at[pl.ds(128, CG - 128)]],
                               buf_d.at[pl.ds(128, CG - 128)], sem_d)
        cs0.wait()
        cs1.wait()
        pltpu.sync_copy(buf_s, gs_hbm.at[pl.ds(off, CG)])
        cd0.wait()
        cd1.wait()
        pltpu.sync_copy(buf_d, gd_hbm.at[pl.ds(off, CG)])
        return carry

    lax.fori_loop(0, NCHG, body, 0)


def _mlp_body(gs, gd, dist8, w1e, b1e, w2e, b2e,
              w1na, w1nb, w1ne, b1n, w2n, b2n,
              w1ca, w1cb, w1ce, b1c, w2ct,
              m_out, wt_out):
    bf = jnp.bfloat16
    f32 = jnp.float32
    nsub = EB // 128
    sel = (lax.broadcasted_iota(jnp.int32, (EB, nsub), 0) // 128
           == lax.broadcasted_iota(jnp.int32, (EB, nsub), 1)).astype(f32)
    xrows = jnp.dot(sel, dist8[...], preferred_element_type=f32)
    lmask = (lax.broadcasted_iota(jnp.int32, (EB, 128), 1)
             == lax.broadcasted_iota(jnp.int32, (EB, 128), 0) % 128)
    d = jnp.sum(jnp.where(lmask, xrows, 0.0), axis=1, keepdims=True)

    a1 = d * w1e[...] + b1e[...]
    a1 = a1 * jax.nn.sigmoid(a1)
    attr = jnp.dot(a1, w2e[...], preferred_element_type=f32) + b2e[...]
    hs = gs[...].astype(bf)
    hd = gd[...].astype(bf)
    pre_n = (jnp.dot(hs, w1na[...].astype(bf), preferred_element_type=f32)
             + jnp.dot(hd, w1nb[...].astype(bf), preferred_element_type=f32)
             + jnp.dot(attr.astype(bf), w1ne[...].astype(bf),
                       preferred_element_type=f32)
             + b1n[...])
    hid_n = pre_n * jax.nn.sigmoid(pre_n)
    m_out[...] = jnp.dot(hid_n.astype(bf), w2n[...].astype(bf),
                         preferred_element_type=f32) + b2n[...]
    pre_c = (jnp.dot(hs, w1ca[...].astype(bf), preferred_element_type=f32)
             + jnp.dot(hd, w1cb[...].astype(bf), preferred_element_type=f32)
             + jnp.dot(attr.astype(bf), w1ce[...].astype(bf),
                       preferred_element_type=f32)
             + b1c[...])
    hid_c = pre_c * jax.nn.sigmoid(pre_c)
    wrow = lax.dot_general(w2ct[...], hid_c,
                           (((1,), (1,)), ((), ())),
                           preferred_element_type=f32)
    wt_out[...] = wrow.reshape(1, 1, EB)


def _full(shape):
    return pl.BlockSpec(shape, lambda i: (0, 0))


_mlp_call = pl.pallas_call(
    _mlp_body,
    grid=(GRID,),
    in_specs=[
        pl.BlockSpec((EB, D), lambda i: (i, 0)),
        pl.BlockSpec((EB, D), lambda i: (i, 0)),
        pl.BlockSpec((EB // 128, 128), lambda i: (i, 0)),
        _full((1, ED)), _full((1, ED)), _full((ED, ED)), _full((1, ED)),
        _full((D, H)), _full((D, H)), _full((ED, H)), _full((1, H)),
        _full((H, D)), _full((1, D)),
        _full((D, H)), _full((D, H)), _full((ED, H)), _full((1, H)),
        _full((1, H)),
    ],
    out_specs=[
        pl.BlockSpec((EB, D), lambda i: (i, 0)),
        pl.BlockSpec((1, 1, EB), lambda i: (i, 0, 0)),
    ],
    out_shape=[
        jax.ShapeDtypeStruct((EPAD, D), jnp.float32),
        jax.ShapeDtypeStruct((GRID, 1, EB), jnp.float32),
    ],
)


@functools.partial(
    pl.kernel,
    out_type=jax.ShapeDtypeStruct((NC, N, D), jnp.float32),
    mesh=_mesh,
    compiler_params=pltpu.CompilerParams(use_tc_tiling_on_sc=False),
    scratch_types=[
        pltpu.VMEM((C,), jnp.int32),
        pltpu.VMEM((C, D), jnp.float32),
        pltpu.VMEM_SHARED((N, D), jnp.float32),
    ],
)
def _scatter_m_k(m_hbm, dst_hbm, z128_hbm, hp_hbm, ixd0, mb0, h_acc):
    cid = lax.axis_index("c")
    sid = lax.axis_index("s")
    wid = sid * NC + cid
    r0 = sid * ROWS_PER_TILE
    pltpu.sync_copy(z128_hbm.at[pl.ds(r0, ROWS_PER_TILE)],
                    h_acc.at[pl.ds(r0, ROWS_PER_TILE)])
    plsc.subcore_barrier()
    base = wid * EW

    def body(i, carry):
        off = base + i * C
        pltpu.sync_copy(dst_hbm.at[pl.ds(off, C)], ixd0)
        pltpu.sync_copy(m_hbm.at[pl.ds(off, C)], mb0)
        pltpu.sync_copy(mb0, h_acc.at[ixd0], add=True)
        return carry

    lax.fori_loop(0, NCHUNK, body, 0)
    plsc.subcore_barrier()
    pltpu.sync_copy(h_acc.at[pl.ds(r0, ROWS_PER_TILE)],
                    hp_hbm.at[cid, pl.ds(r0, ROWS_PER_TILE)])


C2 = 400
NCHUNK2 = EW // C2


@functools.partial(
    pl.kernel,
    out_type=jax.ShapeDtypeStruct((NW, N * 4), jnp.float32),
    mesh=_mesh,
    compiler_params=pltpu.CompilerParams(use_tc_tiling_on_sc=False,
                                         needs_layout_passes=False),
    scratch_types=[
        pltpu.VMEM((C2,), jnp.int32),
        pltpu.VMEM((C2,), jnp.int32),
        pltpu.VMEM((C2,), jnp.float32),
        pltpu.VMEM((N * 4,), jnp.float32),
        pltpu.VMEM((N * 4,), jnp.float32),
    ],
)
def _scatter_x_k(w_hbm, src_hbm, dst_hbm, x4_hbm, z4_hbm, xp_hbm,
                 idx_s, idx_d, w_buf, xtab, xacc):
    cid = lax.axis_index("c")
    sid = lax.axis_index("s")
    wid = sid * NC + cid
    pltpu.sync_copy(x4_hbm, xtab)
    pltpu.sync_copy(z4_hbm, xacc)
    base = wid * EW
    lane = lax.iota(jnp.int32, 16)

    def body(i, carry):
        off = base + i * C2
        pltpu.sync_copy(src_hbm.at[pl.ds(off, C2)], idx_s)
        pltpu.sync_copy(dst_hbm.at[pl.ds(off, C2)], idx_d)
        pltpu.sync_copy(w_hbm.at[pl.ds(off, C2)], w_buf)
        for j in range(C2 // 16):
            s16 = idx_s[pl.ds(j * 16, 16)] * 4
            d16 = idx_d[pl.ds(j * 16, 16)] * 4
            w16 = w_buf[pl.ds(j * 16, 16)]
            for comp in range(3):
                xs = plsc.load_gather(xtab, [s16 + comp])
                xd = plsc.load_gather(xtab, [d16 + comp])
                plsc.addupdate_scatter(xacc, [d16 + comp], w16 * (xs - xd))
        return carry

    lax.fori_loop(0, NCHUNK2, body, 0)
    pltpu.sync_copy(xacc, xp_hbm.at[wid])


def kernel(h, x, edge_index, edge_dist,
           W1e, b1e, W2e, b2e, W1n, b1n, W2n, b2n, W1c, b1c, W2c):
    src = edge_index[0]
    dst = edge_index[1]
    gs, gd = _gather_k(h, src, dst)
    dist_pad = jnp.pad(edge_dist, (0, EPAD - E)).reshape(EPAD // 128, 128)
    m, wt = _mlp_call(
        gs, gd, dist_pad,
        W1e, b1e.reshape(1, ED), W2e, b2e.reshape(1, ED),
        W1n[:D], W1n[D:2 * D], W1n[2 * D:], b1n.reshape(1, H),
        W2n, b2n.reshape(1, D),
        W1c[:D], W1c[D:2 * D], W1c[2 * D:], b1c.reshape(1, H),
        W2c.reshape(1, H),
    )
    w1d = wt.reshape(EPAD)
    x4 = jnp.pad(x, ((0, 0), (0, 1))).reshape(N * 4)
    z128 = jnp.zeros((N, D), jnp.float32)
    z4 = jnp.zeros((N * 4,), jnp.float32)
    hp = _scatter_m_k(m, dst, z128)
    xp = _scatter_x_k(w1d, src, dst, x4, z4)
    h_out = h + hp[0] + hp[1]
    x_out = x + jnp.sum(xp, axis=0).reshape(N, 4)[:, :3]
    return (h_out, x_out)

# --- scband reference (transcript-rebuilt; emitter-appended) ---
"""Pipeline reference for scband-egnnlayer-v40-17068200034776 (READ-ONLY COPY).

The authoritative reference and input builder live on the scoring server;
editing this copy changes nothing except your own understanding.
"""

import jax, jax.numpy as jnp
import numpy as np

N, E, D, H, ED = 10000, 320000, 128, 128, 16


def _lin(k, fan_in, shape):
    bound = 1.0 / np.sqrt(fan_in)
    return jax.random.uniform(k, shape, minval=-bound, maxval=bound, dtype=jnp.float32)


def setup_inputs(seed: int = 0) -> dict:
    key = jax.random.key(seed)
    ks = jax.random.split(key, 20)
    h = jax.random.normal(ks[0], (N, D), dtype=jnp.float32)
    x = jax.random.normal(ks[1], (N, 3), dtype=jnp.float32)
    edge_index = jax.random.randint(ks[2], (2, E), 0, N, dtype=jnp.int32)
    edge_dist = jax.random.uniform(ks[3], (E,), dtype=jnp.float32)
    # edge_mlp: Linear(1, ED) -> SiLU -> Linear(ED, ED)
    W1e = _lin(ks[4], 1, (1, ED)); b1e = _lin(ks[5], 1, (ED,))
    W2e = _lin(ks[6], ED, (ED, ED)); b2e = _lin(ks[7], ED, (ED,))
    # node_mlp: Linear(2D+ED, H) -> SiLU -> Linear(H, D)
    fin = 2 * D + ED
    W1n = _lin(ks[8], fin, (fin, H)); b1n = _lin(ks[9], fin, (H,))
    W2n = _lin(ks[10], H, (H, D)); b2n = _lin(ks[11], H, (D,))
    # coord_mlp: Linear(2D+ED, H) -> SiLU -> Linear(H, 1, bias=False)
    W1c = _lin(ks[12], fin, (fin, H)); b1c = _lin(ks[13], fin, (H,))
    W2c = _lin(ks[14], H, (H, 1))
    return {"h": h, "x": x, "edge_index": edge_index, "edge_dist": edge_dist,
            "W1e": W1e, "b1e": b1e, "W2e": W2e, "b2e": b2e,
            "W1n": W1n, "b1n": b1n, "W2n": W2n, "b2n": b2n,
            "W1c": W1c, "b1c": b1c, "W2c": W2c}


def reference(h, x, edge_index, edge_dist, W1e, b1e, W2e, b2e, W1n, b1n, W2n, b2n, W1c, b1c, W2c):
    src = edge_index[0]
    dst = edge_index[1]
    edge_attr = jax.nn.silu(edge_dist[:, None] @ W1e + b1e) @ W2e + b2e
    m_input = jnp.concatenate([h[src], h[dst], edge_attr], axis=-1)
    m = jax.nn.silu(m_input @ W1n + b1n) @ W2n + b2n
    h_agg = jnp.zeros_like(h).at[dst].add(m)
    coord_weight = jax.nn.silu(m_input @ W1c + b1c) @ W2c
    dir_vec = x[src] - x[dst]
    coord_update = coord_weight * dir_vec
    x_agg = jnp.zeros_like(x).at[dst].add(coord_update)
    return (h + h_agg, x + x_agg)

if __name__ == "__main__":
    import jax
    _d = setup_inputs()
    print(jax.jit(kernel)(*tuple(_d.values())))

</pallas_src>

<mosaic_0001>
#map = affine_map<(d0, d1) -> (0, 0)>
#map1 = affine_map<(d0, d1) -> (0)>
#map2 = affine_map<(d0, d1) -> (0, 0, 0)>
module attributes {stable_mosaic.version = 14 : i64} {
  func.func @_scatter_m_k(%arg0: i32, %arg1: i32, %arg2: memref<321536x128xf32, #tpu.memory_space<hbm>>, %arg3: memref<320000xi32, #tpu.memory_space<hbm>>, %arg4: memref<10000x128xf32, #tpu.memory_space<hbm>>, %arg5: memref<2x10000x128xf32, #tpu.memory_space<hbm>>, %arg6: memref<80xi32, #tpu.memory_space<vmem>>, %arg7: memref<80x128xf32, #tpu.memory_space<vmem>>, %arg8: memref<10000x128xf32, #tpu.memory_space<vmem_shared>>) attributes {dimension_semantics = [#tpu.dimension_semantics<core_parallel>, #tpu.dimension_semantics<subcore_parallel>], iteration_bounds = array<i64: 2, 16>, scalar_prefetch = 0 : i64, scratch_operands = 3 : i64, tpu.core_type = #tpu.core_type<sc_vector_subcore>, window_params = [{transform_indices = #map}, {transform_indices = #map1}, {transform_indices = #map}, {transform_indices = #map2}]} {
    %mul3A = arith.constant 2 : i32
    %mul3A_0 = arith.muli %arg1, %mul3A : i32
    %add3A = arith.addi %mul3A_0, %arg0 : i32
    %mul3A_1 = arith.constant 625 : i32
    %mul3A_2 = arith.muli %arg1, %mul3A_1 : i32
    "tpu.region"() ({
      %run_scoped3A = tpu.sem_alloc : memref<!tpu.dma_semaphore, #tpu.memory_space<semaphore_mem>>
      %dma_start3A = arith.constant 0 : i32
      %dma_start3A_11 = tpu.memref_slice %arg8[%mul3A_2, %dma_start3A] : memref<10000x128xf32, #tpu.memory_space<vmem_shared>> -> memref<625x128xf32, #tpu.memory_space<vmem_shared>>
      %dma_start3A_12 = arith.constant 0 : i32
      %dma_start3A_13 = tpu.memref_slice %arg4[%mul3A_2, %dma_start3A_12] : memref<10000x128xf32, #tpu.memory_space<hbm>> -> memref<625x128xf32, #tpu.memory_space<hbm>>
      tpu.enqueue_dma source(%dma_start3A_13 : memref<625x128xf32, #tpu.memory_space<hbm>>) target(%dma_start3A_11 : memref<625x128xf32, #tpu.memory_space<vmem_shared>>) target_semaphore(%run_scoped3A : memref<!tpu.dma_semaphore, #tpu.memory_space<semaphore_mem>>)
      %dma_wait3A = arith.constant 0 : i32
      %dma_wait3A_14 = tpu.memref_slice %arg8[%mul3A_2, %dma_wait3A] : memref<10000x128xf32, #tpu.memory_space<vmem_shared>> -> memref<625x128xf32, #tpu.memory_space<vmem_shared>>
      %dma_wait3A_15 = arith.constant 0 : i32
      %dma_wait3A_16 = tpu.memref_slice %arg4[%mul3A_2, %dma_wait3A_15] : memref<10000x128xf32, #tpu.memory_space<hbm>> -> memref<625x128xf32, #tpu.memory_space<hbm>>
      tpu.wait_dma2 semaphore(%run_scoped3A : memref<!tpu.dma_semaphore, #tpu.memory_space<semaphore_mem>>) src(%dma_wait3A_16 : memref<625x128xf32, #tpu.memory_space<hbm>>) dst(%dma_wait3A_14 : memref<625x128xf32, #tpu.memory_space<vmem_shared>>)
      tpu.yield
    }) : () -> ()
    %barrier3A = arith.constant 0 : index
    tpu.barrier barrier_id(%barrier3A)
    %mul3A_3 = arith.constant 10000 : i32
    %mul3A_4 = arith.muli %add3A, %mul3A_3 : i32
    %scan3A = arith.constant 0 : i32
    %scan3A_5 = arith.constant 0 : i32
    %scan3A_6 = arith.constant 125 : i32
    %scan3A_7 = arith.addi %scan3A_5, %scan3A_6 : i32
    %scan3A_8 = arith.constant 1 : i32
    scf.for %scan3A_11 = %scan3A_5 to %scan3A_7 step %scan3A_8  : i32 {
      %mul3A_12 = arith.constant 80 : i32
      %mul3A_13 = arith.muli %scan3A_11, %mul3A_12 : i32
      %add3A_14 = arith.addi %mul3A_4, %mul3A_13 : i32
      "tpu.region"() ({
        %run_scoped3A = tpu.sem_alloc : memref<!tpu.dma_semaphore, #tpu.memory_space<semaphore_mem>>
        %dma_start3A = tpu.memref_slice %arg3[%add3A_14] : memref<320000xi32, #tpu.memory_space<hbm>> -> memref<80xi32, #tpu.memory_space<hbm>>
        %dma_start3A_15 = tpu.memref_slice %arg3[%add3A_14] : memref<320000xi32, #tpu.memory_space<hbm>> -> memref<80xi32, #tpu.memory_space<hbm>>
        tpu.enqueue_dma source(%dma_start3A_15 : memref<80xi32, #tpu.memory_space<hbm>>) target(%arg6 : memref<80xi32, #tpu.memory_space<vmem>>) target_semaphore(%run_scoped3A : memref<!tpu.dma_semaphore, #tpu.memory_space<semaphore_mem>>)
        %dma_wait3A = tpu.memref_slice %arg3[%add3A_14] : memref<320000xi32, #tpu.memory_space<hbm>> -> memref<80xi32, #tpu.memory_space<hbm>>
        %dma_wait3A_16 = tpu.memref_slice %arg3[%add3A_14] : memref<320000xi32, #tpu.memory_space<hbm>> -> memref<80xi32, #tpu.memory_space<hbm>>
        tpu.wait_dma2 semaphore(%run_scoped3A : memref<!tpu.dma_semaphore, #tpu.memory_space<semaphore_mem>>) src(%dma_wait3A_16 : memref<80xi32, #tpu.memory_space<hbm>>) dst(%arg6 : memref<80xi32, #tpu.memory_space<vmem>>)
        tpu.yield
      }) : () -> ()
      "tpu.region"() ({
        %run_scoped3A = tpu.sem_alloc : memref<!tpu.dma_semaphore, #tpu.memory_space<semaphore_mem>>
        %dma_start3A = arith.constant 0 : i32
        %dma_start3A_15 = tpu.memref_slice %arg2[%add3A_14, %dma_start3A] : memref<321536x128xf32, #tpu.memory_space<hbm>> -> memref<80x128xf32, #tpu.memory_space<hbm>>
        %dma_start3A_16 = arith.constant 0 : i32
        %dma_start3A_17 = tpu.memref_slice %arg2[%add3A_14, %dma_start3A_16] : memref<321536x128xf32, #tpu.memory_space<hbm>> -> memref<80x128xf32, #tpu.memory_space<hbm>>
        tpu.enqueue_dma source(%dma_start3A_17 : memref<80x128xf32, #tpu.memory_space<hbm>>) target(%arg7 : memref<80x128xf32, #tpu.memory_space<vmem>>) target_semaphore(%run_scoped3A : memref<!tpu.dma_semaphore, #tpu.memory_space<semaphore_mem>>)
        %dma_wait3A = arith.constant 0 : i32
        %dma_wait3A_18 = tpu.memref_slice %arg2[%add3A_14, %dma_wait3A] : memref<321536x128xf32, #tpu.memory_space<hbm>> -> memref<80x128xf32, #tpu.memory_space<hbm>>
        %dma_wait3A_19 = arith.constant 0 : i32
        %dma_wait3A_20 = tpu.memref_slice %arg2[%add3A_14, %dma_wait3A_19] : memref<321536x128xf32, #tpu.memory_space<hbm>> -> memref<80x128xf32, #tpu.memory_space<hbm>>
        tpu.wait_dma2 semaphore(%run_scoped3A : memref<!tpu.dma_semaphore, #tpu.memory_space<semaphore_mem>>) src(%dma_wait3A_20 : memref<80x128xf32, #tpu.memory_space<hbm>>) dst(%arg7 : memref<80x128xf32, #tpu.memory_space<vmem>>)
        tpu.yield
      }) : () -> ()
      "tpu.region"() ({
        %run_scoped3A = tpu.sem_alloc : memref<!tpu.dma_semaphore, #tpu.memory_space<semaphore_mem>>
        %dma_start3A = arith.constant 0 : i32
        %dma_start3A_15 = arith.constant 0 : i32
        %dma_start3A_16 = tpu.memref_slice %arg8[%dma_start3A, %dma_start3A_15] : memref<10000x128xf32, #tpu.memory_space<vmem_shared>> -> memref<10000x128xf32, #tpu.memory_space<vmem_shared>>
        tpu.enqueue_indirect_dma source(%arg7 : memref<80x128xf32, #tpu.memory_space<vmem>>) target(%dma_start3A_16 : memref<10000x128xf32, #tpu.memory_space<vmem_shared>>) offsets(%arg6 : memref<80xi32, #tpu.memory_space<vmem>>) semaphore(%run_scoped3A : memref<!tpu.dma_semaphore, #tpu.memory_space<semaphore_mem>>) {add = true}
        %dma_wait3A = arith.constant 0 : i32
        %dma_wait3A_17 = arith.constant 0 : i32
        %dma_wait3A_18 = tpu.memref_slice %arg8[%dma_wait3A, %dma_wait3A_17] : memref<10000x128xf32, #tpu.memory_space<vmem_shared>> -> memref<10000x128xf32, #tpu.memory_space<vmem_shared>>
        tpu.wait_indirect_dma semaphore(%run_scoped3A : memref<!tpu.dma_semaphore, #tpu.memory_space<semaphore_mem>>) src(%arg7 : memref<80x128xf32, #tpu.memory_space<vmem>>) dst(%dma_wait3A_18 : memref<10000x128xf32, #tpu.memory_space<vmem_shared>>)
        tpu.yield
      }) : () -> ()
    }
    %scan3A_9 = arith.constant 125 : i32
    %barrier3A_10 = arith.constant 0 : index
    tpu.barrier barrier_id(%barrier3A_10)
    "tpu.region"() ({
      %run_scoped3A = tpu.sem_alloc : memref<!tpu.dma_semaphore, #tpu.memory_space<semaphore_mem>>
      %dma_start3A = arith.constant 0 : i32
      %dma_start3A_11 = tpu.memref_slice %arg5[%arg0, %mul3A_2, %dma_start3A] : memref<2x10000x128xf32, #tpu.memory_space<hbm>> -> memref<1x625x128xf32, #tpu.memory_space<hbm>>
      %dma_start3A_12 = tpu.memref_squeeze %dma_start3A_11 : memref<1x625x128xf32, #tpu.memory_space<hbm>> -> memref<625x128xf32, #tpu.memory_space<hbm>>
      %dma_start3A_13 = arith.constant 0 : i32
      %dma_start3A_14 = tpu.memref_slice %arg8[%mul3A_2, %dma_start3A_13] : memref<10000x128xf32, #tpu.memory_space<vmem_shared>> -> memref<625x128xf32, #tpu.memory_space<vmem_shared>>
      tpu.enqueue_dma source(%dma_start3A_14 : memref<625x128xf32, #tpu.memory_space<vmem_shared>>) target(%dma_start3A_12 : memref<625x128xf32, #tpu.memory_space<hbm>>) target_semaphore(%run_scoped3A : memref<!tpu.dma_semaphore, #tpu.memory_space<semaphore_mem>>)
      %dma_wait3A = arith.constant 0 : i32
      %dma_wait3A_15 = tpu.memref_slice %arg5[%arg0, %mul3A_2, %dma_wait3A] : memref<2x10000x128xf32, #tpu.memory_space<hbm>> -> memref<1x625x128xf32, #tpu.memory_space<hbm>>
      %dma_wait3A_16 = tpu.memref_squeeze %dma_wait3A_15 : memref<1x625x128xf32, #tpu.memory_space<hbm>> -> memref<625x128xf32, #tpu.memory_space<hbm>>
      %dma_wait3A_17 = arith.constant 0 : i32
      %dma_wait3A_18 = tpu.memref_slice %arg8[%mul3A_2, %dma_wait3A_17] : memref<10000x128xf32, #tpu.memory_space<vmem_shared>> -> memref<625x128xf32, #tpu.memory_space<vmem_shared>>
      tpu.wait_dma2 semaphore(%run_scoped3A : memref<!tpu.dma_semaphore, #tpu.memory_space<semaphore_mem>>) src(%dma_wait3A_18 : memref<625x128xf32, #tpu.memory_space<vmem_shared>>) dst(%dma_wait3A_16 : memref<625x128xf32, #tpu.memory_space<hbm>>)
      tpu.yield
    }) : () -> ()
    return
  }
}

#map = affine_map<(d0, d1) -> (0, 0)>
#map1 = affine_map<(d0, d1) -> (0)>
module attributes {stable_mosaic.version = 14 : i64} {
  func.func @_gather_k(%arg0: i32, %arg1: i32, %arg2: memref<10000x128xf32, #tpu.memory_space<hbm>>, %arg3: memref<320000xi32, #tpu.memory_space<hbm>>, %arg4: memref<320000xi32, #tpu.memory_space<hbm>>, %arg5: memref<321536x128xf32, #tpu.memory_space<hbm>>, %arg6: memref<321536x128xf32, #tpu.memory_space<hbm>>, %arg7: memref<200xi32, #tpu.memory_space<vmem>>, %arg8: memref<200xi32, #tpu.memory_space<vmem>>, %arg9: memref<200x128xf32, #tpu.memory_space<vmem>>, %arg10: memref<200x128xf32, #tpu.memory_space<vmem>>, %arg11: memref<!tpu.dma_semaphore, #tpu.memory_space<semaphore_mem>>, %arg12: memref<!tpu.dma_semaphore, #tpu.memory_space<semaphore_mem>>) attributes {dimension_semantics = [#tpu.dimension_semantics<core_parallel>, #tpu.dimension_semantics<subcore_parallel>], iteration_bounds = array<i64: 2, 16>, scalar_prefetch = 0 : i64, scratch_operands = 6 : i64, tpu.core_type = #tpu.core_type<sc_vector_subcore>, window_params = [{transform_indices = #map}, {transform_indices = #map1}, {transform_indices = #map1}, {transform_indices = #map}, {transform_indices = #map}]} {
    %mul3A = arith.constant 2 : i32
    %mul3A_0 = arith.muli %arg1, %mul3A : i32
    %add3A = arith.addi %mul3A_0, %arg0 : i32
    %mul3A_1 = arith.constant 10000 : i32
    %mul3A_2 = arith.muli %add3A, %mul3A_1 : i32
    %scan3A = arith.constant 0 : i32
    %scan3A_3 = arith.constant 0 : i32
    %scan3A_4 = arith.constant 50 : i32
    %scan3A_5 = arith.addi %scan3A_3, %scan3A_4 : i32
    %scan3A_6 = arith.constant 1 : i32
    scf.for %scan3A_8 = %scan3A_3 to %scan3A_5 step %scan3A_6  : i32 {
      %mul3A_9 = arith.constant 200 : i32
      %mul3A_10 = arith.muli %scan3A_8, %mul3A_9 : i32
      %add3A_11 = arith.addi %mul3A_2, %mul3A_10 : i32
      "tpu.region"() ({
        %run_scoped3A = tpu.sem_alloc : memref<!tpu.dma_semaphore, #tpu.memory_space<semaphore_mem>>
        %dma_start3A_74 = tpu.memref_slice %arg3[%add3A_11] : memref<320000xi32, #tpu.memory_space<hbm>> -> memref<200xi32, #tpu.memory_space<hbm>>
        %dma_start3A_75 = tpu.memref_slice %arg3[%add3A_11] : memref<320000xi32, #tpu.memory_space<hbm>> -> memref<200xi32, #tpu.memory_space<hbm>>
        tpu.enqueue_dma source(%dma_start3A_75 : memref<200xi32, #tpu.memory_space<hbm>>) target(%arg7 : memref<200xi32, #tpu.memory_space<vmem>>) target_semaphore(%run_scoped3A : memref<!tpu.dma_semaphore, #tpu.memory_space<semaphore_mem>>)
        %dma_wait3A_76 = tpu.memref_slice %arg3[%add3A_11] : memref<320000xi32, #tpu.memory_space<hbm>> -> memref<200xi32, #tpu.memory_space<hbm>>
        %dma_wait3A_77 = tpu.memref_slice %arg3[%add3A_11] : memref<320000xi32, #tpu.memory_space<hbm>> -> memref<200xi32, #tpu.memory_space<hbm>>
        tpu.wait_dma2 semaphore(%run_scoped3A : memref<!tpu.dma_semaphore, #tpu.memory_space<semaphore_mem>>) src(%dma_wait3A_77 : memref<200xi32, #tpu.memory_space<hbm>>) dst(%arg7 : memref<200xi32, #tpu.memory_space<vmem>>)
        tpu.yield
      }) : () -> ()
      "tpu.region"() ({
        %run_scoped3A = tpu.sem_alloc : memref<!tpu.dma_semaphore, #tpu.memory_space<semaphore_mem>>
        %dma_start3A_74 = tpu.memref_slice %arg4[%add3A_11] : memref<320000xi32, #tpu.memory_space<hbm>> -> memref<200xi32, #tpu.memory_space<hbm>>
        %dma_start3A_75 = tpu.memref_slice %arg4[%add3A_11] : memref<320000xi32, #tpu.memory_space<hbm>> -> memref<200xi32, #tpu.memory_space<hbm>>
        tpu.enqueue_dma source(%dma_start3A_75 : memref<200xi32, #tpu.memory_space<hbm>>) target(%arg8 : memref<200xi32, #tpu.memory_space<vmem>>) target_semaphore(%run_scoped3A : memref<!tpu.dma_semaphore, #tpu.memory_space<semaphore_mem>>)
        %dma_wait3A_76 = tpu.memref_slice %arg4[%add3A_11] : memref<320000xi32, #tpu.memory_space<hbm>> -> memref<200xi32, #tpu.memory_space<hbm>>
        %dma_wait3A_77 = tpu.memref_slice %arg4[%add3A_11] : memref<320000xi32, #tpu.memory_space<hbm>> -> memref<200xi32, #tpu.memory_space<hbm>>
        tpu.wait_dma2 semaphore(%run_scoped3A : memref<!tpu.dma_semaphore, #tpu.memory_space<semaphore_mem>>) src(%dma_wait3A_77 : memref<200xi32, #tpu.memory_space<hbm>>) dst(%arg8 : memref<200xi32, #tpu.memory_space<vmem>>)
        tpu.yield
      }) : () -> ()
      %dma_start3A = arith.constant 0 : i32
      %dma_start3A_12 = arith.constant 0 : i32
      %dma_start3A_13 = tpu.memref_slice %arg9[%dma_start3A, %dma_start3A_12] : memref<200x128xf32, #tpu.memory_space<vmem>> -> memref<128x128xf32, #tpu.memory_space<vmem>>
      %dma_start3A_14 = arith.constant 0 : i32
      %dma_start3A_15 = tpu.memref_slice %arg7[%dma_start3A_14] : memref<200xi32, #tpu.memory_space<vmem>> -> memref<128xi32, #tpu.memory_space<vmem>>
      %dma_start3A_16 = arith.constant 0 : i32
      %dma_start3A_17 = arith.constant 0 : i32
      %dma_start3A_18 = tpu.memref_slice %arg2[%dma_start3A_16, %dma_start3A_17] : memref<10000x128xf32, #tpu.memory_space<hbm>> -> memref<10000x128xf32, #tpu.memory_space<hbm>>
      tpu.enqueue_indirect_dma source(%dma_start3A_18 : memref<10000x128xf32, #tpu.memory_space<hbm>>) target(%dma_start3A_13 : memref<128x128xf32, #tpu.memory_space<vmem>>) offsets(%dma_start3A_15 : memref<128xi32, #tpu.memory_space<vmem>>) semaphore(%arg11 : memref<!tpu.dma_semaphore, #tpu.memory_space<semaphore_mem>>)
      %dma_start3A_19 = arith.constant 128 : i32
      %dma_start3A_20 = arith.constant 0 : i32
      %dma_start3A_21 = tpu.memref_slice %arg9[%dma_start3A_19, %dma_start3A_20] : memref<200x128xf32, #tpu.memory_space<vmem>> -> memref<72x128xf32, #tpu.memory_space<vmem>>
      %dma_start3A_22 = arith.constant 128 : i32
      %dma_start3A_23 = tpu.memref_slice %arg7[%dma_start3A_22] : memref<200xi32, #tpu.memory_space<vmem>> -> memref<72xi32, #tpu.memory_space<vmem>>
      %dma_start3A_24 = arith.constant 0 : i32
      %dma_start3A_25 = arith.constant 0 : i32
      %dma_start3A_26 = tpu.memref_slice %arg2[%dma_start3A_24, %dma_start3A_25] : memref<10000x128xf32, #tpu.memory_space<hbm>> -> memref<10000x128xf32, #tpu.memory_space<hbm>>
      tpu.enqueue_indirect_dma source(%dma_start3A_26 : memref<10000x128xf32, #tpu.memory_space<hbm>>) target(%dma_start3A_21 : memref<72x128xf32, #tpu.memory_space<vmem>>) offsets(%dma_start3A_23 : memref<72xi32, #tpu.memory_space<vmem>>) semaphore(%arg11 : memref<!tpu.dma_semaphore, #tpu.memory_space<semaphore_mem>>)
      %dma_start3A_27 = arith.constant 0 : i32
      %dma_start3A_28 = arith.constant 0 : i32
      %dma_start3A_29 = tpu.memref_slice %arg10[%dma_start3A_27, %dma_start3A_28] : memref<200x128xf32, #tpu.memory_space<vmem>> -> memref<128x128xf32, #tpu.memory_space<vmem>>
      %dma_start3A_30 = arith.constant 0 : i32
      %dma_start3A_31 = tpu.memref_slice %arg8[%dma_start3A_30] : memref<200xi32, #tpu.memory_space<vmem>> -> memref<128xi32, #tpu.memory_space<vmem>>
      %dma_start3A_32 = arith.constant 0 : i32
      %dma_start3A_33 = arith.constant 0 : i32
      %dma_start3A_34 = tpu.memref_slice %arg2[%dma_start3A_32, %dma_start3A_33] : memref<10000x128xf32, #tpu.memory_space<hbm>> -> memref<10000x128xf32, #tpu.memory_space<hbm>>
      tpu.enqueue_indirect_dma source(%dma_start3A_34 : memref<10000x128xf32, #tpu.memory_space<hbm>>) target(%dma_start3A_29 : memref<128x128xf32, #tpu.memory_space<vmem>>) offsets(%dma_start3A_31 : memref<128xi32, #tpu.memory_space<vmem>>) semaphore(%arg12 : memref<!tpu.dma_semaphore, #tpu.memory_space<semaphore_mem>>)
      %dma_start3A_35 = arith.constant 128 : i32
      %dma_start3A_36 = arith.constant 0 : i32
      %dma_start3A_37 = tpu.memref_slice %arg10[%dma_start3A_35, %dma_start3A_36] : memref<200x128xf32, #tpu.memory_space<vmem>> -> memref<72x128xf32, #tpu.memory_space<vmem>>
      %dma_start3A_38 = arith.constant 128 : i32
      %dma_start3A_39 = tpu.memref_slice %arg8[%dma_start3A_38] : memref<200xi32, #tpu.memory_space<vmem>> -> memref<72xi32, #tpu.memory_space<vmem>>
      %dma_start3A_40 = arith.constant 0 : i32
      %dma_start3A_41 = arith.constant 0 : i32
      %dma_start3A_42 = tpu.memref_slice %arg2[%dma_start3A_40, %dma_start3A_41] : memref<10000x128xf32, #tpu.memory_space<hbm>> -> memref<10000x128xf32, #tpu.memory_space<hbm>>
      tpu.enqueue_indirect_dma source(%dma_start3A_42 : memref<10000x128xf32, #tpu.memory_space<hbm>>) target(%dma_start3A_37 : memref<72x128xf32, #tpu.memory_space<vmem>>) offsets(%dma_start3A_39 : memref<72xi32, #tpu.memory_space<vmem>>) semaphore(%arg12 : memref<!tpu.dma_semaphore, #tpu.memory_space<semaphore_mem>>)
      %dma_wait3A = arith.constant 0 : i32
      %dma_wait3A_43 = arith.constant 0 : i32
      %dma_wait3A_44 = tpu.memref_slice %arg9[%dma_wait3A, %dma_wait3A_43] : memref<200x128xf32, #tpu.memory_space<vmem>> -> memref<128x128xf32, #tpu.memory_space<vmem>>
      %dma_wait3A_45 = arith.constant 0 : i32
      %dma_wait3A_46 = tpu.memref_slice %arg7[%dma_wait3A_45] : memref<200xi32, #tpu.memory_space<vmem>> -> memref<128xi32, #tpu.memory_space<vmem>>
      %dma_wait3A_47 = arith.constant 0 : i32
      %dma_wait3A_48 = arith.constant 0 : i32
      %dma_wait3A_49 = tpu.memref_slice %arg2[%dma_wait3A_47, %dma_wait3A_48] : memref<10000x128xf32, #tpu.memory_space<hbm>> -> memref<10000x128xf32, #tpu.memory_space<hbm>>
      tpu.wait_indirect_dma semaphore(%arg11 : memref<!tpu.dma_semaphore, #tpu.memory_space<semaphore_mem>>) src(%dma_wait3A_49 : memref<10000x128xf32, #tpu.memory_space<hbm>>) dst(%dma_wait3A_44 : memref<128x128xf32, #tpu.memory_space<vmem>>)
      %dma_wait3A_50 = arith.constant 128 : i32
      %dma_wait3A_51 = arith.constant 0 : i32
      %dma_wait3A_52 = tpu.memref_slice %arg9[%dma_wait3A_50, %dma_wait3A_51] : memref<200x128xf32, #tpu.memory_space<vmem>> -> memref<72x128xf32, #tpu.memory_space<vmem>>
      %dma_wait3A_53 = arith.constant 128 : i32
      %dma_wait3A_54 = tpu.memref_slice %arg7[%dma_wait3A_53] : memref<200xi32, #tpu.memory_space<vmem>> -> memref<72xi32, #tpu.memory_space<vmem>>
      %dma_wait3A_55 = arith.constant 0 : i32
      %dma_wait3A_56 = arith.constant 0 : i32
      %dma_wait3A_57 = tpu.memref_slice %arg2[%dma_wait3A_55, %dma_wait3A_56] : memref<10000x128xf32, #tpu.memory_space<hbm>> -> memref<10000x128xf32, #tpu.memory_space<hbm>>
      tpu.wait_indirect_dma semaphore(%arg11 : memref<!tpu.dma_semaphore, #tpu.memory_space<semaphore_mem>>) src(%dma_wait3A_57 : memref<10000x128xf32, #tpu.memory_space<hbm>>) dst(%dma_wait3A_52 : memref<72x128xf32, #tpu.memory_space<vmem>>)
      "tpu.region"() ({
        %run_scoped3A = tpu.sem_alloc : memref<!tpu.dma_semaphore, #tpu.memory_space<semaphore_mem>>
        %dma_start3A_74 = arith.constant 0 : i32
        %dma_start3A_75 = tpu.memref_slice %arg5[%add3A_11, %dma_start3A_74] : memref<321536x128xf32, #tpu.memory_space<hbm>> -> memref<200x128xf32, #tpu.memory_space<hbm>>
        %dma_start3A_76 = arith.constant 0 : i32
        %dma_start3A_77 = tpu.memref_slice %arg5[%add3A_11, %dma_start3A_76] : memref<321536x128xf32, #tpu.memory_space<hbm>> -> memref<200x128xf32, #tpu.memory_space<hbm>>
        tpu.enqueue_dma source(%arg9 : memref<200x128xf32, #tpu.memory_space<vmem>>) target(%dma_start3A_77 : memref<200x128xf32, #tpu.memory_space<hbm>>) target_semaphore(%run_scoped3A : memref<!tpu.dma_semaphore, #tpu.memory_space<semaphore_mem>>)
        %dma_wait3A_78 = arith.constant 0 : i32
        %dma_wait3A_79 = tpu.memref_slice %arg5[%add3A_11, %dma_wait3A_78] : memref<321536x128xf32, #tpu.memory_space<hbm>> -> memref<200x128xf32, #tpu.memory_space<hbm>>
        %dma_wait3A_80 = arith.constant 0 : i32
        %dma_wait3A_81 = tpu.memref_slice %arg5[%add3A_11, %dma_wait3A_80] : memref<321536x128xf32, #tpu.memory_space<hbm>> -> memref<200x128xf32, #tpu.memory_space<hbm>>
        tpu.wait_dma2 semaphore(%run_scoped3A : memref<!tpu.dma_semaphore, #tpu.memory_space<semaphore_mem>>) src(%arg9 : memref<200x128xf32, #tpu.memory_space<vmem>>) dst(%dma_wait3A_81 : memref<200x128xf32, #tpu.memory_space<hbm>>)
        tpu.yield
      }) : () -> ()
      %dma_wait3A_58 = arith.constant 0 : i32
      %dma_wait3A_59 = arith.constant 0 : i32
      %dma_wait3A_60 = tpu.memref_slice %arg10[%dma_wait3A_58, %dma_wait3A_59] : memref<200x128xf32, #tpu.memory_space<vmem>> -> memref<128x128xf32, #tpu.memory_space<vmem>>
      %dma_wait3A_61 = arith.constant 0 : i32
      %dma_wait3A_62 = tpu.memref_slice %arg8[%dma_wait3A_61] : memref<200xi32, #tpu.memory_space<vmem>> -> memref<128xi32, #tpu.memory_space<vmem>>
      %dma_wait3A_63 = arith.constant 0 : i32
      %dma_wait3A_64 = arith.constant 0 : i32
      %dma_wait3A_65 = tpu.memref_slice %arg2[%dma_wait3A_63, %dma_wait3A_64] : memref<10000x128xf32, #tpu.memory_space<hbm>> -> memref<10000x128xf32, #tpu.memory_space<hbm>>
      tpu.wait_indirect_dma semaphore(%arg12 : memref<!tpu.dma_semaphore, #tpu.memory_space<semaphore_mem>>) src(%dma_wait3A_65 : memref<10000x128xf32, #tpu.memory_space<hbm>>) dst(%dma_wait3A_60 : memref<128x128xf32, #tpu.memory_space<vmem>>)
      %dma_wait3A_66 = arith.constant 128 : i32
      %dma_wait3A_67 = arith.constant 0 : i32
      %dma_wait3A_68 = tpu.memref_slice %arg10[%dma_wait3A_66, %dma_wait3A_67] : memref<200x128xf32, #tpu.memory_space<vmem>> -> memref<72x128xf32, #tpu.memory_space<vmem>>
      %dma_wait3A_69 = arith.constant 128 : i32
      %dma_wait3A_70 = tpu.memref_slice %arg8[%dma_wait3A_69] : memref<200xi32, #tpu.memory_space<vmem>> -> memref<72xi32, #tpu.memory_space<vmem>>
      %dma_wait3A_71 = arith.constant 0 : i32
      %dma_wait3A_72 = arith.constant 0 : i32
      %dma_wait3A_73 = tpu.memref_slice %arg2[%dma_wait3A_71, %dma_wait3A_72] : memref<10000x128xf32, #tpu.memory_space<hbm>> -> memref<10000x128xf32, #tpu.memory_space<hbm>>
      tpu.wait_indirect_dma semaphore(%arg12 : memref<!tpu.dma_semaphore, #tpu.memory_space<semaphore_mem>>) src(%dma_wait3A_73 : memref<10000x128xf32, #tpu.memory_space<hbm>>) dst(%dma_wait3A_68 : memref<72x128xf32, #tpu.memory_space<vmem>>)
      "tpu.region"() ({
        %run_scoped3A = tpu.sem_alloc : memref<!tpu.dma_semaphore, #tpu.memory_space<semaphore_mem>>
        %dma_start3A_74 = arith.constant 0 : i32
        %dma_start3A_75 = tpu.memref_slice %arg6[%add3A_11, %dma_start3A_74] : memref<321536x128xf32, #tpu.memory_space<hbm>> -> memref<200x128xf32, #tpu.memory_space<hbm>>
        %dma_start3A_76 = arith.constant 0 : i32
        %dma_start3A_77 = tpu.memref_slice %arg6[%add3A_11, %dma_start3A_76] : memref<321536x128xf32, #tpu.memory_space<hbm>> -> memref<200x128xf32, #tpu.memory_space<hbm>>
        tpu.enqueue_dma source(%arg10 : memref<200x128xf32, #tpu.memory_space<vmem>>) target(%dma_start3A_77 : memref<200x128xf32, #tpu.memory_space<hbm>>) target_semaphore(%run_scoped3A : memref<!tpu.dma_semaphore, #tpu.memory_space<semaphore_mem>>)
        %dma_wait3A_78 = arith.constant 0 : i32
        %dma_wait3A_79 = tpu.memref_slice %arg6[%add3A_11, %dma_wait3A_78] : memref<321536x128xf32, #tpu.memory_space<hbm>> -> memref<200x128xf32, #tpu.memory_space<hbm>>
        %dma_wait3A_80 = arith.constant 0 : i32
        %dma_wait3A_81 = tpu.memref_slice %arg6[%add3A_11, %dma_wait3A_80] : memref<321536x128xf32, #tpu.memory_space<hbm>> -> memref<200x128xf32, #tpu.memory_space<hbm>>
        tpu.wait_dma2 semaphore(%run_scoped3A : memref<!tpu.dma_semaphore, #tpu.memory_space<semaphore_mem>>) src(%arg10 : memref<200x128xf32, #tpu.memory_space<vmem>>) dst(%dma_wait3A_81 : memref<200x128xf32, #tpu.memory_space<hbm>>)
        tpu.yield
      }) : () -> ()
    }
    %scan3A_7 = arith.constant 50 : i32
    return
  }
}

#map = affine_map<(d0, d1) -> (0)>
#map1 = affine_map<(d0, d1) -> (0, 0)>
module attributes {stable_mosaic.version = 14 : i64} {
  func.func @_scatter_x_k(%arg0: i32, %arg1: i32, %arg2: memref<321536xf32, #tpu.memory_space<hbm>>, %arg3: memref<320000xi32, #tpu.memory_space<hbm>>, %arg4: memref<320000xi32, #tpu.memory_space<hbm>>, %arg5: memref<40000xf32, #tpu.memory_space<hbm>>, %arg6: memref<40000xf32, #tpu.memory_space<hbm>>, %arg7: memref<32x40000xf32, #tpu.memory_space<hbm>>, %arg8: memref<400xi32, #tpu.memory_space<vmem>>, %arg9: memref<400xi32, #tpu.memory_space<vmem>>, %arg10: memref<400xf32, #tpu.memory_space<vmem>>, %arg11: memref<40000xf32, #tpu.memory_space<vmem>>, %arg12: memref<40000xf32, #tpu.memory_space<vmem>>) attributes {dimension_semantics = [#tpu.dimension_semantics<core_parallel>, #tpu.dimension_semantics<subcore_parallel>], iteration_bounds = array<i64: 2, 16>, scalar_prefetch = 0 : i64, scratch_operands = 5 : i64, tpu.core_type = #tpu.core_type<sc_vector_subcore>, window_params = [{transform_indices = #map}, {transform_indices = #map}, {transform_indices = #map}, {transform_indices = #map}, {transform_indices = #map}, {transform_indices = #map1}]} {
    %mul3A = arith.constant 2 : i32
    %mul3A_0 = arith.muli %arg1, %mul3A : i32
    %add3A = arith.addi %mul3A_0, %arg0 : i32
    "tpu.region"() ({
      %run_scoped3A = tpu.sem_alloc : memref<!tpu.dma_semaphore, #tpu.memory_space<semaphore_mem>>
      tpu.enqueue_dma source(%arg5 : memref<40000xf32, #tpu.memory_space<hbm>>) target(%arg11 : memref<40000xf32, #tpu.memory_space<vmem>>) target_semaphore(%run_scoped3A : memref<!tpu.dma_semaphore, #tpu.memory_space<semaphore_mem>>)
      tpu.wait_dma2 semaphore(%run_scoped3A : memref<!tpu.dma_semaphore, #tpu.memory_space<semaphore_mem>>) src(%arg5 : memref<40000xf32, #tpu.memory_space<hbm>>) dst(%arg11 : memref<40000xf32, #tpu.memory_space<vmem>>)
      tpu.yield
    }) : () -> ()
    "tpu.region"() ({
      %run_scoped3A = tpu.sem_alloc : memref<!tpu.dma_semaphore, #tpu.memory_space<semaphore_mem>>
      tpu.enqueue_dma source(%arg6 : memref<40000xf32, #tpu.memory_space<hbm>>) target(%arg12 : memref<40000xf32, #tpu.memory_space<vmem>>) target_semaphore(%run_scoped3A : memref<!tpu.dma_semaphore, #tpu.memory_space<semaphore_mem>>)
      tpu.wait_dma2 semaphore(%run_scoped3A : memref<!tpu.dma_semaphore, #tpu.memory_space<semaphore_mem>>) src(%arg6 : memref<40000xf32, #tpu.memory_space<hbm>>) dst(%arg12 : memref<40000xf32, #tpu.memory_space<vmem>>)
      tpu.yield
    }) : () -> ()
    %mul3A_1 = arith.constant 10000 : i32
    %mul3A_2 = arith.muli %add3A, %mul3A_1 : i32
    %iota3A = tpu.iota {dimensions = array<i32: 0>} : vector<16xi32>
    %scan3A = arith.constant 0 : i32
    %scan3A_3 = arith.constant 0 : i32
    %scan3A_4 = arith.constant 25 : i32
    %scan3A_5 = arith.addi %scan3A_3, %scan3A_4 : i32
    %scan3A_6 = arith.constant 1 : i32
    scf.for %scan3A_8 = %scan3A_3 to %scan3A_5 step %scan3A_6  : i32 {
      %mul3A_9 = arith.constant 400 : i32
      %mul3A_10 = arith.muli %scan3A_8, %mul3A_9 : i32
      %add3A_11 = arith.addi %mul3A_2, %mul3A_10 : i32
      "tpu.region"() ({
        %run_scoped3A = tpu.sem_alloc : memref<!tpu.dma_semaphore, #tpu.memory_space<semaphore_mem>>
        %dma_start3A = tpu.memref_slice %arg3[%add3A_11] : memref<320000xi32, #tpu.memory_space<hbm>> -> memref<400xi32, #tpu.memory_space<hbm>>
        %dma_start3A_1284 = tpu.memref_slice %arg3[%add3A_11] : memref<320000xi32, #tpu.memory_space<hbm>> -> memref<400xi32, #tpu.memory_space<hbm>>
        tpu.enqueue_dma source(%dma_start3A_1284 : memref<400xi32, #tpu.memory_space<hbm>>) target(%arg8 : memref<400xi32, #tpu.memory_space<vmem>>) target_semaphore(%run_scoped3A : memref<!tpu.dma_semaphore, #tpu.memory_space<semaphore_mem>>)
        %dma_wait3A = tpu.memref_slice %arg3[%add3A_11] : memref<320000xi32, #tpu.memory_space<hbm>> -> memref<400xi32, #tpu.memory_space<hbm>>
        %dma_wait3A_1285 = tpu.memref_slice %arg3[%add3A_11] : memref<320000xi32, #tpu.memory_space<hbm>> -> memref<400xi32, #tpu.memory_space<hbm>>
        tpu.wait_dma2 semaphore(%run_scoped3A : memref<!tpu.dma_semaphore, #tpu.memory_space<semaphore_mem>>) src(%dma_wait3A_1285 : memref<400xi32, #tpu.memory_space<hbm>>) dst(%arg8 : memref<400xi32, #tpu.memory_space<vmem>>)
        tpu.yield
      }) : () -> ()
      "tpu.region"() ({
        %run_scoped3A = tpu.sem_alloc : memref<!tpu.dma_semaphore, #tpu.memory_space<semaphore_mem>>
        %dma_start3A = tpu.memref_slice %arg4[%add3A_11] : memref<320000xi32, #tpu.memory_space<hbm>> -> memref<400xi32, #tpu.memory_space<hbm>>
        %dma_start3A_1284 = tpu.memref_slice %arg4[%add3A_11] : memref<320000xi32, #tpu.memory_space<hbm>> -> memref<400xi32, #tpu.memory_space<hbm>>
        tpu.enqueue_dma source(%dma_start3A_1284 : memref<400xi32, #tpu.memory_space<hbm>>) target(%arg9 : memref<400xi32, #tpu.memory_space<vmem>>) target_semaphore(%run_scoped3A : memref<!tpu.dma_semaphore, #tpu.memory_space<semaphore_mem>>)
        %dma_wait3A = tpu.memref_slice %arg4[%add3A_11] : memref<320000xi32, #tpu.memory_space<hbm>> -> memref<400xi32, #tpu.memory_space<hbm>>
        %dma_wait3A_1285 = tpu.memref_slice %arg4[%add3A_11] : memref<320000xi32, #tpu.memory_space<hbm>> -> memref<400xi32, #tpu.memory_space<hbm>>
        tpu.wait_dma2 semaphore(%run_scoped3A : memref<!tpu.dma_semaphore, #tpu.memory_space<semaphore_mem>>) src(%dma_wait3A_1285 : memref<400xi32, #tpu.memory_space<hbm>>) dst(%arg9 : memref<400xi32, #tpu.memory_space<vmem>>)
        tpu.yield
      }) : () -> ()
      "tpu.region"() ({
        %run_scoped3A = tpu.sem_alloc : memref<!tpu.dma_semaphore, #tpu.memory_space<semaphore_mem>>
        %dma_start3A = tpu.memref_slice %arg2[%add3A_11] : memref<321536xf32, #tpu.memory_space<hbm>> -> memref<400xf32, #tpu.memory_space<hbm>>
        %dma_start3A_1284 = tpu.memref_slice %arg2[%add3A_11] : memref<321536xf32, #tpu.memory_space<hbm>> -> memref<400xf32, #tpu.memory_space<hbm>>
        tpu.enqueue_dma source(%dma_start3A_1284 : memref<400xf32, #tpu.memory_space<hbm>>) target(%arg10 : memref<400xf32, #tpu.memory_space<vmem>>) target_semaphore(%run_scoped3A : memref<!tpu.dma_semaphore, #tpu.memory_space<semaphore_mem>>)
        %dma_wait3A = tpu.memref_slice %arg2[%add3A_11] : memref<321536xf32, #tpu.memory_space<hbm>> -> memref<400xf32, #tpu.memory_space<hbm>>
        %dma_wait3A_1285 = tpu.memref_slice %arg2[%add3A_11] : memref<321536xf32, #tpu.memory_space<hbm>> -> memref<400xf32, #tpu.memory_space<hbm>>
        tpu.wait_dma2 semaphore(%run_scoped3A : memref<!tpu.dma_semaphore, #tpu.memory_space<semaphore_mem>>) src(%dma_wait3A_1285 : memref<400xf32, #tpu.memory_space<hbm>>) dst(%arg10 : memref<400xf32, #tpu.memory_space<vmem>>)
        tpu.yield
      }) : () -> ()
      %get3A = arith.constant 0 : index
      %get3A_12 = tpu.vector_load %arg8[%get3A] {strides = array<i32>} : memref<400xi32, #tpu.memory_space<vmem>>, vector<16xi32>,
      %mul3A_13 = arith.constant 4 : i32
      %mul3A_14 = vector.broadcast %mul3A_13 : i32 to vector<16xi32>
      %mul3A_15 = arith.muli %get3A_12, %mul3A_14 : vector<16xi32>
      %get3A_16 = arith.constant 0 : index
      %get3A_17 = tpu.vector_load %arg9[%get3A_16] {strides = array<i32>} : memref<400xi32, #tpu.memory_space<vmem>>, vector<16xi32>,
      %mul3A_18 = arith.constant 4 : i32
      %mul3A_19 = vector.broadcast %mul3A_18 : i32 to vector<16xi32>
      %mul3A_20 = arith.muli %get3A_17, %mul3A_19 : vector<16xi32>
      %get3A_21 = arith.constant 0 : index
      %get3A_22 = tpu.vector_load %arg10[%get3A_21] {strides = array<i32>} : memref<400xf32, #tpu.memory_space<vmem>>, vector<16xf32>,
      %add3A_23 = arith.constant 0 : i32
      %add3A_24 = vector.broadcast %add3A_23 : i32 to vector<16xi32>
      %add3A_25 = arith.addi %mul3A_15, %add3A_24 : vector<16xi32>
      %gather3A = tpu.vector_load_idx %arg11[%add3A_25] : memref<40000xf32, #tpu.memory_space<vmem>>[vector<16xi32>], vector<16xf32>,
      %add3A_26 = arith.constant 0 : i32
      %add3A_27 = vector.broadcast %add3A_26 : i32 to vector<16xi32>
      %add3A_28 = arith.addi %mul3A_20, %add3A_27 : vector<16xi32>
      %gather3A_29 = tpu.vector_load_idx %arg11[%add3A_28] : memref<40000xf32, #tpu.memory_space<vmem>>[vector<16xi32>], vector<16xf32>,
      %add3A_30 = arith.constant 0 : i32
      %add3A_31 = vector.broadcast %add3A_30 : i32 to vector<16xi32>
      %add3A_32 = arith.addi %mul3A_20, %add3A_31 : vector<16xi32>
      %sub3A = arith.subf %gather3A, %gather3A_29 : vector<16xf32>
      %mul3A_33 = arith.mulf %get3A_22, %sub3A : vector<16xf32>
      tpu.vector_store_idx %arg12[%add3A_32], %mul3A_33 {add = true} : memref<40000xf32, #tpu.memory_space<vmem>>[vector<16xi32>], vector<16xf32>,
      %add3A_34 = arith.constant 1 : i32
      %add3A_35 = vector.broadcast %add3A_34 : i32 to vector<16xi32>
      %add3A_36 = arith.addi %mul3A_15, %add3A_35 : vector<16xi32>
      %gather3A_37 = tpu.vector_load_idx %arg11[%add3A_36] : memref<40000xf32, #tpu.memory_space<vmem>>[vector<16xi32>], vector<16xf32>,
      %add3A_38 = arith.constant 1 : i32
      %add3A_39 = vector.broadcast %add3A_38 : i32 to vector<16xi32>
      %add3A_40 = arith.addi %mul3A_20, %add3A_39 : vector<16xi32>
      %gather3A_41 = tpu.vector_load_idx %arg11[%add3A_40] : memref<40000xf32, #tpu.memory_space<vmem>>[vector<16xi32>], vector<16xf32>,
      %add3A_42 = arith.constant 1 : i32
      %add3A_43 = vector.broadcast %add3A_42 : i32 to vector<16xi32>
      %add3A_44 = arith.addi %mul3A_20, %add3A_43 : vector<16xi32>
      %sub3A_45 = arith.subf %gather3A_37, %gather3A_41 : vector<16xf32>
      %mul3A_46 = arith.mulf %get3A_22, %sub3A_45 : vector<16xf32>
      tpu.vector_store_idx %arg12[%add3A_44], %mul3A_46 {add = true} : memref<40000xf32, #tpu.memory_space<vmem>>[vector<16xi32>], vector<16xf32>,
      %add3A_47 = arith.constant 2 : i32
      %add3A_48 = vector.broadcast %add3A_47 : i32 to vector<16xi32>
      %add3A_49 = arith.addi %mul3A_15, %add3A_48 : vector<16xi32>
      %gather3A_50 = tpu.vector_load_idx %arg11[%add3A_49] : memref<40000xf32, #tpu.memory_space<vmem>>[vector<16xi32>], vector<16xf32>,
      %add3A_51 = arith.constant 2 : i32
      %add3A_52 = vector.broadcast %add3A_51 : i32 to vector<16xi32>
      %add3A_53 = arith.addi %mul3A_20, %add3A_52 : vector<16xi32>
      %gather3A_54 = tpu.vector_load_idx %arg11[%add3A_53] : memref<40000xf32, #tpu.memory_space<vmem>>[vector<16xi32>], vector<16xf32>,
      %add3A_55 = arith.constant 2 : i32
      %add3A_56 = vector.broadcast %add3A_55 : i32 to vector<16xi32>
      %add3A_57 = arith.addi %mul3A_20, %add3A_56 : vector<16xi32>
      %sub3A_58 = arith.subf %gather3A_50, %gather3A_54 : vector<16xf32>
      %mul3A_59 = arith.mulf %get3A_22, %sub3A_58 : vector<16xf32>
      tpu.vector_store_idx %arg12[%add3A_57], %mul3A_59 {add = true} : memref<40000xf32, #tpu.memory_space<vmem>>[vector<16xi32>], vector<16xf32>,
      %get3A_60 = arith.constant 16 : index
      %get3A_61 = tpu.vector_load %arg8[%get3A_60] {strides = array<i32>} : memref<400xi32, #tpu.memory_space<vmem>>, vector<16xi32>,
      %mul3A_62 = arith.constant 4 : i32
      %mul3A_63 = vector.broadcast %mul3A_62 : i32 to vector<16xi32>
      %mul3A_64 = arith.muli %get3A_61, %mul3A_63 : vector<16xi32>
      %get3A_65 = arith.constant 16 : index
      %get3A_66 = tpu.vector_load %arg9[%get3A_65] {strides = array<i32>} : memref<400xi32, #tpu.memory_space<vmem>>, vector<16xi32>,
      %mul3A_67 = arith.constant 4 : i32
      %mul3A_68 = vector.broadcast %mul3A_67 : i32 to vector<16xi32>
      %mul3A_69 = arith.muli %get3A_66, %mul3A_68 : vector<16xi32>
      %get3A_70 = arith.constant 16 : index
      %get3A_71 = tpu.vector_load %arg10[%get3A_70] {strides = array<i32>} : memref<400xf32, #tpu.memory_space<vmem>>, vector<16xf32>,
      %add3A_72 = arith.constant 0 : i32
      %add3A_73 = vector.broadcast %add3A_72 : i32 to vector<16xi32>
      %add3A_74 = arith.addi %mul3A_64, %add3A_73 : vector<16xi32>
      %gather3A_75 = tpu.vector_load_idx %arg11[%add3A_74] : memref<40000xf32, #tpu.memory_space<vmem>>[vector<16xi32>], vector<16xf32>,
      %add3A_76 = arith.constant 0 : i32
      %add3A_77 = vector.broadcast %add3A_76 : i32 to vector<16xi32>
      %add3A_78 = arith.addi %mul3A_69, %add3A_77 : vector<16xi32>
      %gather3A_79 = tpu.vector_load_idx %arg11[%add3A_78] : memref<40000xf32, #tpu.memory_space<vmem>>[vector<16xi32>], vector<16xf32>,
      %add3A_80 = arith.constant 0 : i32
      %add3A_81 = vector.broadcast %add3A_80 : i32 to vector<16xi32>
      %add3A_82 = arith.addi %mul3A_69, %add3A_81 : vector<16xi32>
      %sub3A_83 = arith.subf %gather3A_75, %gather3A_79 : vector<16xf32>
      %mul3A_84 = arith.mulf %get3A_71, %sub3A_83 : vector<16xf32>
      tpu.vector_store_idx %arg12[%add3A_82], %mul3A_84 {add = true} : memref<40000xf32, #tpu.memory_space<vmem>>[vector<16xi32>], vector<16xf32>,
      %add3A_85 = arith.constant 1 : i32
      %add3A_86 = vector.broadcast %add3A_85 : i32 to vector<16xi32>
      %add3A_87 = arith.addi %mul3A_64, %add3A_86 : vector<16xi32>
      %gather3A_88 = tpu.vector_load_idx %arg11[%add3A_87] : memref<40000xf32, #tpu.memory_space<vmem>>[vector<16xi32>], vector<16xf32>,
      %add3A_89 = arith.constant 1 : i32
      %add3A_90 = vector.broadcast %add3A_89 : i32 to vector<16xi32>
      %add3A_91 = arith.addi %mul3A_69, %add3A_90 : vector<16xi32>
      %gather3A_92 = tpu.vector_load_idx %arg11[%add3A_91] : memref<40000xf32, #tpu.memory_space<vmem>>[vector<16xi32>], vector<16xf32>,
      %add3A_93 = arith.constant 1 : i32
      %add3A_94 = vector.broadcast %add3A_93 : i32 to vector<16xi32>
      %add3A_95 = arith.addi %mul3A_69, %add3A_94 : vector<16xi32>
      %sub3A_96 = arith.subf %gather3A_88, %gather3A_92 : vector<16xf32>
      %mul3A_97 = arith.mulf %get3A_71, %sub3A_96 : vector<16xf32>
      tpu.vector_store_idx %arg12[%add3A_95], %mul3A_97 {add = true} : memref<40000xf32, #tpu.memory_space<vmem>>[vector<16xi32>], vector<16xf32>,
      %add3A_98 = arith.constant 2 : i32
      %add3A_99 = vector.broadcast %add3A_98 : i32 to vector<16xi32>
      %add3A_100 = arith.addi %mul3A_64, %add3A_99 : vector<16xi32>
      %gather3A_101 = tpu.vector_load_idx %arg11[%add3A_100] : memref<40000xf32, #tpu.memory_space<vmem>>[vector<16xi32>], vector<16xf32>,
      %add3A_102 = arith.constant 2 : i32
      %add3A_103 = vector.broadcast %add3A_102 : i32 to vector<16xi32>
      %add3A_104 = arith.addi %mul3A_69, %add3A_103 : vector<16xi32>
      %gather3A_105 = tpu.vector_load_idx %arg11[%add3A_104] : memref<40000xf32, #tpu.memory_space<vmem>>[vector<16xi32>], vector<16xf32>,
      %add3A_106 = arith.constant 2 : i32
      %add3A_107 = vector.broadcast %add3A_106 : i32 to vector<16xi32>
      %add3A_108 = arith.addi %mul3A_69, %add3A_107 : vector<16xi32>
      %sub3A_109 = arith.subf %gather3A_101, %gather3A_105 : vector<16xf32>
      %mul3A_110 = arith.mulf %get3A_71, %sub3A_109 : vector<16xf32>
      tpu.vector_store_idx %arg12[%add3A_108], %mul3A_110 {add = true} : memref<40000xf32, #tpu.memory_space<vmem>>[vector<16xi32>], vector<16xf32>,
      %get3A_111 = arith.constant 32 : index
      %get3A_112 = tpu.vector_load %arg8[%get3A_111] {strides = array<i32>} : memref<400xi32, #tpu.memory_space<vmem>>, vector<16xi32>,
      %mul3A_113 = arith.constant 4 : i32
      %mul3A_114 = vector.broadcast %mul3A_113 : i32 to vector<16xi32>
      %mul3A_115 = arith.muli %get3A_112, %mul3A_114 : vector<16xi32>
      %get3A_116 = arith.constant 32 : index
      %get3A_117 = tpu.vector_load %arg9[%get3A_116] {strides = array<i32>} : memref<400xi32, #tpu.memory_space<vmem>>, vector<16xi32>,
      %mul3A_118 = arith.constant 4 : i32
      %mul3A_119 = vector.broadcast %mul3A_118 : i32 to vector<16xi32>
      %mul3A_120 = arith.muli %get3A_117, %mul3A_119 : vector<16xi32>
      %get3A_121 = arith.constant 32 : index
      %get3A_122 = tpu.vector_load %arg10[%get3A_121] {strides = array<i32>} : memref<400xf32, #tpu.memory_space<vmem>>, vector<16xf32>,
      %add3A_123 = arith.constant 0 : i32
      %add3A_124 = vector.broadcast %add3A_123 : i32 to vector<16xi32>
      %add3A_125 = arith.addi %mul3A_115, %add3A_124 : vector<16xi32>
      %gather3A_126 = tpu.vector_load_idx %arg11[%add3A_125] : memref<40000xf32, #tpu.memory_space<vmem>>[vector<16xi32>], vector<16xf32>,
      %add3A_127 = arith.constant 0 : i32
      %add3A_128 = vector.broadcast %add3A_127 : i32 to vector<16xi32>
      %add3A_129 = arith.addi %mul3A_120, %add3A_128 : vector<16xi32>
      %gather3A_130 = tpu.vector_load_idx %arg11[%add3A_129] : memref<40000xf32, #tpu.memory_space<vmem>>[vector<16xi32>], vector<16xf32>,
      %add3A_131 = arith.constant 0 : i32
      %add3A_132 = vector.broadcast %add3A_131 : i32 to vector<16xi32>
      %add3A_133 = arith.addi %mul3A_120, %add3A_132 : vector<16xi32>
      %sub3A_134 = arith.subf %gather3A_126, %gather3A_130 : vector<16xf32>
      %mul3A_135 = arith.mulf %get3A_122, %sub3A_134 : vector<16xf32>
      tpu.vector_store_idx %arg12[%add3A_133], %mul3A_135 {add = true} : memref<40000xf32, #tpu.memory_space<vmem>>[vector<16xi32>], vector<16xf32>,
      %add3A_136 = arith.constant 1 : i32
      %add3A_137 = vector.broadcast %add3A_136 : i32 to vector<16xi32>
      %add3A_138 = arith.addi %mul3A_115, %add3A_137 : vector<16xi32>
      %gather3A_139 = tpu.vector_load_idx %arg11[%add3A_138] : memref<40000xf32, #tpu.memory_space<vmem>>[vector<16xi32>], vector<16xf32>,
      %add3A_140 = arith.constant 1 : i32
      %add3A_141 = vector.broadcast %add3A_140 : i32 to vector<16xi32>
      %add3A_142 = arith.addi %mul3A_120, %add3A_141 : vector<16xi32>
      %gather3A_143 = tpu.vector_load_idx %arg11[%add3A_142] : memref<40000xf32, #tpu.memory_space<vmem>>[vector<16xi32>], vector<16xf32>,
      %add3A_144 = arith.constant 1 : i32
      %add3A_145 = vector.broadcast %add3A_144 : i32 to vector<16xi32>
      %add3A_146 = arith.addi %mul3A_120, %add3A_145 : vector<16xi32>
      %sub3A_147 = arith.subf %gather3A_139, %gather3A_143 : vector<16xf32>
      %mul3A_148 = arith.mulf %get3A_122, %sub3A_147 : vector<16xf32>
      tpu.vector_store_idx %arg12[%add3A_146], %mul3A_148 {add = true} : memref<40000xf32, #tpu.memory_space<vmem>>[vector<16xi32>], vector<16xf32>,
      %add3A_149 = arith.constant 2 : i32
      %add3A_150 = vector.broadcast %add3A_149 : i32 to vector<16xi32>
      %add3A_151 = arith.addi %mul3A_115, %add3A_150 : vector<16xi32>
      %gather3A_152 = tpu.vector_load_idx %arg11[%add3A_151] : memref<40000xf32, #tpu.memory_space<vmem>>[vector<16xi32>], vector<16xf32>,
      %add3A_153 = arith.constant 2 : i32
      %add3A_154 = vector.broadcast %add3A_153 : i32 to vector<16xi32>
      %add3A_155 = arith.addi %mul3A_120, %add3A_154 : vector<16xi32>
      %gather3A_156 = tpu.vector_load_idx %arg11[%add3A_155] : memref<40000xf32, #tpu.memory_space<vmem>>[vector<16xi32>], vector<16xf32>,
      %add3A_157 = arith.constant 2 : i32
      %add3A_158 = vector.broadcast %add3A_157 : i32 to vector<16xi32>
      %add3A_159 = arith.addi %mul3A_120, %add3A_158 : vector<16xi32>
      %sub3A_160 = arith.subf %gather3A_152, %gather3A_156 : vector<16xf32>
      %mul3A_161 = arith.mulf %get3A_122, %sub3A_160 : vector<16xf32>
      tpu.vector_store_idx %arg12[%add3A_159], %mul3A_161 {add = true} : memref<40000xf32, #tpu.memory_space<vmem>>[vector<16xi32>], vector<16xf32>,
      %get3A_162 = arith.constant 48 : index
      %get3A_163 = tpu.vector_load %arg8[%get3A_162] {strides = array<i32>} : memref<400xi32, #tpu.memory_space<vmem>>, vector<16xi32>,
      %mul3A_164 = arith.constant 4 : i32
      %mul3A_165 = vector.broadcast %mul3A_164 : i32 to vector<16xi32>
      %mul3A_166 = arith.muli %get3A_163, %mul3A_165 : vector<16xi32>
      %get3A_167 = arith.constant 48 : index
      %get3A_168 = tpu.vector_load %arg9[%get3A_167] {strides = array<i32>} : memref<400xi32, #tpu.memory_space<vmem>>, vector<16xi32>,
      %mul3A_169 = arith.constant 4 : i32
      %mul3A_170 = vector.broadcast %mul3A_169 : i32 to vector<16xi32>
      %mul3A_171 = arith.muli %get3A_168, %mul3A_170 : vector<16xi32>
      %get3A_172 = arith.constant 48 : index
      %get3A_173 = tpu.vector_load %arg10[%get3A_172] {strides = array<i32>} : memref<400xf32, #tpu.memory_space<vmem>>, vector<16xf32>,
      %add3A_174 = arith.constant 0 : i32
      %add3A_175 = vector.broadcast %add3A_174 : i32 to vector<16xi32>
      %add3A_176 = arith.addi %mul3A_166, %add3A_175 : vector<16xi32>
      %gather3A_177 = tpu.vector_load_idx %arg11[%add3A_176] : memref<40000xf32, #tpu.memory_space<vmem>>[vector<16xi32>], vector<16xf32>,
      %add3A_178 = arith.constant 0 : i32
      %add3A_179 = vector.broadcast %add3A_178 : i32 to vector<16xi32>
      %add3A_180 = arith.addi %mul3A_171, %add3A_179 : vector<16xi32>
      %gather3A_181 = tpu.vector_load_idx %arg11[%add3A_180] : memref<40000xf32, #tpu.memory_space<vmem>>[vector<16xi32>], vector<16xf32>,
      %add3A_182 = arith.constant 0 : i32
      %add3A_183 = vector.broadcast %add3A_182 : i32 to vector<16xi32>
      %add3A_184 = arith.addi %mul3A_171, %add3A_183 : vector<16xi32>
      %sub3A_185 = arith.subf %gather3A_177, %gather3A_181 : vector<16xf32>
      %mul3A_186 = arith.mulf %get3A_173, %sub3A_185 : vector<16xf32>
      tpu.vector_store_idx %arg12[%add3A_184], %mul3A_186 {add = true} : memref<40000xf32, #tpu.memory_space<vmem>>[vector<16xi32>], vector<16xf32>,
      %add3A_187 = arith.constant 1 : i32
      %add3A_188 = vector.broadcast %add3A_187 : i32 to vector<16xi32>
      %add3A_189 = arith.addi %mul3A_166, %add3A_188 : vector<16xi32>
      %gather3A_190 = tpu.vector_load_idx %arg11[%add3A_189] : memref<40000xf32, #tpu.memory_space<vmem>>[vector<16xi32>], vector<16xf32>,
      %add3A_191 = arith.constant 1 : i32
      %add3A_192 = vector.broadcast %add3A_191 : i32 to vector<16xi32>
      %add3A_193 = arith.addi %mul3A_171, %add3A_192 : vector<16xi32>
      %gather3A_194 = tpu.vector_load_idx %arg11[%add3A_193] : memref<40000xf32, #tpu.memory_space<vmem>>[vector<16xi32>], vector<16xf32>,
      %add3A_195 = arith.constant 1 : i32
      %add3A_196 = vector.broadcast %add3A_195 : i32 to vector<16xi32>
      %add3A_197 = arith.addi %mul3A_171, %add3A_196 : vector<16xi32>
      %sub3A_198 = arith.subf %gather3A_190, %gather3A_194 : vector<16xf32>
      %mul3A_199 = arith.mulf %get3A_173, %sub3A_198 : vector<16xf32>
      tpu.vector_store_idx %arg12[%add3A_197], %mul3A_199 {add = true} : memref<40000xf32, #tpu.memory_space<vmem>>[vector<16xi32>], vector<16xf32>,
      %add3A_200 = arith.constant 2 : i32
      %add3A_201 = vector.broadcast %add3A_200 : i32 to vector<16xi32>
      %add3A_202 = arith.addi %mul3A_166, %add3A_201 : vector<16xi32>
      %gather3A_203 = tpu.vector_load_idx %arg11[%add3A_202] : memref<40000xf32, #tpu.memory_space<vmem>>[vector<16xi32>], vector<16xf32>,
      %add3A_204 = arith.constant 2 : i32
      %add3A_205 = vector.broadcast %add3A_204 : i32 to vector<16xi32>
      %add3A_206 = arith.addi %mul3A_171, %add3A_205 : vector<16xi32>
      %gather3A_207 = tpu.vector_load_idx %arg11[%add3A_206] : memref<40000xf32, #tpu.memory_space<vmem>>[vector<16xi32>], vector<16xf32>,
      %add3A_208 = arith.constant 2 : i32
      %add3A_209 = vector.broadcast %add3A_208 : i32 to vector<16xi32>
      %add3A_210 = arith.addi %mul3A_171, %add3A_209 : vector<16xi32>
      %sub3A_211 = arith.subf %gather3A_203, %gather3A_207 : vector<16xf32>
      %mul3A_212 = arith.mulf %get3A_173, %sub3A_211 : vector<16xf32>
      tpu.vector_store_idx %arg12[%add3A_210], %mul3A_212 {add = true} : memref<40000xf32, #tpu.memory_space<vmem>>[vector<16xi32>], vector<16xf32>,
      %get3A_213 = arith.constant 64 : index
      %get3A_214 = tpu.vector_load %arg8[%get3A_213] {strides = array<i32>} : memref<400xi32, #tpu.memory_space<vmem>>, vector<16xi32>,
      %mul3A_215 = arith.constant 4 : i32
      %mul3A_216 = vector.broadcast %mul3A_215 : i32 to vector<16xi32>
      %mul3A_217 = arith.muli %get3A_214, %mul3A_216 : vector<16xi32>
      %get3A_218 = arith.constant 64 : index
      %get3A_219 = tpu.vector_load %arg9[%get3A_218] {strides = array<i32>} : memref<400xi32, #tpu.memory_space<vmem>>, vector<16xi32>,
      %mul3A_220 = arith.constant 4 : i32
      %mul3A_221 = vector.broadcast %mul3A_220 : i32 to vector<16xi32>
      %mul3A_222 = arith.muli %get3A_219, %mul3A_221 : vector<16xi32>
      %get3A_223 = arith.constant 64 : index
      %get3A_224 = tpu.vector_load %arg10[%get3A_223] {strides = array<i32>} : memref<400xf32, #tpu.memory_space<vmem>>, vector<16xf32>,
      %add3A_225 = arith.constant 0 : i32
      %add3A_226 = vector.broadcast %add3A_225 : i32 to vector<16xi32>
      %add3A_227 = arith.addi %mul3A_217, %add3A_226 : vector<16xi32>
      %gather3A_228 = tpu.vector_load_idx %arg11[%add3A_227] : memref<40000xf32, #tpu.memory_space<vmem>>[vector<16xi32>], vector<16xf32>,
      %add3A_229 = arith.constant 0 : i32
      %add3A_230 = vector.broadcast %add3A_229 : i32 to vector<16xi32>
      %add3A_231 = arith.addi %mul3A_222, %add3A_230 : vector<16xi32>
      %gather3A_232 = tpu.vector_load_idx %arg11[%add3A_231] : memref<40000xf32, #tpu.memory_space<vmem>>[vector<16xi32>], vector<16xf32>,
      %add3A_233 = arith.constant 0 : i32
      %add3A_234 = vector.broadcast %add3A_233 : i32 to vector<16xi32>
      %add3A_235 = arith.addi %mul3A_222, %add3A_234 : vector<16xi32>
      %sub3A_236 = arith.subf %gather3A_228, %gather3A_232 : vector<16xf32>
      %mul3A_237 = arith.mulf %get3A_224, %sub3A_236 : vector<16xf32>
      tpu.vector_store_idx %arg12[%add3A_235], %mul3A_237 {add = true} : memref<40000xf32, #tpu.memory_space<vmem>>[vector<16xi32>], vector<16xf32>,
      %add3A_238 = arith.constant 1 : i32
      %add3A_239 = vector.broadcast %add3A_238 : i32 to vector<16xi32>
      %add3A_240 = arith.addi %mul3A_217, %add3A_239 : vector<16xi32>
      %gather3A_241 = tpu.vector_load_idx %arg11[%add3A_240] : memref<40000xf32, #tpu.memory_space<vmem>>[vector<16xi32>], vector<16xf32>,
      %add3A_242 = arith.constant 1 : i32
      %add3A_243 = vector.broadcast %add3A_242 : i32 to vector<16xi32>
      %add3A_244 = arith.addi %mul3A_222, %add3A_243 : vector<16xi32>
      %gather3A_245 = tpu.vector_load_idx %arg11[%add3A_244] : memref<40000xf32, #tpu.memory_space<vmem>>[vector<16xi32>], vector<16xf32>,
      %add3A_246 = arith.constant 1 : i32
      %add3A_247 = vector.broadcast %add3A_246 : i32 to vector<16xi32>
      %add3A_248 = arith.addi %mul3A_222, %add3A_247 : vector<16xi32>
      %sub3A_249 = arith.subf %gather3A_241, %gather3A_245 : vector<16xf32>
      %mul3A_250 = arith.mulf %get3A_224, %sub3A_249 : vector<16xf32>
      tpu.vector_store_idx %arg12[%add3A_248], %mul3A_250 {add = true} : memref<40000xf32, #tpu.memory_space<vmem>>[vector<16xi32>], vector<16xf32>,
      %add3A_251 = arith.constant 2 : i32
      %add3A_252 = vector.broadcast %add3A_251 : i32 to vector<16xi32>
      %add3A_253 = arith.addi %mul3A_217, %add3A_252 : vector<16xi32>
      %gather3A_254 = tpu.vector_load_idx %arg11[%add3A_253] : memref<40000xf32, #tpu.memory_space<vmem>>[vector<16xi32>], vector<16xf32>,
      %add3A_255 = arith.constant 2 : i32
      %add3A_256 = vector.broadcast %add3A_255 : i32 to vector<16xi32>
      %add3A_257 = arith.addi %mul3A_222, %add3A_256 : vector<16xi32>
      %gather3A_258 = tpu.vector_load_idx %arg11[%add3A_257] : memref<40000xf32, #tpu.memory_space<vmem>>[vector<16xi32>], vector<16xf32>,
      %add3A_259 = arith.constant 2 : i32
      %add3A_260 = vector.broadcast %add3A_259 : i32 to vector<16xi32>
      %add3A_261 = arith.addi %mul3A_222, %add3A_260 : vector<16xi32>
      %sub3A_262 = arith.subf %gather3A_254, %gather3A_258 : vector<16xf32>
      %mul3A_263 = arith.mulf %get3A_224, %sub3A_262 : vector<16xf32>
      tpu.vector_store_idx %arg12[%add3A_261], %mul3A_263 {add = true} : memref<40000xf32, #tpu.memory_space<vmem>>[vector<16xi32>], vector<16xf32>,
      %get3A_264 = arith.constant 80 : index
      %get3A_265 = tpu.vector_load %arg8[%get3A_264] {strides = array<i32>} : memref<400xi32, #tpu.memory_space<vmem>>, vector<16xi32>,
      %mul3A_266 = arith.constant 4 : i32
      %mul3A_267 = vector.broadcast %mul3A_266 : i32 to vector<16xi32>
      %mul3A_268 = arith.muli %get3A_265, %mul3A_267 : vector<16xi32>
      %get3A_269 = arith.constant 80 : index
      %get3A_270 = tpu.vector_load %arg9[%get3A_269] {strides = array<i32>} : memref<400xi32, #tpu.memory_space<vmem>>, vector<16xi32>,
      %mul3A_271 = arith.constant 4 : i32
      %mul3A_272 = vector.broadcast %mul3A_271 : i32 to vector<16xi32>
      %mul3A_273 = arith.muli %get3A_270, %mul3A_272 : vector<16xi32>
      %get3A_274 = arith.constant 80 : index
      %get3A_275 = tpu.vector_load %arg10[%get3A_274] {strides = array<i32>} : memref<400xf32, #tpu.memory_space<vmem>>, vector<16xf32>,
      %add3A_276 = arith.constant 0 : i32
      %add3A_277 = vector.broadcast %add3A_276 : i32 to vector<16xi32>
      %add3A_278 = arith.addi %mul3A_268, %add3A_277 : vector<16xi32>
      %gather3A_279 = tpu.vector_load_idx %arg11[%add3A_278] : memref<40000xf32, #tpu.memory_space<vmem>>[vector<16xi32>], vector<16xf32>,
      %add3A_280 = arith.constant 0 : i32
      %add3A_281 = vector.broadcast %add3A_280 : i32 to vector<16xi32>
      %add3A_282 = arith.addi %mul3A_273, %add3A_281 : vector<16xi32>
      %gather3A_283 = tpu.vector_load_idx %arg11[%add3A_282] : memref<40000xf32, #tpu.memory_space<vmem>>[vector<16xi32>], vector<16xf32>,
      %add3A_284 = arith.constant 0 : i32
      %add3A_285 = vector.broadcast %add3A_284 : i32 to vector<16xi32>
      %add3A_286 = arith.addi %mul3A_273, %add3A_285 : vector<16xi32>
      %sub3A_287 = arith.subf %gather3A_279, %gather3A_283 : vector<16xf32>
      %mul3A_288 = arith.mulf %get3A_275, %sub3A_287 : vector<16xf32>
      tpu.vector_store_idx %arg12[%add3A_286], %mul3A_288 {add = true} : memref<40000xf32, #tpu.memory_space<vmem>>[vector<16xi32>], vector<16xf32>,
      %add3A_289 = arith.constant 1 : i32
      %add3A_290 = vector.broadcast %add3A_289 : i32 to vector<16xi32>
      %add3A_291 = arith.addi %mul3A_268, %add3A_290 : vector<16xi32>
      %gather3A_292 = tpu.vector_load_idx %arg11[%add3A_291] : memref<40000xf32, #tpu.memory_space<vmem>>[vector<16xi32>], vector<16xf32>,
      %add3A_293 = arith.constant 1 : i32
      %add3A_294 = vector.broadcast %add3A_293 : i32 to vector<16xi32>
      %add3A_295 = arith.addi %mul3A_273, %add3A_294 : vector<16xi32>
      %gather3A_296 = tpu.vector_load_idx %arg11[%add3A_295] : memref<40000xf32, #tpu.memory_space<vmem>>[vector<16xi32>], vector<16xf32>,
      %add3A_297 = arith.constant 1 : i32
      %add3A_298 = vector.broadcast %add3A_297 : i32 to vector<16xi32>
      %add3A_299 = arith.addi %mul3A_273, %add3A_298 : vector<16xi32>
      %sub3A_300 = arith.subf %gather3A_292, %gather3A_296 : vector<16xf32>
      %mul3A_301 = arith.mulf %get3A_275, %sub3A_300 : vector<16xf32>
      tpu.vector_store_idx %arg12[%add3A_299], %mul3A_301 {add = true} : memref<40000xf32, #tpu.memory_space<vmem>>[vector<16xi32>], vector<16xf32>,
      %add3A_302 = arith.constant 2 : i32
      %add3A_303 = vector.broadcast %add3A_302 : i32 to vector<16xi32>
      %add3A_304 = arith.addi %mul3A_268, %add3A_303 : vector<16xi32>
      %gather3A_305 = tpu.vector_load_idx %arg11[%add3A_304] : memref<40000xf32, #tpu.memory_space<vmem>>[vector<16xi32>], vector<16xf32>,
      %add3A_306 = arith.constant 2 : i32
      %add3A_307 = vector.broadcast %add3A_306 : i32 to vector<16xi32>
      %add3A_308 = arith.addi %mul3A_273, %add3A_307 : vector<16xi32>
      %gather3A_309 = tpu.vector_load_idx %arg11[%add3A_308] : memref<40000xf32, #tpu.memory_space<vmem>>[vector<16xi32>], vector<16xf32>,
      %add3A_310 = arith.constant 2 : i32
      %add3A_311 = vector.broadcast %add3A_310 : i32 to vector<16xi32>
      %add3A_312 = arith.addi %mul3A_273, %add3A_311 : vector<16xi32>
      %sub3A_313 = arith.subf %gather3A_305, %gather3A_309 : vector<16xf32>
      %mul3A_314 = arith.mulf %get3A_275, %sub3A_313 : vector<16xf32>
      tpu.vector_store_idx %arg12[%add3A_312], %mul3A_314 {add = true} : memref<40000xf32, #tpu.memory_space<vmem>>[vector<16xi32>], vector<16xf32>,
      %get3A_315 = arith.constant 96 : index
      %get3A_316 = tpu.vector_load %arg8[%get3A_315] {strides = array<i32>} : memref<400xi32, #tpu.memory_space<vmem>>, vector<16xi32>,
      %mul3A_317 = arith.constant 4 : i32
      %mul3A_318 = vector.broadcast %mul3A_317 : i32 to vector<16xi32>
      %mul3A_319 = arith.muli %get3A_316, %mul3A_318 : vector<16xi32>
      %get3A_320 = arith.constant 96 : index
      %get3A_321 = tpu.vector_load %arg9[%get3A_320] {strides = array<i32>} : memref<400xi32, #tpu.memory_space<vmem>>, vector<16xi32>,
      %mul3A_322 = arith.constant 4 : i32
      %mul3A_323 = vector.broadcast %mul3A_322 : i32 to vector<16xi32>
      %mul3A_324 = arith.muli %get3A_321, %mul3A_323 : vector<16xi32>
      %get3A_325 = arith.constant 96 : index
      %get3A_326 = tpu.vector_load %arg10[%get3A_325] {strides = array<i32>} : memref<400xf32, #tpu.memory_space<vmem>>, vector<16xf32>,
      %add3A_327 = arith.constant 0 : i32
      %add3A_328 = vector.broadcast %add3A_327 : i32 to vector<16xi32>
      %add3A_329 = arith.addi %mul3A_319, %add3A_328 : vector<16xi32>
      %gather3A_330 = tpu.vector_load_idx %arg11[%add3A_329] : memref<40000xf32, #tpu.memory_space<vmem>>[vector<16xi32>], vector<16xf32>,
      %add3A_331 = arith.constant 0 : i32
      %add3A_332 = vector.broadcast %add3A_331 : i32 to vector<16xi32>
      %add3A_333 = arith.addi %mul3A_324, %add3A_332 : vector<16xi32>
      %gather3A_334 = tpu.vector_load_idx %arg11[%add3A_333] : memref<40000xf32, #tpu.memory_space<vmem>>[vector<16xi32>], vector<16xf32>,
      %add3A_335 = arith.constant 0 : i32
      %add3A_336 = vector.broadcast %add3A_335 : i32 to vector<16xi32>
      %add3A_337 = arith.addi %mul3A_324, %add3A_336 : vector<16xi32>
      %sub3A_338 = arith.subf %gather3A_330, %gather3A_334 : vector<16xf32>
      %mul3A_339 = arith.mulf %get3A_326, %sub3A_338 : vector<16xf32>
      tpu.vector_store_idx %arg12[%add3A_337], %mul3A_339 {add = true} : memref<40000xf32, #tpu.memory_space<vmem>>[vector<16xi32>], vector<16xf32>,
      %add3A_340 = arith.constant 1 : i32
      %add3A_341 = vector.broadcast %add3A_340 : i32 to vector<16xi32>
      %add3A_342 = arith.addi %mul3A_319, %add3A_341 : vector<16xi32>
      %gather3A_343 = tpu.vector_load_idx %arg11[%add3A_342] : memref<40000xf32, #tpu.memory_space<vmem>>[vector<16xi32>], vector<16xf32>,
      %add3A_344 = arith.constant 1 : i32
      %add3A_345 = vector.broadcast %add3A_344 : i32 to vector<16xi32>
      %add3A_346 = arith.addi %mul3A_324, %add3A_345 : vector<16xi32>
      %gather3A_347 = tpu.vector_load_idx %arg11[%add3A_346] : memref<40000xf32, #tpu.memory_space<vmem>>[vector<16xi32>], vector<16xf32>,
      %add3A_348 = arith.constant 1 : i32
      %add3A_349 = vector.broadcast %add3A_348 : i32 to vector<16xi32>
      %add3A_350 = arith.addi %mul3A_324, %add3A_349 : vector<16xi32>
      %sub3A_351 = arith.subf %gather3A_343, %gather3A_347 : vector<16xf32>
      %mul3A_352 = arith.mulf %get3A_326, %sub3A_351 : vector<16xf32>
      tpu.vector_store_idx %arg12[%add3A_350], %mul3A_352 {add = true} : memref<40000xf32, #tpu.memory_space<vmem>>[vector<16xi32>], vector<16xf32>,
      %add3A_353 = arith.constant 2 : i32
      %add3A_354 = vector.broadcast %add3A_353 : i32 to vector<16xi32>
      %add3A_355 = arith.addi %mul3A_319, %add3A_354 : vector<16xi32>
      %gather3A_356 = tpu.vector_load_idx %arg11[%add3A_355] : memref<40000xf32, #tpu.memory_space<vmem>>[vector<16xi32>], vector<16xf32>,
      %add3A_357 = arith.constant 2 : i32
      %add3A_358 = vector.broadcast %add3A_357 : i32 to vector<16xi32>
      %add3A_359 = arith.addi %mul3A_324, %add3A_358 : vector<16xi32>
      %gather3A_360 = tpu.vector_load_idx %arg11[%add3A_359] : memref<40000xf32, #tpu.memory_space<vmem>>[vector<16xi32>], vector<16xf32>,
      %add3A_361 = arith.constant 2 : i32
      %add3A_362 = vector.broadcast %add3A_361 : i32 to vector<16xi32>
      %add3A_363 = arith.addi %mul3A_324, %add3A_362 : vector<16xi32>
      %sub3A_364 = arith.subf %gather3A_356, %gather3A_360 : vector<16xf32>
      %mul3A_365 = arith.mulf %get3A_326, %sub3A_364 : vector<16xf32>
      tpu.vector_store_idx %arg12[%add3A_363], %mul3A_365 {add = true} : memref<40000xf32, #tpu.memory_space<vmem>>[vector<16xi32>], vector<16xf32>,
      %get3A_366 = arith.constant 112 : index
      %get3A_367 = tpu.vector_load %arg8[%get3A_366] {strides = array<i32>} : memref<400xi32, #tpu.memory_space<vmem>>, vector<16xi32>,
      %mul3A_368 = arith.constant 4 : i32
      %mul3A_369 = vector.broadcast %mul3A_368 : i32 to vector<16xi32>
      %mul3A_370 = arith.muli %get3A_367, %mul3A_369 : vector<16xi32>
      %get3A_371 = arith.constant 112 : index
      %get3A_372 = tpu.vector_load %arg9[%get3A_371] {strides = array<i32>} : memref<400xi32, #tpu.memory_space<vmem>>, vector<16xi32>,
      %mul3A_373 = arith.constant 4 : i32
      %mul3A_374 = vector.broadcast %mul3A_373 : i32 to vector<16xi32>
      %mul3A_375 = arith.muli %get3A_372, %mul3A_374 : vector<16xi32>
      %get3A_376 = arith.constant 112 : index
      %get3A_377 = tpu.vector_load %arg10[%get3A_376] {strides = array<i32>} : memref<400xf32, #tpu.memory_space<vmem>>, vector<16xf32>,
      %add3A_378 = arith.constant 0 : i32
      %add3A_379 = vector.broadcast %add3A_378 : i32 to vector<16xi32>
      %add3A_380 = arith.addi %mul3A_370, %add3A_379 : vector<16xi32>
      %gather3A_381 = tpu.vector_load_idx %arg11[%add3A_380] : memref<40000xf32, #tpu.memory_space<vmem>>[vector<16xi32>], vector<16xf32>,
      %add3A_382 = arith.constant 0 : i32
      %add3A_383 = vector.broadcast %add3A_382 : i32 to vector<16xi32>
      %add3A_384 = arith.addi %mul3A_375, %add3A_383 : vector<16xi32>
      %gather3A_385 = tpu.vector_load_idx %arg11[%add3A_384] : memref<40000xf32, #tpu.memory_space<vmem>>[vector<16xi32>], vector<16xf32>,
      %add3A_386 = arith.constant 0 : i32
      %add3A_387 = vector.broadcast %add3A_386 : i32 to vector<16xi32>
      %add3A_388 = arith.addi %mul3A_375, %add3A_387 : vector<16xi32>
      %sub3A_389 = arith.subf %gather3A_381, %gather3A_385 : vector<16xf32>
      %mul3A_390 = arith.mulf %get3A_377, %sub3A_389 : vector<16xf32>
      tpu.vector_store_idx %arg12[%add3A_388], %mul3A_390 {add = true} : memref<40000xf32, #tpu.memory_space<vmem>>[vector<16xi32>], vector<16xf32>,
      %add3A_391 = arith.constant 1 : i32
      %add3A_392 = vector.broadcast %add3A_391 : i32 to vector<16xi32>
      %add3A_393 = arith.addi %mul3A_370, %add3A_392 : vector<16xi32>
      %gather3A_394 = tpu.vector_load_idx %arg11[%add3A_393] : memref<40000xf32, #tpu.memory_space<vmem>>[vector<16xi32>], vector<16xf32>,
      %add3A_395 = arith.constant 1 : i32
      %add3A_396 = vector.broadcast %add3A_395 : i32 to vector<16xi32>
      %add3A_397 = arith.addi %mul3A_375, %add3A_396 : vector<16xi32>
      %gather3A_398 = tpu.vector_load_idx %arg11[%add3A_397] : memref<40000xf32, #tpu.memory_space<vmem>>[vector<16xi32>], vector<16xf32>,
      %add3A_399 = arith.constant 1 : i32
      %add3A_400 = vector.broadcast %add3A_399 : i32 to vector<16xi32>
      %add3A_401 = arith.addi %mul3A_375, %add3A_400 : vector<16xi32>
      %sub3A_402 = arith.subf %gather3A_394, %gather3A_398 : vector<16xf32>
      %mul3A_403 = arith.mulf %get3A_377, %sub3A_402 : vector<16xf32>
      tpu.vector_store_idx %arg12[%add3A_401], %mul3A_403 {add = true} : memref<40000xf32, #tpu.memory_space<vmem>>[vector<16xi32>], vector<16xf32>,
      %add3A_404 = arith.constant 2 : i32
      %add3A_405 = vector.broadcast %add3A_404 : i32 to vector<16xi32>
      %add3A_406 = arith.addi %mul3A_370, %add3A_405 : vector<16xi32>
      %gather3A_407 = tpu.vector_load_idx %arg11[%add3A_406] : memref<40000xf32, #tpu.memory_space<vmem>>[vector<16xi32>], vector<16xf32>,
      %add3A_408 = arith.constant 2 : i32
      %add3A_409 = vector.broadcast %add3A_408 : i32 to vector<16xi32>
      %add3A_410 = arith.addi %mul3A_375, %add3A_409 : vector<16xi32>
      %gather3A_411 = tpu.vector_load_idx %arg11[%add3A_410] : memref<40000xf32, #tpu.memory_space<vmem>>[vector<16xi32>], vector<16xf32>,
      %add3A_412 = arith.constant 2 : i32
      %add3A_413 = vector.broadcast %add3A_412 : i32 to vector<16xi32>
      %add3A_414 = arith.addi %mul3A_375, %add3A_413 : vector<16xi32>
      %sub3A_415 = arith.subf %gather3A_407, %gather3A_411 : vector<16xf32>
      %mul3A_416 = arith.mulf %get3A_377, %sub3A_415 : vector<16xf32>
      tpu.vector_store_idx %arg12[%add3A_414], %mul3A_416 {add = true} : memref<40000xf32, #tpu.memory_space<vmem>>[vector<16xi32>], vector<16xf32>,
      %get3A_417 = arith.constant 128 : index
      %get3A_418 = tpu.vector_load %arg8[%get3A_417] {strides = array<i32>} : memref<400xi32, #tpu.memory_space<vmem>>, vector<16xi32>,
      %mul3A_419 = arith.constant 4 : i32
      %mul3A_420 = vector.broadcast %mul3A_419 : i32 to vector<16xi32>
      %mul3A_421 = arith.muli %get3A_418, %mul3A_420 : vector<16xi32>
      %get3A_422 = arith.constant 128 : index
      %get3A_423 = tpu.vector_load %arg9[%get3A_422] {strides = array<i32>} : memref<400xi32, #tpu.memory_space<vmem>>, vector<16xi32>,
      %mul3A_424 = arith.constant 4 : i32
      %mul3A_425 = vector.broadcast %mul3A_424 : i32 to vector<16xi32>
      %mul3A_426 = arith.muli %get3A_423, %mul3A_425 : vector<16xi32>
      %get3A_427 = arith.constant 128 : index
      %get3A_428 = tpu.vector_load %arg10[%get3A_427] {strides = array<i32>} : memref<400xf32, #tpu.memory_space<vmem>>, vector<16xf32>,
      %add3A_429 = arith.constant 0 : i32
      %add3A_430 = vector.broadcast %add3A_429 : i32 to vector<16xi32>
      %add3A_431 = arith.addi %mul3A_421, %add3A_430 : vector<16xi32>
      %gather3A_432 = tpu.vector_load_idx %arg11[%add3A_431] : memref<40000xf32, #tpu.memory_space<vmem>>[vector<16xi32>], vector<16xf32>,
      %add3A_433 = arith.constant 0 : i32
      %add3A_434 = vector.broadcast %add3A_433 : i32 to vector<16xi32>
      %add3A_435 = arith.addi %mul3A_426, %add3A_434 : vector<16xi32>
      %gather3A_436 = tpu.vector_load_idx %arg11[%add3A_435] : memref<40000xf32, #tpu.memory_space<vmem>>[vector<16xi32>], vector<16xf32>,
      %add3A_437 = arith.constant 0 : i32
      %add3A_438 = vector.broadcast %add3A_437 : i32 to vector<16xi32>
      %add3A_439 = arith.addi %mul3A_426, %add3A_438 : vector<16xi32>
      %sub3A_440 = arith.subf %gather3A_432, %gather3A_436 : vector<16xf32>
      %mul3A_441 = arith.mulf %get3A_428, %sub3A_440 : vector<16xf32>
      tpu.vector_store_idx %arg12[%add3A_439], %mul3A_441 {add = true} : memref<40000xf32, #tpu.memory_space<vmem>>[vector<16xi32>], vector<16xf32>,
      %add3A_442 = arith.constant 1 : i32
      %add3A_443 = vector.broadcast %add3A_442 : i32 to vector<16xi32>
      %add3A_444 = arith.addi %mul3A_421, %add3A_443 : vector<16xi32>
      %gather3A_445 = tpu.vector_load_idx %arg11[%add3A_444] : memref<40000xf32, #tpu.memory_space<vmem>>[vector<16xi32>], vector<16xf32>,
      %add3A_446 = arith.constant 1 : i32
      %add3A_447 = vector.broadcast %add3A_446 : i32 to vector<16xi32>
      %add3A_448 = arith.addi %mul3A_426, %add3A_447 : vector<16xi32>
      %gather3A_449 = tpu.vector_load_idx %arg11[%add3A_448] : memref<40000xf32, #tpu.memory_space<vmem>>[vector<16xi32>], vector<16xf32>,
      %add3A_450 = arith.constant 1 : i32
      %add3A_451 = vector.broadcast %add3A_450 : i32 to vector<16xi32>
      %add3A_452 = arith.addi %mul3A_426, %add3A_451 : vector<16xi32>
      %sub3A_453 = arith.subf %gather3A_445, %gather3A_449 : vector<16xf32>
      %mul3A_454 = arith.mulf %get3A_428, %sub3A_453 : vector<16xf32>
      tpu.vector_store_idx %arg12[%add3A_452], %mul3A_454 {add = true} : memref<40000xf32, #tpu.memory_space<vmem>>[vector<16xi32>], vector<16xf32>,
      %add3A_455 = arith.constant 2 : i32
      %add3A_456 = vector.broadcast %add3A_455 : i32 to vector<16xi32>
      %add3A_457 = arith.addi %mul3A_421, %add3A_456 : vector<16xi32>
      %gather3A_458 = tpu.vector_load_idx %arg11[%add3A_457] : memref<40000xf32, #tpu.memory_space<vmem>>[vector<16xi32>], vector<16xf32>,
      %add3A_459 = arith.constant 2 : i32
      %add3A_460 = vector.broadcast %add3A_459 : i32 to vector<16xi32>
      %add3A_461 = arith.addi %mul3A_426, %add3A_460 : vector<16xi32>
      %gather3A_462 = tpu.vector_load_idx %arg11[%add3A_461] : memref<40000xf32, #tpu.memory_space<vmem>>[vector<16xi32>], vector<16xf32>,
      %add3A_463 = arith.constant 2 : i32
      %add3A_464 = vector.broadcast %add3A_463 : i32 to vector<16xi32>
      %add3A_465 = arith.addi %mul3A_426, %add3A_464 : vector<16xi32>
      %sub3A_466 = arith.subf %gather3A_458, %gather3A_462 : vector<16xf32>
      %mul3A_467 = arith.mulf %get3A_428, %sub3A_466 : vector<16xf32>
      tpu.vector_store_idx %arg12[%add3A_465], %mul3A_467 {add = true} : memref<40000xf32, #tpu.memory_space<vmem>>[vector<16xi32>], vector<16xf32>,
      %get3A_468 = arith.constant 144 : index
      %get3A_469 = tpu.vector_load %arg8[%get3A_468] {strides = array<i32>} : memref<400xi32, #tpu.memory_space<vmem>>, vector<16xi32>,
      %mul3A_470 = arith.constant 4 : i32
      %mul3A_471 = vector.broadcast %mul3A_470 : i32 to vector<16xi32>
      %mul3A_472 = arith.muli %get3A_469, %mul3A_471 : vector<16xi32>
      %get3A_473 = arith.constant 144 : index
      %get3A_474 = tpu.vector_load %arg9[%get3A_473] {strides = array<i32>} : memref<400xi32, #tpu.memory_space<vmem>>, vector<16xi32>,
      %mul3A_475 = arith.constant 4 : i32
      %mul3A_476 = vector.broadcast %mul3A_475 : i32 to vector<16xi32>
      %mul3A_477 = arith.muli %get3A_474, %mul3A_476 : vector<16xi32>
      %get3A_478 = arith.constant 144 : index
      %get3A_479 = tpu.vector_load %arg10[%get3A_478] {strides = array<i32>} : memref<400xf32, #tpu.memory_space<vmem>>, vector<16xf32>,
      %add3A_480 = arith.constant 0 : i32
      %add3A_481 = vector.broadcast %add3A_480 : i32 to vector<16xi32>
      %add3A_482 = arith.addi %mul3A_472, %add3A_481 : vector<16xi32>
      %gather3A_483 = tpu.vector_load_idx %arg11[%add3A_482] : memref<40000xf32, #tpu.memory_space<vmem>>[vector<16xi32>], vector<16xf32>,
      %add3A_484 = arith.constant 0 : i32
      %add3A_485 = vector.broadcast %add3A_484 : i32 to vector<16xi32>
      %add3A_486 = arith.addi %mul3A_477, %add3A_485 : vector<16xi32>
      %gather3A_487 = tpu.vector_load_idx %arg11[%add3A_486] : memref<40000xf32, #tpu.memory_space<vmem>>[vector<16xi32>], vector<16xf32>,
      %add3A_488 = arith.constant 0 : i32
      %add3A_489 = vector.broadcast %add3A_488 : i32 to vector<16xi32>
      %add3A_490 = arith.addi %mul3A_477, %add3A_489 : vector<16xi32>
      %sub3A_491 = arith.subf %gather3A_483, %gather3A_487 : vector<16xf32>
      %mul3A_492 = arith.mulf %get3A_479, %sub3A_491 : vector<16xf32>
      tpu.vector_store_idx %arg12[%add3A_490], %mul3A_492 {add = true} : memref<40000xf32, #tpu.memory_space<vmem>>[vector<16xi32>], vector<16xf32>,
      %add3A_493 = arith.constant 1 : i32
      %add3A_494 = vector.broadcast %add3A_493 : i32 to vector<16xi32>
      %add3A_495 = arith.addi %mul3A_472, %add3A_494 : vector<16xi32>
      %gather3A_496 = tpu.vector_load_idx %arg11[%add3A_495] : memref<40000xf32, #tpu.memory_space<vmem>>[vector<16xi32>], vector<16xf32>,
      %add3A_497 = arith.constant 1 : i32
      %add3A_498 = vector.broadcast %add3A_497 : i32 to vector<16xi32>
      %add3A_499 = arith.addi %mul3A_477, %add3A_498 : vector<16xi32>
      %gather3A_500 = tpu.vector_load_idx %arg11[%add3A_499] : memref<40000xf32, #tpu.memory_space<vmem>>[vector<16xi32>], vector<16xf32>,
      %add3A_501 = arith.constant 1 : i32
      %add3A_502 = vector.broadcast %add3A_501 : i32 to vector<16xi32>
      %add3A_503 = arith.addi %mul3A_477, %add3A_502 : vector<16xi32>
      %sub3A_504 = arith.subf %gather3A_496, %gather3A_500 : vector<16xf32>
      %mul3A_505 = arith.mulf %get3A_479, %sub3A_504 : vector<16xf32>
      tpu.vector_store_idx %arg12[%add3A_503], %mul3A_505 {add = true} : memref<40000xf32, #tpu.memory_space<vmem>>[vector<16xi32>], vector<16xf32>,
      %add3A_506 = arith.constant 2 : i32
      %add3A_507 = vector.broadcast %add3A_506 : i32 to vector<16xi32>
      %add3A_508 = arith.addi %mul3A_472, %add3A_507 : vector<16xi32>
      %gather3A_509 = tpu.vector_load_idx %arg11[%add3A_508] : memref<40000xf32, #tpu.memory_space<vmem>>[vector<16xi32>], vector<16xf32>,
      %add3A_510 = arith.constant 2 : i32
      %add3A_511 = vector.broadcast %add3A_510 : i32 to vector<16xi32>
      %add3A_512 = arith.addi %mul3A_477, %add3A_511 : vector<16xi32>
      %gather3A_513 = tpu.vector_load_idx %arg11[%add3A_512] : memref<40000xf32, #tpu.memory_space<vmem>>[vector<16xi32>], vector<16xf32>,
      %add3A_514 = arith.constant 2 : i32
      %add3A_515 = vector.broadcast %add3A_514 : i32 to vector<16xi32>
      %add3A_516 = arith.addi %mul3A_477, %add3A_515 : vector<16xi32>
      %sub3A_517 = arith.subf %gather3A_509, %gather3A_513 : vector<16xf32>
      %mul3A_518 = arith.mulf %get3A_479, %sub3A_517 : vector<16xf32>
      tpu.vector_store_idx %arg12[%add3A_516], %mul3A_518 {add = true} : memref<40000xf32, #tpu.memory_space<vmem>>[vector<16xi32>], vector<16xf32>,
      %get3A_519 = arith.constant 160 : index
      %get3A_520 = tpu.vector_load %arg8[%get3A_519] {strides = array<i32>} : memref<400xi32, #tpu.memory_space<vmem>>, vector<16xi32>,
      %mul3A_521 = arith.constant 4 : i32
      %mul3A_522 = vector.broadcast %mul3A_521 : i32 to vector<16xi32>
      %mul3A_523 = arith.muli %get3A_520, %mul3A_522 : vector<16xi32>
      %get3A_524 = arith.constant 160 : index
      %get3A_525 = tpu.vector_load %arg9[%get3A_524] {strides = array<i32>} : memref<400xi32, #tpu.memory_space<vmem>>, vector<16xi32>,
      %mul3A_526 = arith.constant 4 : i32
      %mul3A_527 = vector.broadcast %mul3A_526 : i32 to vector<16xi32>
      %mul3A_528 = arith.muli %get3A_525, %mul3A_527 : vector<16xi32>
      %get3A_529 = arith.constant 160 : index
      %get3A_530 = tpu.vector_load %arg10[%get3A_529] {strides = array<i32>} : memref<400xf32, #tpu.memory_space<vmem>>, vector<16xf32>,
      %add3A_531 = arith.constant 0 : i32
      %add3A_532 = vector.broadcast %add3A_531 : i32 to vector<16xi32>
      %add3A_533 = arith.addi %mul3A_523, %add3A_532 : vector<16xi32>
      %gather3A_534 = tpu.vector_load_idx %arg11[%add3A_533] : memref<40000xf32, #tpu.memory_space<vmem>>[vector<16xi32>], vector<16xf32>,
      %add3A_535 = arith.constant 0 : i32
      %add3A_536 = vector.broadcast %add3A_535 : i32 to vector<16xi32>
      %add3A_537 = arith.addi %mul3A_528, %add3A_536 : vector<16xi32>
      %gather3A_538 = tpu.vector_load_idx %arg11[%add3A_537] : memref<40000xf32, #tpu.memory_space<vmem>>[vector<16xi32>], vector<16xf32>,
      %add3A_539 = arith.constant 0 : i32
      %add3A_540 = vector.broadcast %add3A_539 : i32 to vector<16xi32>
      %add3A_541 = arith.addi %mul3A_528, %add3A_540 : vector<16xi32>
      %sub3A_542 = arith.subf %gather3A_534, %gather3A_538 : vector<16xf32>
      %mul3A_543 = arith.mulf %get3A_530, %sub3A_542 : vector<16xf32>
      tpu.vector_store_idx %arg12[%add3A_541], %mul3A_543 {add = true} : memref<40000xf32, #tpu.memory_space<vmem>>[vector<16xi32>], vector<16xf32>,
      %add3A_544 = arith.constant 1 : i32
      %add3A_545 = vector.broadcast %add3A_544 : i32 to vector<16xi32>
      %add3A_546 = arith.addi %mul3A_523, %add3A_545 : vector<16xi32>
      %gather3A_547 = tpu.vector_load_idx %arg11[%add3A_546] : memref<40000xf32, #tpu.memory_space<vmem>>[vector<16xi32>], vector<16xf32>,
      %add3A_548 = arith.constant 1 : i32
      %add3A_549 = vector.broadcast %add3A_548 : i32 to vector<16xi32>
      %add3A_550 = arith.addi %mul3A_528, %add3A_549 : vector<16xi32>
      %gather3A_551 = tpu.vector_load_idx %arg11[%add3A_550] : memref<40000xf32, #tpu.memory_space<vmem>>[vector<16xi32>], vector<16xf32>,
      %add3A_552 = arith.constant 1 : i32
      %add3A_553 = vector.broadcast %add3A_552 : i32 to vector<16xi32>
      %add3A_554 = arith.addi %mul3A_528, %add3A_553 : vector<16xi32>
      %sub3A_555 = arith.subf %gather3A_547, %gather3A_551 : vector<16xf32>
      %mul3A_556 = arith.mulf %get3A_530, %sub3A_555 : vector<16xf32>
      tpu.vector_store_idx %arg12[%add3A_554], %mul3A_556 {add = true} : memref<40000xf32, #tpu.memory_space<vmem>>[vector<16xi32>], vector<16xf32>,
      %add3A_557 = arith.constant 2 : i32
      %add3A_558 = vector.broadcast %add3A_557 : i32 to vector<16xi32>
      %add3A_559 = arith.addi %mul3A_523, %add3A_558 : vector<16xi32>
      %gather3A_560 = tpu.vector_load_idx %arg11[%add3A_559] : memref<40000xf32, #tpu.memory_space<vmem>>[vector<16xi32>], vector<16xf32>,
      %add3A_561 = arith.constant 2 : i32
      %add3A_562 = vector.broadcast %add3A_561 : i32 to vector<16xi32>
      %add3A_563 = arith.addi %mul3A_528, %add3A_562 : vector<16xi32>
      %gather3A_564 = tpu.vector_load_idx %arg11[%add3A_563] : memref<40000xf32, #tpu.memory_space<vmem>>[vector<16xi32>], vector<16xf32>,
      %add3A_565 = arith.constant 2 : i32
      %add3A_566 = vector.broadcast %add3A_565 : i32 to vector<16xi32>
      %add3A_567 = arith.addi %mul3A_528, %add3A_566 : vector<16xi32>
      %sub3A_568 = arith.subf %gather3A_560, %gather3A_564 : vector<16xf32>
      %mul3A_569 = arith.mulf %get3A_530, %sub3A_568 : vector<16xf32>
      tpu.vector_store_idx %arg12[%add3A_567], %mul3A_569 {add = true} : memref<40000xf32, #tpu.memory_space<vmem>>[vector<16xi32>], vector<16xf32>,
      %get3A_570 = arith.constant 176 : index
      %get3A_571 = tpu.vector_load %arg8[%get3A_570] {strides = array<i32>} : memref<400xi32, #tpu.memory_space<vmem>>, vector<16xi32>,
      %mul3A_572 = arith.constant 4 : i32
      %mul3A_573 = vector.broadcast %mul3A_572 : i32 to vector<16xi32>
      %mul3A_574 = arith.muli %get3A_571, %mul3A_573 : vector<16xi32>
      %get3A_575 = arith.constant 176 : index
      %get3A_576 = tpu.vector_load %arg9[%get3A_575] {strides = array<i32>} : memref<400xi32, #tpu.memory_space<vmem>>, vector<16xi32>,
      %mul3A_577 = arith.constant 4 : i32
      %mul3A_578 = vector.broadcast %mul3A_577 : i32 to vector<16xi32>
      %mul3A_579 = arith.muli %get3A_576, %mul3A_578 : vector<16xi32>
      %get3A_580 = arith.constant 176 : index
      %get3A_581 = tpu.vector_load %arg10[%get3A_580] {strides = array<i32>} : memref<400xf32, #tpu.memory_space<vmem>>, vector<16xf32>,
      %add3A_582 = arith.constant 0 : i32
      %add3A_583 = vector.broadcast %add3A_582 : i32 to vector<16xi32>
      %add3A_584 = arith.addi %mul3A_574, %add3A_583 : vector<16xi32>
      %gather3A_585 = tpu.vector_load_idx %arg11[%add3A_584] : memref<40000xf32, #tpu.memory_space<vmem>>[vector<16xi32>], vector<16xf32>,
      %add3A_586 = arith.constant 0 : i32
      %add3A_587 = vector.broadcast %add3A_586 : i32 to vector<16xi32>
      %add3A_588 = arith.addi %mul3A_579, %add3A_587 : vector<16xi32>
      %gather3A_589 = tpu.vector_load_idx %arg11[%add3A_588] : memref<40000xf32, #tpu.memory_space<vmem>>[vector<16xi32>], vector<16xf32>,
      %add3A_590 = arith.constant 0 : i32
      %add3A_591 = vector.broadcast %add3A_590 : i32 to vector<16xi32>
      %add3A_592 = arith.addi %mul3A_579, %add3A_591 : vector<16xi32>
      %sub3A_593 = arith.subf %gather3A_585, %gather3A_589 : vector<16xf32>
      %mul3A_594 = arith.mulf %get3A_581, %sub3A_593 : vector<16xf32>
      tpu.vector_store_idx %arg12[%add3A_592], %mul3A_594 {add = true} : memref<40000xf32, #tpu.memory_space<vmem>>[vector<16xi32>], vector<16xf32>,
      %add3A_595 = arith.constant 1 : i32
      %add3A_596 = vector.broadcast %add3A_595 : i32 to vector<16xi32>
      %add3A_597 = arith.addi %mul3A_574, %add3A_596 : vector<16xi32>
      %gather3A_598 = tpu.vector_load_idx %arg11[%add3A_597] : memref<40000xf32, #tpu.memory_space<vmem>>[vector<16xi32>], vector<16xf32>,
      %add3A_599 = arith.constant 1 : i32
      %add3A_600 = vector.broadcast %add3A_599 : i32 to vector<16xi32>
      %add3A_601 = arith.addi %mul3A_579, %add3A_600 : vector<16xi32>
      %gather3A_602 = tpu.vector_load_idx %arg11[%add3A_601] : memref<40000xf32, #tpu.memory_space<vmem>>[vector<16xi32>], vector<16xf32>,
      %add3A_603 = arith.constant 1 : i32
      %add3A_604 = vector.broadcast %add3A_603 : i32 to vector<16xi32>
      %add3A_605 = arith.addi %mul3A_579, %add3A_604 : vector<16xi32>
      %sub3A_606 = arith.subf %gather3A_598, %gather3A_602 : vector<16xf32>
      %mul3A_607 = arith.mulf %get3A_581, %sub3A_606 : vector<16xf32>
      tpu.vector_store_idx %arg12[%add3A_605], %mul3A_607 {add = true} : memref<40000xf32, #tpu.memory_space<vmem>>[vector<16xi32>], vector<16xf32>,
      %add3A_608 = arith.constant 2 : i32
      %add3A_609 = vector.broadcast %add3A_608 : i32 to vector<16xi32>
      %add3A_610 = arith.addi %mul3A_574, %add3A_609 : vector<16xi32>
      %gather3A_611 = tpu.vector_load_idx %arg11[%add3A_610] : memref<40000xf32, #tpu.memory_space<vmem>>[vector<16xi32>], vector<16xf32>,
      %add3A_612 = arith.constant 2 : i32
      %add3A_613 = vector.broadcast %add3A_612 : i32 to vector<16xi32>
      %add3A_614 = arith.addi %mul3A_579, %add3A_613 : vector<16xi32>
      %gather3A_615 = tpu.vector_load_idx %arg11[%add3A_614] : memref<40000xf32, #tpu.memory_space<vmem>>[vector<16xi32>], vector<16xf32>,
      %add3A_616 = arith.constant 2 : i32
      %add3A_617 = vector.broadcast %add3A_616 : i32 to vector<16xi32>
      %add3A_618 = arith.addi %mul3A_579, %add3A_617 : vector<16xi32>
      %sub3A_619 = arith.subf %gather3A_611, %gather3A_615 : vector<16xf32>
      %mul3A_620 = arith.mulf %get3A_581, %sub3A_619 : vector<16xf32>
      tpu.vector_store_idx %arg12[%add3A_618], %mul3A_620 {add = true} : memref<40000xf32, #tpu.memory_space<vmem>>[vector<16xi32>], vector<16xf32>,
      %get3A_621 = arith.constant 192 : index
      %get3A_622 = tpu.vector_load %arg8[%get3A_621] {strides = array<i32>} : memref<400xi32, #tpu.memory_space<vmem>>, vector<16xi32>,
      %mul3A_623 = arith.constant 4 : i32
      %mul3A_624 = vector.broadcast %mul3A_623 : i32 to vector<16xi32>
      %mul3A_625 = arith.muli %get3A_622, %mul3A_624 : vector<16xi32>
      %get3A_626 = arith.constant 192 : index
      %get3A_627 = tpu.vector_load %arg9[%get3A_626] {strides = array<i32>} : memref<400xi32, #tpu.memory_space<vmem>>, vector<16xi32>,
      %mul3A_628 = arith.constant 4 : i32
      %mul3A_629 = vector.broadcast %mul3A_628 : i32 to vector<16xi32>
      %mul3A_630 = arith.muli %get3A_627, %mul3A_629 : vector<16xi32>
      %get3A_631 = arith.constant 192 : index
      %get3A_632 = tpu.vector_load %arg10[%get3A_631] {strides = array<i32>} : memref<400xf32, #tpu.memory_space<vmem>>, vector<16xf32>,
      %add3A_633 = arith.constant 0 : i32
      %add3A_634 = vector.broadcast %add3A_633 : i32 to vector<16xi32>
      %add3A_635 = arith.addi %mul3A_625, %add3A_634 : vector<16xi32>
      %gather3A_636 = tpu.vector_load_idx %arg11[%add3A_635] : memref<40000xf32, #tpu.memory_space<vmem>>[vector<16xi32>], vector<16xf32>,
      %add3A_637 = arith.constant 0 : i32
      %add3A_638 = vector.broadcast %add3A_637 : i32 to vector<16xi32>
      %add3A_639 = arith.addi %mul3A_630, %add3A_638 : vector<16xi32>
      %gather3A_640 = tpu.vector_load_idx %arg11[%add3A_639] : memref<40000xf32, #tpu.memory_space<vmem>>[vector<16xi32>], vector<16xf32>,
      %add3A_641 = arith.constant 0 : i32
      %add3A_642 = vector.broadcast %add3A_641 : i32 to vector<16xi32>
      %add3A_643 = arith.addi %mul3A_630, %add3A_642 : vector<16xi32>
      %sub3A_644 = arith.subf %gather3A_636, %gather3A_640 : vector<16xf32>
      %mul3A_645 = arith.mulf %get3A_632, %sub3A_644 : vector<16xf32>
      tpu.vector_store_idx %arg12[%add3A_643], %mul3A_645 {add = true} : memref<40000xf32, #tpu.memory_space<vmem>>[vector<16xi32>], vector<16xf32>,
      %add3A_646 = arith.constant 1 : i32
      %add3A_647 = vector.broadcast %add3A_646 : i32 to vector<16xi32>
      %add3A_648 = arith.addi %mul3A_625, %add3A_647 : vector<16xi32>
      %gather3A_649 = tpu.vector_load_idx %arg11[%add3A_648] : memref<40000xf32, #tpu.memory_space<vmem>>[vector<16xi32>], vector<16xf32>,
      %add3A_650 = arith.constant 1 : i32
      %add3A_651 = vector.broadcast %add3A_650 : i32 to vector<16xi32>
      %add3A_652 = arith.addi %mul3A_630, %add3A_651 : vector<16xi32>
      %gather3A_653 = tpu.vector_load_idx %arg11[%add3A_652] : memref<40000xf32, #tpu.memory_space<vmem>>[vector<16xi32>], vector<16xf32>,
      %add3A_654 = arith.constant 1 : i32
      %add3A_655 = vector.broadcast %add3A_654 : i32 to vector<16xi32>
      %add3A_656 = arith.addi %mul3A_630, %add3A_655 : vector<16xi32>
      %sub3A_657 = arith.subf %gather3A_649, %gather3A_653 : vector<16xf32>
      %mul3A_658 = arith.mulf %get3A_632, %sub3A_657 : vector<16xf32>
      tpu.vector_store_idx %arg12[%add3A_656], %mul3A_658 {add = true} : memref<40000xf32, #tpu.memory_space<vmem>>[vector<16xi32>], vector<16xf32>,
      %add3A_659 = arith.constant 2 : i32
      %add3A_660 = vector.broadcast %add3A_659 : i32 to vector<16xi32>
      %add3A_661 = arith.addi %mul3A_625, %add3A_660 : vector<16xi32>
      %gather3A_662 = tpu.vector_load_idx %arg11[%add3A_661] : memref<40000xf32, #tpu.memory_space<vmem>>[vector<16xi32>], vector<16xf32>,
      %add3A_663 = arith.constant 2 : i32
      %add3A_664 = vector.broadcast %add3A_663 : i32 to vector<16xi32>
      %add3A_665 = arith.addi %mul3A_630, %add3A_664 : vector<16xi32>
      %gather3A_666 = tpu.vector_load_idx %arg11[%add3A_665] : memref<40000xf32, #tpu.memory_space<vmem>>[vector<16xi32>], vector<16xf32>,
      %add3A_667 = arith.constant 2 : i32
      %add3A_668 = vector.broadcast %add3A_667 : i32 to vector<16xi32>
      %add3A_669 = arith.addi %mul3A_630, %add3A_668 : vector<16xi32>
      %sub3A_670 = arith.subf %gather3A_662, %gather3A_666 : vector<16xf32>
      %mul3A_671 = arith.mulf %get3A_632, %sub3A_670 : vector<16xf32>
      tpu.vector_store_idx %arg12[%add3A_669], %mul3A_671 {add = true} : memref<40000xf32, #tpu.memory_space<vmem>>[vector<16xi32>], vector<16xf32>,
      %get3A_672 = arith.constant 208 : index
      %get3A_673 = tpu.vector_load %arg8[%get3A_672] {strides = array<i32>} : memref<400xi32, #tpu.memory_space<vmem>>, vector<16xi32>,
      %mul3A_674 = arith.constant 4 : i32
      %mul3A_675 = vector.broadcast %mul3A_674 : i32 to vector<16xi32>
      %mul3A_676 = arith.muli %get3A_673, %mul3A_675 : vector<16xi32>
      %get3A_677 = arith.constant 208 : index
      %get3A_678 = tpu.vector_load %arg9[%get3A_677] {strides = array<i32>} : memref<400xi32, #tpu.memory_space<vmem>>, vector<16xi32>,
      %mul3A_679 = arith.constant 4 : i32
      %mul3A_680 = vector.broadcast %mul3A_679 : i32 to vector<16xi32>
      %mul3A_681 = arith.muli %get3A_678, %mul3A_680 : vector<16xi32>
      %get3A_682 = arith.constant 208 : index
      %get3A_683 = tpu.vector_load %arg10[%get3A_682] {strides = array<i32>} : memref<400xf32, #tpu.memory_space<vmem>>, vector<16xf32>,
      %add3A_684 = arith.constant 0 : i32
      %add3A_685 = vector.broadcast %add3A_684 : i32 to vector<16xi32>
      %add3A_686 = arith.addi %mul3A_676, %add3A_685 : vector<16xi32>
      %gather3A_687 = tpu.vector_load_idx %arg11[%add3A_686] : memref<40000xf32, #tpu.memory_space<vmem>>[vector<16xi32>], vector<16xf32>,
      %add3A_688 = arith.constant 0 : i32
      %add3A_689 = vector.broadcast %add3A_688 : i32 to vector<16xi32>
      %add3A_690 = arith.addi %mul3A_681, %add3A_689 : vector<16xi32>
      %gather3A_691 = tpu.vector_load_idx %arg11[%add3A_690] : memref<40000xf32, #tpu.memory_space<vmem>>[vector<16xi32>], vector<16xf32>,
      %add3A_692 = arith.constant 0 : i32
      %add3A_693 = vector.broadcast %add3A_692 : i32 to vector<16xi32>
      %add3A_694 = arith.addi %mul3A_681, %add3A_693 : vector<16xi32>
      %sub3A_695 = arith.subf %gather3A_687, %gather3A_691 : vector<16xf32>
      %mul3A_696 = arith.mulf %get3A_683, %sub3A_695 : vector<16xf32>
      tpu.vector_store_idx %arg12[%add3A_694], %mul3A_696 {add = true} : memref<40000xf32, #tpu.memory_space<vmem>>[vector<16xi32>], vector<16xf32>,
      %add3A_697 = arith.constant 1 : i32
      %add3A_698 = vector.broadcast %add3A_697 : i32 to vector<16xi32>
      %add3A_699 = arith.addi %mul3A_676, %add3A_698 : vector<16xi32>
      %gather3A_700 = tpu.vector_load_idx %arg11[%add3A_699] : memref<40000xf32, #tpu.memory_space<vmem>>[vector<16xi32>], vector<16xf32>,
      %add3A_701 = arith.constant 1 : i32
      %add3A_702 = vector.broadcast %add3A_701 : i32 to vector<16xi32>
      %add3A_703 = arith.addi %mul3A_681, %add3A_702 : vector<16xi32>
      %gather3A_704 = tpu.vector_load_idx %arg11[%add3A_703] : memref<40000xf32, #tpu.memory_space<vmem>>[vector<16xi32>], vector<16xf32>,
      %add3A_705 = arith.constant 1 : i32
      %add3A_706 = vector.broadcast %add3A_705 : i32 to vector<16xi32>
      %add3A_707 = arith.addi %mul3A_681, %add3A_706 : vector<16xi32>
      %sub3A_708 = arith.subf %gather3A_700, %gather3A_704 : vector<16xf32>
      %mul3A_709 = arith.mulf %get3A_683, %sub3A_708 : vector<16xf32>
      tpu.vector_store_idx %arg12[%add3A_707], %mul3A_709 {add = true} : memref<40000xf32, #tpu.memory_space<vmem>>[vector<16xi32>], vector<16xf32>,
      %add3A_710 = arith.constant 2 : i32
      %add3A_711 = vector.broadcast %add3A_710 : i32 to vector<16xi32>
      %add3A_712 = arith.addi %mul3A_676, %add3A_711 : vector<16xi32>
      %gather3A_713 = tpu.vector_load_idx %arg11[%add3A_712] : memref<40000xf32, #tpu.memory_space<vmem>>[vector<16xi32>], vector<16xf32>,
      %add3A_714 = arith.constant 2 : i32
      %add3A_715 = vector.broadcast %add3A_714 : i32 to vector<16xi32>
      %add3A_716 = arith.addi %mul3A_681, %add3A_715 : vector<16xi32>
      %gather3A_717 = tpu.vector_load_idx %arg11[%add3A_716] : memref<40000xf32, #tpu.memory_space<vmem>>[vector<16xi32>], vector<16xf32>,
      %add3A_718 = arith.constant 2 : i32
      %add3A_719 = vector.broadcast %add3A_718 : i32 to vector<16xi32>
      %add3A_720 = arith.addi %mul3A_681, %add3A_719 : vector<16xi32>
      %sub3A_721 = arith.subf %gather3A_713, %gather3A_717 : vector<16xf32>
      %mul3A_722 = arith.mulf %get3A_683, %sub3A_721 : vector<16xf32>
      tpu.vector_store_idx %arg12[%add3A_720], %mul3A_722 {add = true} : memref<40000xf32, #tpu.memory_space<vmem>>[vector<16xi32>], vector<16xf32>,
      %get3A_723 = arith.constant 224 : index
      %get3A_724 = tpu.vector_load %arg8[%get3A_723] {strides = array<i32>} : memref<400xi32, #tpu.memory_space<vmem>>, vector<16xi32>,
      %mul3A_725 = arith.constant 4 : i32
      %mul3A_726 = vector.broadcast %mul3A_725 : i32 to vector<16xi32>
      %mul3A_727 = arith.muli %get3A_724, %mul3A_726 : vector<16xi32>
      %get3A_728 = arith.constant 224 : index
      %get3A_729 = tpu.vector_load %arg9[%get3A_728] {strides = array<i32>} : memref<400xi32, #tpu.memory_space<vmem>>, vector<16xi32>,
      %mul3A_730 = arith.constant 4 : i32
      %mul3A_731 = vector.broadcast %mul3A_730 : i32 to vector<16xi32>
      %mul3A_732 = arith.muli %get3A_729, %mul3A_731 : vector<16xi32>
      %get3A_733 = arith.constant 224 : index
      %get3A_734 = tpu.vector_load %arg10[%get3A_733] {strides = array<i32>} : memref<400xf32, #tpu.memory_space<vmem>>, vector<16xf32>,
      %add3A_735 = arith.constant 0 : i32
      %add3A_736 = vector.broadcast %add3A_735 : i32 to vector<16xi32>
      %add3A_737 = arith.addi %mul3A_727, %add3A_736 : vector<16xi32>
      %gather3A_738 = tpu.vector_load_idx %arg11[%add3A_737] : memref<40000xf32, #tpu.memory_space<vmem>>[vector<16xi32>], vector<16xf32>,
      %add3A_739 = arith.constant 0 : i32
      %add3A_740 = vector.broadcast %add3A_739 : i32 to vector<16xi32>
      %add3A_741 = arith.addi %mul3A_732, %add3A_740 : vector<16xi32>
      %gather3A_742 = tpu.vector_load_idx %arg11[%add3A_741] : memref<40000xf32, #tpu.memory_space<vmem>>[vector<16xi32>], vector<16xf32>,
      %add3A_743 = arith.constant 0 : i32
      %add3A_744 = vector.broadcast %add3A_743 : i32 to vector<16xi32>
      %add3A_745 = arith.addi %mul3A_732, %add3A_744 : vector<16xi32>
      %sub3A_746 = arith.subf %gather3A_738, %gather3A_742 : vector<16xf32>
      %mul3A_747 = arith.mulf %get3A_734, %sub3A_746 : vector<16xf32>
      tpu.vector_store_idx %arg12[%add3A_745], %mul3A_747 {add = true} : memref<40000xf32, #tpu.memory_space<vmem>>[vector<16xi32>], vector<16xf32>,
      %add3A_748 = arith.constant 1 : i32
      %add3A_749 = vector.broadcast %add3A_748 : i32 to vector<16xi32>
      %add3A_750 = arith.addi %mul3A_727, %add3A_749 : vector<16xi32>
      %gather3A_751 = tpu.vector_load_idx %arg11[%add3A_750] : memref<40000xf32, #tpu.memory_space<vmem>>[vector<16xi32>], vector<16xf32>,
      %add3A_752 = arith.constant 1 : i32
      %add3A_753 = vector.broadcast %add3A_752 : i32 to vector<16xi32>
      %add3A_754 = arith.addi %mul3A_732, %add3A_753 : vector<16xi32>
      %gather3A_755 = tpu.vector_load_idx %arg11[%add3A_754] : memref<40000xf32, #tpu.memory_space<vmem>>[vector<16xi32>], vector<16xf32>,
      %add3A_756 = arith.constant 1 : i32
      %add3A_757 = vector.broadcast %add3A_756 : i32 to vector<16xi32>
      %add3A_758 = arith.addi %mul3A_732, %add3A_757 : vector<16xi32>
      %sub3A_759 = arith.subf %gather3A_751, %gather3A_755 : vector<16xf32>
      %mul3A_760 = arith.mulf %get3A_734, %sub3A_759 : vector<16xf32>
      tpu.vector_store_idx %arg12[%add3A_758], %mul3A_760 {add = true} : memref<40000xf32, #tpu.memory_space<vmem>>[vector<16xi32>], vector<16xf32>,
      %add3A_761 = arith.constant 2 : i32
      %add3A_762 = vector.broadcast %add3A_761 : i32 to vector<16xi32>
      %add3A_763 = arith.addi %mul3A_727, %add3A_762 : vector<16xi32>
      %gather3A_764 = tpu.vector_load_idx %arg11[%add3A_763] : memref<40000xf32, #tpu.memory_space<vmem>>[vector<16xi32>], vector<16xf32>,
      %add3A_765 = arith.constant 2 : i32
      %add3A_766 = vector.broadcast %add3A_765 : i32 to vector<16xi32>
      %add3A_767 = arith.addi %mul3A_732, %add3A_766 : vector<16xi32>
      %gather3A_768 = tpu.vector_load_idx %arg11[%add3A_767] : memref<40000xf32, #tpu.memory_space<vmem>>[vector<16xi32>], vector<16xf32>,
      %add3A_769 = arith.constant 2 : i32
      %add3A_770 = vector.broadcast %add3A_769 : i32 to vector<16xi32>
      %add3A_771 = arith.addi %mul3A_732, %add3A_770 : vector<16xi32>
      %sub3A_772 = arith.subf %gather3A_764, %gather3A_768 : vector<16xf32>
      %mul3A_773 = arith.mulf %get3A_734, %sub3A_772 : vector<16xf32>
      tpu.vector_store_idx %arg12[%add3A_771], %mul3A_773 {add = true} : memref<40000xf32, #tpu.memory_space<vmem>>[vector<16xi32>], vector<16xf32>,
      %get3A_774 = arith.constant 240 : index
      %get3A_775 = tpu.vector_load %arg8[%get3A_774] {strides = array<i32>} : memref<400xi32, #tpu.memory_space<vmem>>, vector<16xi32>,
      %mul3A_776 = arith.constant 4 : i32
      %mul3A_777 = vector.broadcast %mul3A_776 : i32 to vector<16xi32>
      %mul3A_778 = arith.muli %get3A_775, %mul3A_777 : vector<16xi32>
      %get3A_779 = arith.constant 240 : index
      %get3A_780 = tpu.vector_load %arg9[%get3A_779] {strides = array<i32>} : memref<400xi32, #tpu.memory_space<vmem>>, vector<16xi32>,
      %mul3A_781 = arith.constant 4 : i32
      %mul3A_782 = vector.broadcast %mul3A_781 : i32 to vector<16xi32>
      %mul3A_783 = arith.muli %get3A_780, %mul3A_782 : vector<16xi32>
      %get3A_784 = arith.constant 240 : index
      %get3A_785 = tpu.vector_load %arg10[%get3A_784] {strides = array<i32>} : memref<400xf32, #tpu.memory_space<vmem>>, vector<16xf32>,
      %add3A_786 = arith.constant 0 : i32
      %add3A_787 = vector.broadcast %add3A_786 : i32 to vector<16xi32>
      %add3A_788 = arith.addi %mul3A_778, %add3A_787 : vector<16xi32>
      %gather3A_789 = tpu.vector_load_idx %arg11[%add3A_788] : memref<40000xf32, #tpu.memory_space<vmem>>[vector<16xi32>], vector<16xf32>,
      %add3A_790 = arith.constant 0 : i32
      %add3A_791 = vector.broadcast %add3A_790 : i32 to vector<16xi32>
      %add3A_792 = arith.addi %mul3A_783, %add3A_791 : vector<16xi32>
      %gather3A_793 = tpu.vector_load_idx %arg11[%add3A_792] : memref<40000xf32, #tpu.memory_space<vmem>>[vector<16xi32>], vector<16xf32>,
      %add3A_794 = arith.constant 0 : i32
      %add3A_795 = vector.broadcast %add3A_794 : i32 to vector<16xi32>
      %add3A_796 = arith.addi %mul3A_783, %add3A_795 : vector<16xi32>
      %sub3A_797 = arith.subf %gather3A_789, %gather3A_793 : vector<16xf32>
      %mul3A_798 = arith.mulf %get3A_785, %sub3A_797 : vector<16xf32>
      tpu.vector_store_idx %arg12[%add3A_796], %mul3A_798 {add = true} : memref<40000xf32, #tpu.memory_space<vmem>>[vector<16xi32>], vector<16xf32>,
      %add3A_799 = arith.constant 1 : i32
      %add3A_800 = vector.broadcast %add3A_799 : i32 to vector<16xi32>
      %add3A_801 = arith.addi %mul3A_778, %add3A_800 : vector<16xi32>
      %gather3A_802 = tpu.vector_load_idx %arg11[%add3A_801] : memref<40000xf32, #tpu.memory_space<vmem>>[vector<16xi32>], vector<16xf32>,
      %add3A_803 = arith.constant 1 : i32
      %add3A_804 = vector.broadcast %add3A_803 : i32 to vector<16xi32>
      %add3A_805 = arith.addi %mul3A_783, %add3A_804 : vector<16xi32>
      %gather3A_806 = tpu.vector_load_idx %arg11[%add3A_805] : memref<40000xf32, #tpu.memory_space<vmem>>[vector<16xi32>], vector<16xf32>,
      %add3A_807 = arith.constant 1 : i32
      %add3A_808 = vector.broadcast %add3A_807 : i32 to vector<16xi32>
      %add3A_809 = arith.addi %mul3A_783, %add3A_808 : vector<16xi32>
      %sub3A_810 = arith.subf %gather3A_802, %gather3A_806 : vector<16xf32>
      %mul3A_811 = arith.mulf %get3A_785, %sub3A_810 : vector<16xf32>
      tpu.vector_store_idx %arg12[%add3A_809], %mul3A_811 {add = true} : memref<40000xf32, #tpu.memory_space<vmem>>[vector<16xi32>], vector<16xf32>,
      %add3A_812 = arith.constant 2 : i32
      %add3A_813 = vector.broadcast %add3A_812 : i32 to vector<16xi32>
      %add3A_814 = arith.addi %mul3A_778, %add3A_813 : vector<16xi32>
      %gather3A_815 = tpu.vector_load_idx %arg11[%add3A_814] : memref<40000xf32, #tpu.memory_space<vmem>>[vector<16xi32>], vector<16xf32>,
      %add3A_816 = arith.constant 2 : i32
      %add3A_817 = vector.broadcast %add3A_816 : i32 to vector<16xi32>
      %add3A_818 = arith.addi %mul3A_783, %add3A_817 : vector<16xi32>
      %gather3A_819 = tpu.vector_load_idx %arg11[%add3A_818] : memref<40000xf32, #tpu.memory_space<vmem>>[vector<16xi32>], vector<16xf32>,
      %add3A_820 = arith.constant 2 : i32
      %add3A_821 = vector.broadcast %add3A_820 : i32 to vector<16xi32>
      %add3A_822 = arith.addi %mul3A_783, %add3A_821 : vector<16xi32>
      %sub3A_823 = arith.subf %gather3A_815, %gather3A_819 : vector<16xf32>
      %mul3A_824 = arith.mulf %get3A_785, %sub3A_823 : vector<16xf32>
      tpu.vector_store_idx %arg12[%add3A_822], %mul3A_824 {add = true} : memref<40000xf32, #tpu.memory_space<vmem>>[vector<16xi32>], vector<16xf32>,
      %get3A_825 = arith.constant 256 : index
      %get3A_826 = tpu.vector_load %arg8[%get3A_825] {strides = array<i32>} : memref<400xi32, #tpu.memory_space<vmem>>, vector<16xi32>,
      %mul3A_827 = arith.constant 4 : i32
      %mul3A_828 = vector.broadcast %mul3A_827 : i32 to vector<16xi32>
      %mul3A_829 = arith.muli %get3A_826, %mul3A_828 : vector<16xi32>
      %get3A_830 = arith.constant 256 : index
      %get3A_831 = tpu.vector_load %arg9[%get3A_830] {strides = array<i32>} : memref<400xi32, #tpu.memory_space<vmem>>, vector<16xi32>,
      %mul3A_832 = arith.constant 4 : i32
      %mul3A_833 = vector.broadcast %mul3A_832 : i32 to vector<16xi32>
      %mul3A_834 = arith.muli %get3A_831, %mul3A_833 : vector<16xi32>
      %get3A_835 = arith.constant 256 : index
      %get3A_836 = tpu.vector_load %arg10[%get3A_835] {strides = array<i32>} : memref<400xf32, #tpu.memory_space<vmem>>, vector<16xf32>,
      %add3A_837 = arith.constant 0 : i32
      %add3A_838 = vector.broadcast %add3A_837 : i32 to vector<16xi32>
      %add3A_839 = arith.addi %mul3A_829, %add3A_838 : vector<16xi32>
      %gather3A_840 = tpu.vector_load_idx %arg11[%add3A_839] : memref<40000xf32, #tpu.memory_space<vmem>>[vector<16xi32>], vector<16xf32>,
      %add3A_841 = arith.constant 0 : i32
      %add3A_842 = vector.broadcast %add3A_841 : i32 to vector<16xi32>
      %add3A_843 = arith.addi %mul3A_834, %add3A_842 : vector<16xi32>
      %gather3A_844 = tpu.vector_load_idx %arg11[%add3A_843] : memref<40000xf32, #tpu.memory_space<vmem>>[vector<16xi32>], vector<16xf32>,
      %add3A_845 = arith.constant 0 : i32
      %add3A_846 = vector.broadcast %add3A_845 : i32 to vector<16xi32>
      %add3A_847 = arith.addi %mul3A_834, %add3A_846 : vector<16xi32>
      %sub3A_848 = arith.subf %gather3A_840, %gather3A_844 : vector<16xf32>
      %mul3A_849 = arith.mulf %get3A_836, %sub3A_848 : vector<16xf32>
      tpu.vector_store_idx %arg12[%add3A_847], %mul3A_849 {add = true} : memref<40000xf32, #tpu.memory_space<vmem>>[vector<16xi32>], vector<16xf32>,
      %add3A_850 = arith.constant 1 : i32
      %add3A_851 = vector.broadcast %add3A_850 : i32 to vector<16xi32>
      %add3A_852 = arith.addi %mul3A_829, %add3A_851 : vector<16xi32>
      %gather3A_853 = tpu.vector_load_idx %arg11[%add3A_852] : memref<40000xf32, #tpu.memory_space<vmem>>[vector<16xi32>], vector<16xf32>,
      %add3A_854 = arith.constant 1 : i32
      %add3A_855 = vector.broadcast %add3A_854 : i32 to vector<16xi32>
      %add3A_856 = arith.addi %mul3A_834, %add3A_855 : vector<16xi32>
      %gather3A_857 = tpu.vector_load_idx %arg11[%add3A_856] : memref<40000xf32, #tpu.memory_space<vmem>>[vector<16xi32>], vector<16xf32>,
      %add3A_858 = arith.constant 1 : i32
      %add3A_859 = vector.broadcast %add3A_858 : i32 to vector<16xi32>
      %add3A_860 = arith.addi %mul3A_834, %add3A_859 : vector<16xi32>
      %sub3A_861 = arith.subf %gather3A_853, %gather3A_857 : vector<16xf32>
      %mul3A_862 = arith.mulf %get3A_836, %sub3A_861 : vector<16xf32>
      tpu.vector_store_idx %arg12[%add3A_860], %mul3A_862 {add = true} : memref<40000xf32, #tpu.memory_space<vmem>>[vector<16xi32>], vector<16xf32>,
      %add3A_863 = arith.constant 2 : i32
      %add3A_864 = vector.broadcast %add3A_863 : i32 to vector<16xi32>
      %add3A_865 = arith.addi %mul3A_829, %add3A_864 : vector<16xi32>
      %gather3A_866 = tpu.vector_load_idx %arg11[%add3A_865] : memref<40000xf32, #tpu.memory_space<vmem>>[vector<16xi32>], vector<16xf32>,
      %add3A_867 = arith.constant 2 : i32
      %add3A_868 = vector.broadcast %add3A_867 : i32 to vector<16xi32>
      %add3A_869 = arith.addi %mul3A_834, %add3A_868 : vector<16xi32>
      %gather3A_870 = tpu.vector_load_idx %arg11[%add3A_869] : memref<40000xf32, #tpu.memory_space<vmem>>[vector<16xi32>], vector<16xf32>,
      %add3A_871 = arith.constant 2 : i32
      %add3A_872 = vector.broadcast %add3A_871 : i32 to vector<16xi32>
      %add3A_873 = arith.addi %mul3A_834, %add3A_872 : vector<16xi32>
      %sub3A_874 = arith.subf %gather3A_866, %gather3A_870 : vector<16xf32>
      %mul3A_875 = arith.mulf %get3A_836, %sub3A_874 : vector<16xf32>
      tpu.vector_store_idx %arg12[%add3A_873], %mul3A_875 {add = true} : memref<40000xf32, #tpu.memory_space<vmem>>[vector<16xi32>], vector<16xf32>,
      %get3A_876 = arith.constant 272 : index
      %get3A_877 = tpu.vector_load %arg8[%get3A_876] {strides = array<i32>} : memref<400xi32, #tpu.memory_space<vmem>>, vector<16xi32>,
      %mul3A_878 = arith.constant 4 : i32
      %mul3A_879 = vector.broadcast %mul3A_878 : i32 to vector<16xi32>
      %mul3A_880 = arith.muli %get3A_877, %mul3A_879 : vector<16xi32>
      %get3A_881 = arith.constant 272 : index
      %get3A_882 = tpu.vector_load %arg9[%get3A_881] {strides = array<i32>} : memref<400xi32, #tpu.memory_space<vmem>>, vector<16xi32>,
      %mul3A_883 = arith.constant 4 : i32
      %mul3A_884 = vector.broadcast %mul3A_883 : i32 to vector<16xi32>
      %mul3A_885 = arith.muli %get3A_882, %mul3A_884 : vector<16xi32>
      %get3A_886 = arith.constant 272 : index
      %get3A_887 = tpu.vector_load %arg10[%get3A_886] {strides = array<i32>} : memref<400xf32, #tpu.memory_space<vmem>>, vector<16xf32>,
      %add3A_888 = arith.constant 0 : i32
      %add3A_889 = vector.broadcast %add3A_888 : i32 to vector<16xi32>
      %add3A_890 = arith.addi %mul3A_880, %add3A_889 : vector<16xi32>
      %gather3A_891 = tpu.vector_load_idx %arg11[%add3A_890] : memref<40000xf32, #tpu.memory_space<vmem>>[vector<16xi32>], vector<16xf32>,
      %add3A_892 = arith.constant 0 : i32
      %add3A_893 = vector.broadcast %add3A_892 : i32 to vector<16xi32>
      %add3A_894 = arith.addi %mul3A_885, %add3A_893 : vector<16xi32>
      %gather3A_895 = tpu.vector_load_idx %arg11[%add3A_894] : memref<40000xf32, #tpu.memory_space<vmem>>[vector<16xi32>], vector<16xf32>,
      %add3A_896 = arith.constant 0 : i32
      %add3A_897 = vector.broadcast %add3A_896 : i32 to vector<16xi32>
      %add3A_898 = arith.addi %mul3A_885, %add3A_897 : vector<16xi32>
      %sub3A_899 = arith.subf %gather3A_891, %gather3A_895 : vector<16xf32>
      %mul3A_900 = arith.mulf %get3A_887, %sub3A_899 : vector<16xf32>
      tpu.vector_store_idx %arg12[%add3A_898], %mul3A_900 {add = true} : memref<40000xf32, #tpu.memory_space<vmem>>[vector<16xi32>], vector<16xf32>,
      %add3A_901 = arith.constant 1 : i32
      %add3A_902 = vector.broadcast %add3A_901 : i32 to vector<16xi32>
      %add3A_903 = arith.addi %mul3A_880, %add3A_902 : vector<16xi32>
      %gather3A_904 = tpu.vector_load_idx %arg11[%add3A_903] : memref<40000xf32, #tpu.memory_space<vmem>>[vector<16xi32>], vector<16xf32>,
      %add3A_905 = arith.constant 1 : i32
      %add3A_906 = vector.broadcast %add3A_905 : i32 to vector<16xi32>
      %add3A_907 = arith.addi %mul3A_885, %add3A_906 : vector<16xi32>
      %gather3A_908 = tpu.vector_load_idx %arg11[%add3A_907] : memref<40000xf32, #tpu.memory_space<vmem>>[vector<16xi32>], vector<16xf32>,
      %add3A_909 = arith.constant 1 : i32
      %add3A_910 = vector.broadcast %add3A_909 : i32 to vector<16xi32>
      %add3A_911 = arith.addi %mul3A_885, %add3A_910 : vector<16xi32>
      %sub3A_912 = arith.subf %gather3A_904, %gather3A_908 : vector<16xf32>
      %mul3A_913 = arith.mulf %get3A_887, %sub3A_912 : vector<16xf32>
      tpu.vector_store_idx %arg12[%add3A_911], %mul3A_913 {add = true} : memref<40000xf32, #tpu.memory_space<vmem>>[vector<16xi32>], vector<16xf32>,
      %add3A_914 = arith.constant 2 : i32
      %add3A_915 = vector.broadcast %add3A_914 : i32 to vector<16xi32>
      %add3A_916 = arith.addi %mul3A_880, %add3A_915 : vector<16xi32>
      %gather3A_917 = tpu.vector_load_idx %arg11[%add3A_916] : memref<40000xf32, #tpu.memory_space<vmem>>[vector<16xi32>], vector<16xf32>,
      %add3A_918 = arith.constant 2 : i32
      %add3A_919 = vector.broadcast %add3A_918 : i32 to vector<16xi32>
      %add3A_920 = arith.addi %mul3A_885, %add3A_919 : vector<16xi32>
      %gather3A_921 = tpu.vector_load_idx %arg11[%add3A_920] : memref<40000xf32, #tpu.memory_space<vmem>>[vector<16xi32>], vector<16xf32>,
      %add3A_922 = arith.constant 2 : i32
      %add3A_923 = vector.broadcast %add3A_922 : i32 to vector<16xi32>
      %add3A_924 = arith.addi %mul3A_885, %add3A_923 : vector<16xi32>
      %sub3A_925 = arith.subf %gather3A_917, %gather3A_921 : vector<16xf32>
      %mul3A_926 = arith.mulf %get3A_887, %sub3A_925 : vector<16xf32>
      tpu.vector_store_idx %arg12[%add3A_924], %mul3A_926 {add = true} : memref<40000xf32, #tpu.memory_space<vmem>>[vector<16xi32>], vector<16xf32>,
      %get3A_927 = arith.constant 288 : index
      %get3A_928 = tpu.vector_load %arg8[%get3A_927] {strides = array<i32>} : memref<400xi32, #tpu.memory_space<vmem>>, vector<16xi32>,
      %mul3A_929 = arith.constant 4 : i32
      %mul3A_930 = vector.broadcast %mul3A_929 : i32 to vector<16xi32>
      %mul3A_931 = arith.muli %get3A_928, %mul3A_930 : vector<16xi32>
      %get3A_932 = arith.constant 288 : index
      %get3A_933 = tpu.vector_load %arg9[%get3A_932] {strides = array<i32>} : memref<400xi32, #tpu.memory_space<vmem>>, vector<16xi32>,
      %mul3A_934 = arith.constant 4 : i32
      %mul3A_935 = vector.broadcast %mul3A_934 : i32 to vector<16xi32>
      %mul3A_936 = arith.muli %get3A_933, %mul3A_935 : vector<16xi32>
      %get3A_937 = arith.constant 288 : index
      %get3A_938 = tpu.vector_load %arg10[%get3A_937] {strides = array<i32>} : memref<400xf32, #tpu.memory_space<vmem>>, vector<16xf32>,
      %add3A_939 = arith.constant 0 : i32
      %add3A_940 = vector.broadcast %add3A_939 : i32 to vector<16xi32>
      %add3A_941 = arith.addi %mul3A_931, %add3A_940 : vector<16xi32>
      %gather3A_942 = tpu.vector_load_idx %arg11[%add3A_941] : memref<40000xf32, #tpu.memory_space<vmem>>[vector<16xi32>], vector<16xf32>,
      %add3A_943 = arith.constant 0 : i32
      %add3A_944 = vector.broadcast %add3A_943 : i32 to vector<16xi32>
      %add3A_945 = arith.addi %mul3A_936, %add3A_944 : vector<16xi32>
      %gather3A_946 = tpu.vector_load_idx %arg11[%add3A_945] : memref<40000xf32, #tpu.memory_space<vmem>>[vector<16xi32>], vector<16xf32>,
      %add3A_947 = arith.constant 0 : i32
      %add3A_948 = vector.broadcast %add3A_947 : i32 to vector<16xi32>
      %add3A_949 = arith.addi %mul3A_936, %add3A_948 : vector<16xi32>
      %sub3A_950 = arith.subf %gather3A_942, %gather3A_946 : vector<16xf32>
      %mul3A_951 = arith.mulf %get3A_938, %sub3A_950 : vector<16xf32>
      tpu.vector_store_idx %arg12[%add3A_949], %mul3A_951 {add = true} : memref<40000xf32, #tpu.memory_space<vmem>>[vector<16xi32>], vector<16xf32>,
      %add3A_952 = arith.constant 1 : i32
      %add3A_953 = vector.broadcast %add3A_952 : i32 to vector<16xi32>
      %add3A_954 = arith.addi %mul3A_931, %add3A_953 : vector<16xi32>
      %gather3A_955 = tpu.vector_load_idx %arg11[%add3A_954] : memref<40000xf32, #tpu.memory_space<vmem>>[vector<16xi32>], vector<16xf32>,
      %add3A_956 = arith.constant 1 : i32
      %add3A_957 = vector.broadcast %add3A_956 : i32 to vector<16xi32>
      %add3A_958 = arith.addi %mul3A_936, %add3A_957 : vector<16xi32>
      %gather3A_959 = tpu.vector_load_idx %arg11[%add3A_958] : memref<40000xf32, #tpu.memory_space<vmem>>[vector<16xi32>], vector<16xf32>,
      %add3A_960 = arith.constant 1 : i32
      %add3A_961 = vector.broadcast %add3A_960 : i32 to vector<16xi32>
      %add3A_962 = arith.addi %mul3A_936, %add3A_961 : vector<16xi32>
      %sub3A_963 = arith.subf %gather3A_955, %gather3A_959 : vector<16xf32>
      %mul3A_964 = arith.mulf %get3A_938, %sub3A_963 : vector<16xf32>
      tpu.vector_store_idx %arg12[%add3A_962], %mul3A_964 {add = true} : memref<40000xf32, #tpu.memory_space<vmem>>[vector<16xi32>], vector<16xf32>,
      %add3A_965 = arith.constant 2 : i32
      %add3A_966 = vector.broadcast %add3A_965 : i32 to vector<16xi32>
      %add3A_967 = arith.addi %mul3A_931, %add3A_966 : vector<16xi32>
      %gather3A_968 = tpu.vector_load_idx %arg11[%add3A_967] : memref<40000xf32, #tpu.memory_space<vmem>>[vector<16xi32>], vector<16xf32>,
      %add3A_969 = arith.constant 2 : i32
      %add3A_970 = vector.broadcast %add3A_969 : i32 to vector<16xi32>
      %add3A_971 = arith.addi %mul3A_936, %add3A_970 : vector<16xi32>
      %gather3A_972 = tpu.vector_load_idx %arg11[%add3A_971] : memref<40000xf32, #tpu.memory_space<vmem>>[vector<16xi32>], vector<16xf32>,
      %add3A_973 = arith.constant 2 : i32
      %add3A_974 = vector.broadcast %add3A_973 : i32 to vector<16xi32>
      %add3A_975 = arith.addi %mul3A_936, %add3A_974 : vector<16xi32>
      %sub3A_976 = arith.subf %gather3A_968, %gather3A_972 : vector<16xf32>
      %mul3A_977 = arith.mulf %get3A_938, %sub3A_976 : vector<16xf32>
      tpu.vector_store_idx %arg12[%add3A_975], %mul3A_977 {add = true} : memref<40000xf32, #tpu.memory_space<vmem>>[vector<16xi32>], vector<16xf32>,
      %get3A_978 = arith.constant 304 : index
      %get3A_979 = tpu.vector_load %arg8[%get3A_978] {strides = array<i32>} : memref<400xi32, #tpu.memory_space<vmem>>, vector<16xi32>,
      %mul3A_980 = arith.constant 4 : i32
      %mul3A_981 = vector.broadcast %mul3A_980 : i32 to vector<16xi32>
      %mul3A_982 = arith.muli %get3A_979, %mul3A_981 : vector<16xi32>
      %get3A_983 = arith.constant 304 : index
      %get3A_984 = tpu.vector_load %arg9[%get3A_983] {strides = array<i32>} : memref<400xi32, #tpu.memory_space<vmem>>, vector<16xi32>,
      %mul3A_985 = arith.constant 4 : i32
      %mul3A_986 = vector.broadcast %mul3A_985 : i32 to vector<16xi32>
      %mul3A_987 = arith.muli %get3A_984, %mul3A_986 : vector<16xi32>
      %get3A_988 = arith.constant 304 : index
      %get3A_989 = tpu.vector_load %arg10[%get3A_988] {strides = array<i32>} : memref<400xf32, #tpu.memory_space<vmem>>, vector<16xf32>,
      %add3A_990 = arith.constant 0 : i32
      %add3A_991 = vector.broadcast %add3A_990 : i32 to vector<16xi32>
      %add3A_992 = arith.addi %mul3A_982, %add3A_991 : vector<16xi32>
      %gather3A_993 = tpu.vector_load_idx %arg11[%add3A_992] : memref<40000xf32, #tpu.memory_space<vmem>>[vector<16xi32>], vector<16xf32>,
      %add3A_994 = arith.constant 0 : i32
      %add3A_995 = vector.broadcast %add3A_994 : i32 to vector<16xi32>
      %add3A_996 = arith.addi %mul3A_987, %add3A_995 : vector<16xi32>
      %gather3A_997 = tpu.vector_load_idx %arg11[%add3A_996] : memref<40000xf32, #tpu.memory_space<vmem>>[vector<16xi32>], vector<16xf32>,
      %add3A_998 = arith.constant 0 : i32
      %add3A_999 = vector.broadcast %add3A_998 : i32 to vector<16xi32>
      %add3A_1000 = arith.addi %mul3A_987, %add3A_999 : vector<16xi32>
      %sub3A_1001 = arith.subf %gather3A_993, %gather3A_997 : vector<16xf32>
      %mul3A_1002 = arith.mulf %get3A_989, %sub3A_1001 : vector<16xf32>
      tpu.vector_store_idx %arg12[%add3A_1000], %mul3A_1002 {add = true} : memref<40000xf32, #tpu.memory_space<vmem>>[vector<16xi32>], vector<16xf32>,
      %add3A_1003 = arith.constant 1 : i32
      %add3A_1004 = vector.broadcast %add3A_1003 : i32 to vector<16xi32>
      %add3A_1005 = arith.addi %mul3A_982, %add3A_1004 : vector<16xi32>
      %gather3A_1006 = tpu.vector_load_idx %arg11[%add3A_1005] : memref<40000xf32, #tpu.memory_space<vmem>>[vector<16xi32>], vector<16xf32>,
      %add3A_1007 = arith.constant 1 : i32
      %add3A_1008 = vector.broadcast %add3A_1007 : i32 to vector<16xi32>
      %add3A_1009 = arith.addi %mul3A_987, %add3A_1008 : vector<16xi32>
      %gather3A_1010 = tpu.vector_load_idx %arg11[%add3A_1009] : memref<40000xf32, #tpu.memory_space<vmem>>[vector<16xi32>], vector<16xf32>,
      %add3A_1011 = arith.constant 1 : i32
      %add3A_1012 = vector.broadcast %add3A_1011 : i32 to vector<16xi32>
      %add3A_1013 = arith.addi %mul3A_987, %add3A_1012 : vector<16xi32>
      %sub3A_1014 = arith.subf %gather3A_1006, %gather3A_1010 : vector<16xf32>
      %mul3A_1015 = arith.mulf %get3A_989, %sub3A_1014 : vector<16xf32>
      tpu.vector_store_idx %arg12[%add3A_1013], %mul3A_1015 {add = true} : memref<40000xf32, #tpu.memory_space<vmem>>[vector<16xi32>], vector<16xf32>,
      %add3A_1016 = arith.constant 2 : i32
      %add3A_1017 = vector.broadcast %add3A_1016 : i32 to vector<16xi32>
      %add3A_1018 = arith.addi %mul3A_982, %add3A_1017 : vector<16xi32>
      %gather3A_1019 = tpu.vector_load_idx %arg11[%add3A_1018] : memref<40000xf32, #tpu.memory_space<vmem>>[vector<16xi32>], vector<16xf32>,
      %add3A_1020 = arith.constant 2 : i32
      %add3A_1021 = vector.broadcast %add3A_1020 : i32 to vector<16xi32>
      %add3A_1022 = arith.addi %mul3A_987, %add3A_1021 : vector<16xi32>
      %gather3A_1023 = tpu.vector_load_idx %arg11[%add3A_1022] : memref<40000xf32, #tpu.memory_space<vmem>>[vector<16xi32>], vector<16xf32>,
      %add3A_1024 = arith.constant 2 : i32
      %add3A_1025 = vector.broadcast %add3A_1024 : i32 to vector<16xi32>
      %add3A_1026 = arith.addi %mul3A_987, %add3A_1025 : vector<16xi32>
      %sub3A_1027 = arith.subf %gather3A_1019, %gather3A_1023 : vector<16xf32>
      %mul3A_1028 = arith.mulf %get3A_989, %sub3A_1027 : vector<16xf32>
      tpu.vector_store_idx %arg12[%add3A_1026], %mul3A_1028 {add = true} : memref<40000xf32, #tpu.memory_space<vmem>>[vector<16xi32>], vector<16xf32>,
      %get3A_1029 = arith.constant 320 : index
      %get3A_1030 = tpu.vector_load %arg8[%get3A_1029] {strides = array<i32>} : memref<400xi32, #tpu.memory_space<vmem>>, vector<16xi32>,
      %mul3A_1031 = arith.constant 4 : i32
      %mul3A_1032 = vector.broadcast %mul3A_1031 : i32 to vector<16xi32>
      %mul3A_1033 = arith.muli %get3A_1030, %mul3A_1032 : vector<16xi32>
      %get3A_1034 = arith.constant 320 : index
      %get3A_1035 = tpu.vector_load %arg9[%get3A_1034] {strides = array<i32>} : memref<400xi32, #tpu.memory_space<vmem>>, vector<16xi32>,
      %mul3A_1036 = arith.constant 4 : i32
      %mul3A_1037 = vector.broadcast %mul3A_1036 : i32 to vector<16xi32>
      %mul3A_1038 = arith.muli %get3A_1035, %mul3A_1037 : vector<16xi32>
      %get3A_1039 = arith.constant 320 : index
      %get3A_1040 = tpu.vector_load %arg10[%get3A_1039] {strides = array<i32>} : memref<400xf32, #tpu.memory_space<vmem>>, vector<16xf32>,
      %add3A_1041 = arith.constant 0 : i32
      %add3A_1042 = vector.broadcast %add3A_1041 : i32 to vector<16xi32>
      %add3A_1043 = arith.addi %mul3A_1033, %add3A_1042 : vector<16xi32>
      %gather3A_1044 = tpu.vector_load_idx %arg11[%add3A_1043] : memref<40000xf32, #tpu.memory_space<vmem>>[vector<16xi32>], vector<16xf32>,
      %add3A_1045 = arith.constant 0 : i32
      %add3A_1046 = vector.broadcast %add3A_1045 : i32 to vector<16xi32>
      %add3A_1047 = arith.addi %mul3A_1038, %add3A_1046 : vector<16xi32>
      %gather3A_1048 = tpu.vector_load_idx %arg11[%add3A_1047] : memref<40000xf32, #tpu.memory_space<vmem>>[vector<16xi32>], vector<16xf32>,
      %add3A_1049 = arith.constant 0 : i32
      %add3A_1050 = vector.broadcast %add3A_1049 : i32 to vector<16xi32>
      %add3A_1051 = arith.addi %mul3A_1038, %add3A_1050 : vector<16xi32>
      %sub3A_1052 = arith.subf %gather3A_1044, %gather3A_1048 : vector<16xf32>
      %mul3A_1053 = arith.mulf %get3A_1040, %sub3A_1052 : vector<16xf32>
      tpu.vector_store_idx %arg12[%add3A_1051], %mul3A_1053 {add = true} : memref<40000xf32, #tpu.memory_space<vmem>>[vector<16xi32>], vector<16xf32>,
      %add3A_1054 = arith.constant 1 : i32
      %add3A_1055 = vector.broadcast %add3A_1054 : i32 to vector<16xi32>
      %add3A_1056 = arith.addi %mul3A_1033, %add3A_1055 : vector<16xi32>
      %gather3A_1057 = tpu.vector_load_idx %arg11[%add3A_1056] : memref<40000xf32, #tpu.memory_space<vmem>>[vector<16xi32>], vector<16xf32>,
      %add3A_1058 = arith.constant 1 : i32
      %add3A_1059 = vector.broadcast %add3A_1058 : i32 to vector<16xi32>
      %add3A_1060 = arith.addi %mul3A_1038, %add3A_1059 : vector<16xi32>
      %gather3A_1061 = tpu.vector_load_idx %arg11[%add3A_1060] : memref<40000xf32, #tpu.memory_space<vmem>>[vector<16xi32>], vector<16xf32>,
      %add3A_1062 = arith.constant 1 : i32
      %add3A_1063 = vector.broadcast %add3A_1062 : i32 to vector<16xi32>
      %add3A_1064 = arith.addi %mul3A_1038, %add3A_1063 : vector<16xi32>
      %sub3A_1065 = arith.subf %gather3A_1057, %gather3A_1061 : vector<16xf32>
      %mul3A_1066 = arith.mulf %get3A_1040, %sub3A_1065 : vector<16xf32>
      tpu.vector_store_idx %arg12[%add3A_1064], %mul3A_1066 {add = true} : memref<40000xf32, #tpu.memory_space<vmem>>[vector<16xi32>], vector<16xf32>,
      %add3A_1067 = arith.constant 2 : i32
      %add3A_1068 = vector.broadcast %add3A_1067 : i32 to vector<16xi32>
      %add3A_1069 = arith.addi %mul3A_1033, %add3A_1068 : vector<16xi32>
      %gather3A_1070 = tpu.vector_load_idx %arg11[%add3A_1069] : memref<40000xf32, #tpu.memory_space<vmem>>[vector<16xi32>], vector<16xf32>,
      %add3A_1071 = arith.constant 2 : i32
      %add3A_1072 = vector.broadcast %add3A_1071 : i32 to vector<16xi32>
      %add3A_1073 = arith.addi %mul3A_1038, %add3A_1072 : vector<16xi32>
      %gather3A_1074 = tpu.vector_load_idx %arg11[%add3A_1073] : memref<40000xf32, #tpu.memory_space<vmem>>[vector<16xi32>], vector<16xf32>,
      %add3A_1075 = arith.constant 2 : i32
      %add3A_1076 = vector.broadcast %add3A_1075 : i32 to vector<16xi32>
      %add3A_1077 = arith.addi %mul3A_1038, %add3A_1076 : vector<16xi32>
      %sub3A_1078 = arith.subf %gather3A_1070, %gather3A_1074 : vector<16xf32>
      %mul3A_1079 = arith.mulf %get3A_1040, %sub3A_1078 : vector<16xf32>
      tpu.vector_store_idx %arg12[%add3A_1077], %mul3A_1079 {add = true} : memref<40000xf32, #tpu.memory_space<vmem>>[vector<16xi32>], vector<16xf32>,
      %get3A_1080 = arith.constant 336 : index
      %get3A_1081 = tpu.vector_load %arg8[%get3A_1080] {strides = array<i32>} : memref<400xi32, #tpu.memory_space<vmem>>, vector<16xi32>,
      %mul3A_1082 = arith.constant 4 : i32
      %mul3A_1083 = vector.broadcast %mul3A_1082 : i32 to vector<16xi32>
      %mul3A_1084 = arith.muli %get3A_1081, %mul3A_1083 : vector<16xi32>
      %get3A_1085 = arith.constant 336 : index
      %get3A_1086 = tpu.vector_load %arg9[%get3A_1085] {strides = array<i32>} : memref<400xi32, #tpu.memory_space<vmem>>, vector<16xi32>,
      %mul3A_1087 = arith.constant 4 : i32
      %mul3A_1088 = vector.broadcast %mul3A_1087 : i32 to vector<16xi32>
      %mul3A_1089 = arith.muli %get3A_1086, %mul3A_1088 : vector<16xi32>
      %get3A_1090 = arith.constant 336 : index
      %get3A_1091 = tpu.vector_load %arg10[%get3A_1090] {strides = array<i32>} : memref<400xf32, #tpu.memory_space<vmem>>, vector<16xf32>,
      %add3A_1092 = arith.constant 0 : i32
      %add3A_1093 = vector.broadcast %add3A_1092 : i32 to vector<16xi32>
      %add3A_1094 = arith.addi %mul3A_1084, %add3A_1093 : vector<16xi32>
      %gather3A_1095 = tpu.vector_load_idx %arg11[%add3A_1094] : memref<40000xf32, #tpu.memory_space<vmem>>[vector<16xi32>], vector<16xf32>,
      %add3A_1096 = arith.constant 0 : i32
      %add3A_1097 = vector.broadcast %add3A_1096 : i32 to vector<16xi32>
      %add3A_1098 = arith.addi %mul3A_1089, %add3A_1097 : vector<16xi32>
      %gather3A_1099 = tpu.vector_load_idx %arg11[%add3A_1098] : memref<40000xf32, #tpu.memory_space<vmem>>[vector<16xi32>], vector<16xf32>,
      %add3A_1100 = arith.constant 0 : i32
      %add3A_1101 = vector.broadcast %add3A_1100 : i32 to vector<16xi32>
      %add3A_1102 = arith.addi %mul3A_1089, %add3A_1101 : vector<16xi32>
      %sub3A_1103 = arith.subf %gather3A_1095, %gather3A_1099 : vector<16xf32>
      %mul3A_1104 = arith.mulf %get3A_1091, %sub3A_1103 : vector<16xf32>
      tpu.vector_store_idx %arg12[%add3A_1102], %mul3A_1104 {add = true} : memref<40000xf32, #tpu.memory_space<vmem>>[vector<16xi32>], vector<16xf32>,
      %add3A_1105 = arith.constant 1 : i32
      %add3A_1106 = vector.broadcast %add3A_1105 : i32 to vector<16xi32>
      %add3A_1107 = arith.addi %mul3A_1084, %add3A_1106 : vector<16xi32>
      %gather3A_1108 = tpu.vector_load_idx %arg11[%add3A_1107] : memref<40000xf32, #tpu.memory_space<vmem>>[vector<16xi32>], vector<16xf32>,
      %add3A_1109 = arith.constant 1 : i32
      %add3A_1110 = vector.broadcast %add3A_1109 : i32 to vector<16xi32>
      %add3A_1111 = arith.addi %mul3A_1089, %add3A_1110 : vector<16xi32>
      %gather3A_1112 = tpu.vector_load_idx %arg11[%add3A_1111] : memref<40000xf32, #tpu.memory_space<vmem>>[vector<16xi32>], vector<16xf32>,
      %add3A_1113 = arith.constant 1 : i32
      %add3A_1114 = vector.broadcast %add3A_1113 : i32 to vector<16xi32>
      %add3A_1115 = arith.addi %mul3A_1089, %add3A_1114 : vector<16xi32>
      %sub3A_1116 = arith.subf %gather3A_1108, %gather3A_1112 : vector<16xf32>
      %mul3A_1117 = arith.mulf %get3A_1091, %sub3A_1116 : vector<16xf32>
      tpu.vector_store_idx %arg12[%add3A_1115], %mul3A_1117 {add = true} : memref<40000xf32, #tpu.memory_space<vmem>>[vector<16xi32>], vector<16xf32>,
      %add3A_1118 = arith.constant 2 : i32
      %add3A_1119 = vector.broadcast %add3A_1118 : i32 to vector<16xi32>
      %add3A_1120 = arith.addi %mul3A_1084, %add3A_1119 : vector<16xi32>
      %gather3A_1121 = tpu.vector_load_idx %arg11[%add3A_1120] : memref<40000xf32, #tpu.memory_space<vmem>>[vector<16xi32>], vector<16xf32>,
      %add3A_1122 = arith.constant 2 : i32
      %add3A_1123 = vector.broadcast %add3A_1122 : i32 to vector<16xi32>
      %add3A_1124 = arith.addi %mul3A_1089, %add3A_1123 : vector<16xi32>
      %gather3A_1125 = tpu.vector_load_idx %arg11[%add3A_1124] : memref<40000xf32, #tpu.memory_space<vmem>>[vector<16xi32>], vector<16xf32>,
      %add3A_1126 = arith.constant 2 : i32
      %add3A_1127 = vector.broadcast %add3A_1126 : i32 to vector<16xi32>
      %add3A_1128 = arith.addi %mul3A_1089, %add3A_1127 : vector<16xi32>
      %sub3A_1129 = arith.subf %gather3A_1121, %gather3A_1125 : vector<16xf32>
      %mul3A_1130 = arith.mulf %get3A_1091, %sub3A_1129 : vector<16xf32>
      tpu.vector_store_idx %arg12[%add3A_1128], %mul3A_1130 {add = true} : memref<40000xf32, #tpu.memory_space<vmem>>[vector<16xi32>], vector<16xf32>,
      %get3A_1131 = arith.constant 352 : index
      %get3A_1132 = tpu.vector_load %arg8[%get3A_1131] {strides = array<i32>} : memref<400xi32, #tpu.memory_space<vmem>>, vector<16xi32>,
      %mul3A_1133 = arith.constant 4 : i32
      %mul3A_1134 = vector.broadcast %mul3A_1133 : i32 to vector<16xi32>
      %mul3A_1135 = arith.muli %get3A_1132, %mul3A_1134 : vector<16xi32>
      %get3A_1136 = arith.constant 352 : index
      %get3A_1137 = tpu.vector_load %arg9[%get3A_1136] {strides = array<i32>} : memref<400xi32, #tpu.memory_space<vmem>>, vector<16xi32>,
      %mul3A_1138 = arith.constant 4 : i32
      %mul3A_1139 = vector.broadcast %mul3A_1138 : i32 to vector<16xi32>
      %mul3A_1140 = arith.muli %get3A_1137, %mul3A_1139 : vector<16xi32>
      %get3A_1141 = arith.constant 352 : index
      %get3A_1142 = tpu.vector_load %arg10[%get3A_1141] {strides = array<i32>} : memref<400xf32, #tpu.memory_space<vmem>>, vector<16xf32>,
      %add3A_1143 = arith.constant 0 : i32
      %add3A_1144 = vector.broadcast %add3A_1143 : i32 to vector<16xi32>
      %add3A_1145 = arith.addi %mul3A_1135, %add3A_1144 : vector<16xi32>
      %gather3A_1146 = tpu.vector_load_idx %arg11[%add3A_1145] : memref<40000xf32, #tpu.memory_space<vmem>>[vector<16xi32>], vector<16xf32>,
      %add3A_1147 = arith.constant 0 : i32
      %add3A_1148 = vector.broadcast %add3A_1147 : i32 to vector<16xi32>
      %add3A_1149 = arith.addi %mul3A_1140, %add3A_1148 : vector<16xi32>
      %gather3A_1150 = tpu.vector_load_idx %arg11[%add3A_1149] : memref<40000xf32, #tpu.memory_space<vmem>>[vector<16xi32>], vector<16xf32>,
      %add3A_1151 = arith.constant 0 : i32
      %add3A_1152 = vector.broadcast %add3A_1151 : i32 to vector<16xi32>
      %add3A_1153 = arith.addi %mul3A_1140, %add3A_1152 : vector<16xi32>
      %sub3A_1154 = arith.subf %gather3A_1146, %gather3A_1150 : vector<16xf32>
      %mul3A_1155 = arith.mulf %get3A_1142, %sub3A_1154 : vector<16xf32>
      tpu.vector_store_idx %arg12[%add3A_1153], %mul3A_1155 {add = true} : memref<40000xf32, #tpu.memory_space<vmem>>[vector<16xi32>], vector<16xf32>,
      %add3A_1156 = arith.constant 1 : i32
      %add3A_1157 = vector.broadcast %add3A_1156 : i32 to vector<16xi32>
      %add3A_1158 = arith.addi %mul3A_1135, %add3A_1157 : vector<16xi32>
      %gather3A_1159 = tpu.vector_load_idx %arg11[%add3A_1158] : memref<40000xf32, #tpu.memory_space<vmem>>[vector<16xi32>], vector<16xf32>,
      %add3A_1160 = arith.constant 1 : i32
      %add3A_1161 = vector.broadcast %add3A_1160 : i32 to vector<16xi32>
      %add3A_1162 = arith.addi %mul3A_1140, %add3A_1161 : vector<16xi32>
      %gather3A_1163 = tpu.vector_load_idx %arg11[%add3A_1162] : memref<40000xf32, #tpu.memory_space<vmem>>[vector<16xi32>], vector<16xf32>,
      %add3A_1164 = arith.constant 1 : i32
      %add3A_1165 = vector.broadcast %add3A_1164 : i32 to vector<16xi32>
      %add3A_1166 = arith.addi %mul3A_1140, %add3A_1165 : vector<16xi32>
      %sub3A_1167 = arith.subf %gather3A_1159, %gather3A_1163 : vector<16xf32>
      %mul3A_1168 = arith.mulf %get3A_1142, %sub3A_1167 : vector<16xf32>
      tpu.vector_store_idx %arg12[%add3A_1166], %mul3A_1168 {add = true} : memref<40000xf32, #tpu.memory_space<vmem>>[vector<16xi32>], vector<16xf32>,
      %add3A_1169 = arith.constant 2 : i32
      %add3A_1170 = vector.broadcast %add3A_1169 : i32 to vector<16xi32>
      %add3A_1171 = arith.addi %mul3A_1135, %add3A_1170 : vector<16xi32>
      %gather3A_1172 = tpu.vector_load_idx %arg11[%add3A_1171] : memref<40000xf32, #tpu.memory_space<vmem>>[vector<16xi32>], vector<16xf32>,
      %add3A_1173 = arith.constant 2 : i32
      %add3A_1174 = vector.broadcast %add3A_1173 : i32 to vector<16xi32>
      %add3A_1175 = arith.addi %mul3A_1140, %add3A_1174 : vector<16xi32>
      %gather3A_1176 = tpu.vector_load_idx %arg11[%add3A_1175] : memref<40000xf32, #tpu.memory_space<vmem>>[vector<16xi32>], vector<16xf32>,
      %add3A_1177 = arith.constant 2 : i32
      %add3A_1178 = vector.broadcast %add3A_1177 : i32 to vector<16xi32>
      %add3A_1179 = arith.addi %mul3A_1140, %add3A_1178 : vector<16xi32>
      %sub3A_1180 = arith.subf %gather3A_1172, %gather3A_1176 : vector<16xf32>
      %mul3A_1181 = arith.mulf %get3A_1142, %sub3A_1180 : vector<16xf32>
      tpu.vector_store_idx %arg12[%add3A_1179], %mul3A_1181 {add = true} : memref<40000xf32, #tpu.memory_space<vmem>>[vector<16xi32>], vector<16xf32>,
      %get3A_1182 = arith.constant 368 : index
      %get3A_1183 = tpu.vector_load %arg8[%get3A_1182] {strides = array<i32>} : memref<400xi32, #tpu.memory_space<vmem>>, vector<16xi32>,
      %mul3A_1184 = arith.constant 4 : i32
      %mul3A_1185 = vector.broadcast %mul3A_1184 : i32 to vector<16xi32>
      %mul3A_1186 = arith.muli %get3A_1183, %mul3A_1185 : vector<16xi32>
      %get3A_1187 = arith.constant 368 : index
      %get3A_1188 = tpu.vector_load %arg9[%get3A_1187] {strides = array<i32>} : memref<400xi32, #tpu.memory_space<vmem>>, vector<16xi32>,
      %mul3A_1189 = arith.constant 4 : i32
      %mul3A_1190 = vector.broadcast %mul3A_1189 : i32 to vector<16xi32>
      %mul3A_1191 = arith.muli %get3A_1188, %mul3A_1190 : vector<16xi32>
      %get3A_1192 = arith.constant 368 : index
      %get3A_1193 = tpu.vector_load %arg10[%get3A_1192] {strides = array<i32>} : memref<400xf32, #tpu.memory_space<vmem>>, vector<16xf32>,
      %add3A_1194 = arith.constant 0 : i32
      %add3A_1195 = vector.broadcast %add3A_1194 : i32 to vector<16xi32>
      %add3A_1196 = arith.addi %mul3A_1186, %add3A_1195 : vector<16xi32>
      %gather3A_1197 = tpu.vector_load_idx %arg11[%add3A_1196] : memref<40000xf32, #tpu.memory_space<vmem>>[vector<16xi32>], vector<16xf32>,
      %add3A_1198 = arith.constant 0 : i32
      %add3A_1199 = vector.broadcast %add3A_1198 : i32 to vector<16xi32>
      %add3A_1200 = arith.addi %mul3A_1191, %add3A_1199 : vector<16xi32>
      %gather3A_1201 = tpu.vector_load_idx %arg11[%add3A_1200] : memref<40000xf32, #tpu.memory_space<vmem>>[vector<16xi32>], vector<16xf32>,
      %add3A_1202 = arith.constant 0 : i32
      %add3A_1203 = vector.broadcast %add3A_1202 : i32 to vector<16xi32>
      %add3A_1204 = arith.addi %mul3A_1191, %add3A_1203 : vector<16xi32>
      %sub3A_1205 = arith.subf %gather3A_1197, %gather3A_1201 : vector<16xf32>
      %mul3A_1206 = arith.mulf %get3A_1193, %sub3A_1205 : vector<16xf32>
      tpu.vector_store_idx %arg12[%add3A_1204], %mul3A_1206 {add = true} : memref<40000xf32, #tpu.memory_space<vmem>>[vector<16xi32>], vector<16xf32>,
      %add3A_1207 = arith.constant 1 : i32
      %add3A_1208 = vector.broadcast %add3A_1207 : i32 to vector<16xi32>
      %add3A_1209 = arith.addi %mul3A_1186, %add3A_1208 : vector<16xi32>
      %gather3A_1210 = tpu.vector_load_idx %arg11[%add3A_1209] : memref<40000xf32, #tpu.memory_space<vmem>>[vector<16xi32>], vector<16xf32>,
      %add3A_1211 = arith.constant 1 : i32
      %add3A_1212 = vector.broadcast %add3A_1211 : i32 to vector<16xi32>
      %add3A_1213 = arith.addi %mul3A_1191, %add3A_1212 : vector<16xi32>
      %gather3A_1214 = tpu.vector_load_idx %arg11[%add3A_1213] : memref<40000xf32, #tpu.memory_space<vmem>>[vector<16xi32>], vector<16xf32>,
      %add3A_1215 = arith.constant 1 : i32
      %add3A_1216 = vector.broadcast %add3A_1215 : i32 to vector<16xi32>
      %add3A_1217 = arith.addi %mul3A_1191, %add3A_1216 : vector<16xi32>
      %sub3A_1218 = arith.subf %gather3A_1210, %gather3A_1214 : vector<16xf32>
      %mul3A_1219 = arith.mulf %get3A_1193, %sub3A_1218 : vector<16xf32>
      tpu.vector_store_idx %arg12[%add3A_1217], %mul3A_1219 {add = true} : memref<40000xf32, #tpu.memory_space<vmem>>[vector<16xi32>], vector<16xf32>,
      %add3A_1220 = arith.constant 2 : i32
      %add3A_1221 = vector.broadcast %add3A_1220 : i32 to vector<16xi32>
      %add3A_1222 = arith.addi %mul3A_1186, %add3A_1221 : vector<16xi32>
      %gather3A_1223 = tpu.vector_load_idx %arg11[%add3A_1222] : memref<40000xf32, #tpu.memory_space<vmem>>[vector<16xi32>], vector<16xf32>,
      %add3A_1224 = arith.constant 2 : i32
      %add3A_1225 = vector.broadcast %add3A_1224 : i32 to vector<16xi32>
      %add3A_1226 = arith.addi %mul3A_1191, %add3A_1225 : vector<16xi32>
      %gather3A_1227 = tpu.vector_load_idx %arg11[%add3A_1226] : memref<40000xf32, #tpu.memory_space<vmem>>[vector<16xi32>], vector<16xf32>,
      %add3A_1228 = arith.constant 2 : i32
      %add3A_1229 = vector.broadcast %add3A_1228 : i32 to vector<16xi32>
      %add3A_1230 = arith.addi %mul3A_1191, %add3A_1229 : vector<16xi32>
      %sub3A_1231 = arith.subf %gather3A_1223, %gather3A_1227 : vector<16xf32>
      %mul3A_1232 = arith.mulf %get3A_1193, %sub3A_1231 : vector<16xf32>
      tpu.vector_store_idx %arg12[%add3A_1230], %mul3A_1232 {add = true} : memref<40000xf32, #tpu.memory_space<vmem>>[vector<16xi32>], vector<16xf32>,
      %get3A_1233 = arith.constant 384 : index
      %get3A_1234 = tpu.vector_load %arg8[%get3A_1233] {strides = array<i32>} : memref<400xi32, #tpu.memory_space<vmem>>, vector<16xi32>,
      %mul3A_1235 = arith.constant 4 : i32
      %mul3A_1236 = vector.broadcast %mul3A_1235 : i32 to vector<16xi32>
      %mul3A_1237 = arith.muli %get3A_1234, %mul3A_1236 : vector<16xi32>
      %get3A_1238 = arith.constant 384 : index
      %get3A_1239 = tpu.vector_load %arg9[%get3A_1238] {strides = array<i32>} : memref<400xi32, #tpu.memory_space<vmem>>, vector<16xi32>,
      %mul3A_1240 = arith.constant 4 : i32
      %mul3A_1241 = vector.broadcast %mul3A_1240 : i32 to vector<16xi32>
      %mul3A_1242 = arith.muli %get3A_1239, %mul3A_1241 : vector<16xi32>
      %get3A_1243 = arith.constant 384 : index
      %get3A_1244 = tpu.vector_load %arg10[%get3A_1243] {strides = array<i32>} : memref<400xf32, #tpu.memory_space<vmem>>, vector<16xf32>,
      %add3A_1245 = arith.constant 0 : i32
      %add3A_1246 = vector.broadcast %add3A_1245 : i32 to vector<16xi32>
      %add3A_1247 = arith.addi %mul3A_1237, %add3A_1246 : vector<16xi32>
      %gather3A_1248 = tpu.vector_load_idx %arg11[%add3A_1247] : memref<40000xf32, #tpu.memory_space<vmem>>[vector<16xi32>], vector<16xf32>,
      %add3A_1249 = arith.constant 0 : i32
      %add3A_1250 = vector.broadcast %add3A_1249 : i32 to vector<16xi32>
      %add3A_1251 = arith.addi %mul3A_1242, %add3A_1250 : vector<16xi32>
      %gather3A_1252 = tpu.vector_load_idx %arg11[%add3A_1251] : memref<40000xf32, #tpu.memory_space<vmem>>[vector<16xi32>], vector<16xf32>,
      %add3A_1253 = arith.constant 0 : i32
      %add3A_1254 = vector.broadcast %add3A_1253 : i32 to vector<16xi32>
      %add3A_1255 = arith.addi %mul3A_1242, %add3A_1254 : vector<16xi32>
      %sub3A_1256 = arith.subf %gather3A_1248, %gather3A_1252 : vector<16xf32>
      %mul3A_1257 = arith.mulf %get3A_1244, %sub3A_1256 : vector<16xf32>
      tpu.vector_store_idx %arg12[%add3A_1255], %mul3A_1257 {add = true} : memref<40000xf32, #tpu.memory_space<vmem>>[vector<16xi32>], vector<16xf32>,
      %add3A_1258 = arith.constant 1 : i32
      %add3A_1259 = vector.broadcast %add3A_1258 : i32 to vector<16xi32>
      %add3A_1260 = arith.addi %mul3A_1237, %add3A_1259 : vector<16xi32>
      %gather3A_1261 = tpu.vector_load_idx %arg11[%add3A_1260] : memref<40000xf32, #tpu.memory_space<vmem>>[vector<16xi32>], vector<16xf32>,
      %add3A_1262 = arith.constant 1 : i32
      %add3A_1263 = vector.broadcast %add3A_1262 : i32 to vector<16xi32>
      %add3A_1264 = arith.addi %mul3A_1242, %add3A_1263 : vector<16xi32>
      %gather3A_1265 = tpu.vector_load_idx %arg11[%add3A_1264] : memref<40000xf32, #tpu.memory_space<vmem>>[vector<16xi32>], vector<16xf32>,
      %add3A_1266 = arith.constant 1 : i32
      %add3A_1267 = vector.broadcast %add3A_1266 : i32 to vector<16xi32>
      %add3A_1268 = arith.addi %mul3A_1242, %add3A_1267 : vector<16xi32>
      %sub3A_1269 = arith.subf %gather3A_1261, %gather3A_1265 : vector<16xf32>
      %mul3A_1270 = arith.mulf %get3A_1244, %sub3A_1269 : vector<16xf32>
      tpu.vector_store_idx %arg12[%add3A_1268], %mul3A_1270 {add = true} : memref<40000xf32, #tpu.memory_space<vmem>>[vector<16xi32>], vector<16xf32>,
      %add3A_1271 = arith.constant 2 : i32
      %add3A_1272 = vector.broadcast %add3A_1271 : i32 to vector<16xi32>
      %add3A_1273 = arith.addi %mul3A_1237, %add3A_1272 : vector<16xi32>
      %gather3A_1274 = tpu.vector_load_idx %arg11[%add3A_1273] : memref<40000xf32, #tpu.memory_space<vmem>>[vector<16xi32>], vector<16xf32>,
      %add3A_1275 = arith.constant 2 : i32
      %add3A_1276 = vector.broadcast %add3A_1275 : i32 to vector<16xi32>
      %add3A_1277 = arith.addi %mul3A_1242, %add3A_1276 : vector<16xi32>
      %gather3A_1278 = tpu.vector_load_idx %arg11[%add3A_1277] : memref<40000xf32, #tpu.memory_space<vmem>>[vector<16xi32>], vector<16xf32>,
      %add3A_1279 = arith.constant 2 : i32
      %add3A_1280 = vector.broadcast %add3A_1279 : i32 to vector<16xi32>
      %add3A_1281 = arith.addi %mul3A_1242, %add3A_1280 : vector<16xi32>
      %sub3A_1282 = arith.subf %gather3A_1274, %gather3A_1278 : vector<16xf32>
      %mul3A_1283 = arith.mulf %get3A_1244, %sub3A_1282 : vector<16xf32>
      tpu.vector_store_idx %arg12[%add3A_1281], %mul3A_1283 {add = true} : memref<40000xf32, #tpu.memory_space<vmem>>[vector<16xi32>], vector<16xf32>,
    }
    %scan3A_7 = arith.constant 25 : i32
    "tpu.region"() ({
      %run_scoped3A = tpu.sem_alloc : memref<!tpu.dma_semaphore, #tpu.memory_space<semaphore_mem>>
      %dma_start3A = arith.constant 0 : i32
      %dma_start3A_8 = tpu.memref_slice %arg7[%add3A, %dma_start3A] : memref<32x40000xf32, #tpu.memory_space<hbm>> -> memref<1x40000xf32, #tpu.memory_space<hbm>>
      %dma_start3A_9 = tpu.memref_squeeze %dma_start3A_8 : memref<1x40000xf32, #tpu.memory_space<hbm>> -> memref<40000xf32, #tpu.memory_space<hbm>>
      %dma_start3A_10 = arith.constant 0 : i32
      %dma_start3A_11 = tpu.memref_slice %arg7[%add3A, %dma_start3A_10] : memref<32x40000xf32, #tpu.memory_space<hbm>> -> memref<1x40000xf32, #tpu.memory_space<hbm>>
      %dma_start3A_12 = tpu.memref_squeeze %dma_start3A_11 : memref<1x40000xf32, #tpu.memory_space<hbm>> -> memref<40000xf32, #tpu.memory_space<hbm>>
      tpu.enqueue_dma source(%arg12 : memref<40000xf32, #tpu.memory_space<vmem>>) target(%dma_start3A_12 : memref<40000xf32, #tpu.memory_space<hbm>>) target_semaphore(%run_scoped3A : memref<!tpu.dma_semaphore, #tpu.memory_space<semaphore_mem>>)
      %dma_wait3A = arith.constant 0 : i32
      %dma_wait3A_13 = tpu.memref_slice %arg7[%add3A, %dma_wait3A] : memref<32x40000xf32, #tpu.memory_space<hbm>> -> memref<1x40000xf32, #tpu.memory_space<hbm>>
      %dma_wait3A_14 = tpu.memref_squeeze %dma_wait3A_13 : memref<1x40000xf32, #tpu.memory_space<hbm>> -> memref<40000xf32, #tpu.memory_space<hbm>>
      %dma_wait3A_15 = arith.constant 0 : i32
      %dma_wait3A_16 = tpu.memref_slice %arg7[%add3A, %dma_wait3A_15] : memref<32x40000xf32, #tpu.memory_space<hbm>> -> memref<1x40000xf32, #tpu.memory_space<hbm>>
      %dma_wait3A_17 = tpu.memref_squeeze %dma_wait3A_16 : memref<1x40000xf32, #tpu.memory_space<hbm>> -> memref<40000xf32, #tpu.memory_space<hbm>>
      tpu.wait_dma2 semaphore(%run_scoped3A : memref<!tpu.dma_semaphore, #tpu.memory_space<semaphore_mem>>) src(%arg12 : memref<40000xf32, #tpu.memory_space<vmem>>) dst(%dma_wait3A_17 : memref<40000xf32, #tpu.memory_space<hbm>>)
      tpu.yield
    }) : () -> ()
    return
  }
}

module attributes {stable_mosaic.version = 14 : i64} {
  func.func @_mlp_body(%arg0: i32, %arg1: memref<2048x128xf32, #tpu.memory_space<vmem>>, %arg2: memref<2048x128xf32, #tpu.memory_space<vmem>>, %arg3: memref<16x128xf32, #tpu.memory_space<vmem>>, %arg4: memref<1x16xf32, #tpu.memory_space<vmem>>, %arg5: memref<1x16xf32, #tpu.memory_space<vmem>>, %arg6: memref<16x16xf32, #tpu.memory_space<vmem>>, %arg7: memref<1x16xf32, #tpu.memory_space<vmem>>, %arg8: memref<128x128xf32, #tpu.memory_space<vmem>>, %arg9: memref<128x128xf32, #tpu.memory_space<vmem>>, %arg10: memref<16x128xf32, #tpu.memory_space<vmem>>, %arg11: memref<1x128xf32, #tpu.memory_space<vmem>>, %arg12: memref<128x128xf32, #tpu.memory_space<vmem>>, %arg13: memref<1x128xf32, #tpu.memory_space<vmem>>, %arg14: memref<128x128xf32, #tpu.memory_space<vmem>>, %arg15: memref<128x128xf32, #tpu.memory_space<vmem>>, %arg16: memref<16x128xf32, #tpu.memory_space<vmem>>, %arg17: memref<1x128xf32, #tpu.memory_space<vmem>>, %arg18: memref<1x128xf32, #tpu.memory_space<vmem>>, %arg19: memref<2048x128xf32, #tpu.memory_space<vmem>>, %arg20: memref<1x1x2048xf32, #tpu.memory_space<vmem>>) attributes {dimension_semantics = [#tpu.dimension_semantics<arbitrary>], iteration_bounds = array<i64: 157>, scalar_prefetch = 0 : i64, scratch_operands = 0 : i64, tpu.core_type = #tpu.core_type<tc>, window_params = [{transform_indices = @transform_0, window_bounds = array<i64: 2048, 128>}, {transform_indices = @transform_1, window_bounds = array<i64: 2048, 128>}, {transform_indices = @transform_2, window_bounds = array<i64: 16, 128>}, {pipeline_mode = #tpu.pipeline_mode<synchronous>, transform_indices = @transform_3, window_bounds = array<i64: 1, 16>}, {pipeline_mode = #tpu.pipeline_mode<synchronous>, transform_indices = @transform_4, window_bounds = array<i64: 1, 16>}, {pipeline_mode = #tpu.pipeline_mode<synchronous>, transform_indices = @transform_5, window_bounds = array<i64: 16, 16>}, {pipeline_mode = #tpu.pipeline_mode<synchronous>, transform_indices = @transform_6, window_bounds = array<i64: 1, 16>}, {pipeline_mode = #tpu.pipeline_mode<synchronous>, transform_indices = @transform_7, window_bounds = array<i64: 128, 128>}, {pipeline_mode = #tpu.pipeline_mode<synchronous>, transform_indices = @transform_8, window_bounds = array<i64: 128, 128>}, {pipeline_mode = #tpu.pipeline_mode<synchronous>, transform_indices = @transform_9, window_bounds = array<i64: 16, 128>}, {pipeline_mode = #tpu.pipeline_mode<synchronous>, transform_indices = @transform_10, window_bounds = array<i64: 1, 128>}, {pipeline_mode = #tpu.pipeline_mode<synchronous>, transform_indices = @transform_11, window_bounds = array<i64: 128, 128>}, {pipeline_mode = #tpu.pipeline_mode<synchronous>, transform_indices = @transform_12, window_bounds = array<i64: 1, 128>}, {pipeline_mode = #tpu.pipeline_mode<synchronous>, transform_indices = @transform_13, window_bounds = array<i64: 128, 128>}, {pipeline_mode = #tpu.pipeline_mode<synchronous>, transform_indices = @transform_14, window_bounds = array<i64: 128, 128>}, {pipeline_mode = #tpu.pipeline_mode<synchronous>, transform_indices = @transform_15, window_bounds = array<i64: 16, 128>}, {pipeline_mode = #tpu.pipeline_mode<synchronous>, transform_indices = @transform_16, window_bounds = array<i64: 1, 128>}, {pipeline_mode = #tpu.pipeline_mode<synchronous>, transform_indices = @transform_17, window_bounds = array<i64: 1, 128>}, {transform_indices = @transform_18, window_bounds = array<i64: 2048, 128>}, {transform_indices = @transform_19, window_bounds = array<i64: 1, 1, 2048>}]} {
    %iota3A = tpu.iota {dimensions = array<i32: 0>} : vector<2048x16xi32>
    %jit3A = arith.constant 128 : i32
    %div3A = vector.broadcast %jit3A : i32 to vector<2048x16xi32>
    %div3A_0 = arith.divsi %iota3A, %div3A : vector<2048x16xi32>
    %sign3A = arith.constant 0 : i32
    %sign3A_1 = vector.broadcast %sign3A : i32 to vector<2048x16xi32>
    %sign3A_2 = arith.cmpi sgt, %iota3A, %sign3A_1 : vector<2048x16xi32>
    %sign3A_3 = arith.extui %sign3A_2 : vector<2048x16xi1> to vector<2048x16xi32>
    %sign3A_4 = arith.constant 0 : i32
    %sign3A_5 = vector.broadcast %sign3A_4 : i32 to vector<2048x16xi32>
    %sign3A_6 = arith.cmpi slt, %iota3A, %sign3A_5 : vector<2048x16xi32>
    %sign3A_7 = arith.extui %sign3A_6 : vector<2048x16xi1> to vector<2048x16xi32>
    %sign3A_8 = arith.subi %sign3A_3, %sign3A_7 : vector<2048x16xi32>
    %sign3A_9 = arith.constant 0 : i32
    %sign3A_10 = arith.cmpi sgt, %jit3A, %sign3A_9 : i32
    %sign3A_11 = arith.extui %sign3A_10 : i1 to i32
    %sign3A_12 = arith.constant 0 : i32
    %sign3A_13 = arith.cmpi slt, %jit3A, %sign3A_12 : i32
    %sign3A_14 = arith.extui %sign3A_13 : i1 to i32
    %sign3A_15 = arith.subi %sign3A_11, %sign3A_14 : i32
    %ne3A = vector.broadcast %sign3A_15 : i32 to vector<2048x16xi32>
    %ne3A_16 = arith.cmpi ne, %sign3A_8, %ne3A : vector<2048x16xi32>
    %rem3A = vector.broadcast %jit3A : i32 to vector<2048x16xi32>
    %rem3A_17 = arith.remsi %iota3A, %rem3A : vector<2048x16xi32>
    %ne3A_18 = arith.constant 0 : i32
    %ne3A_19 = vector.broadcast %ne3A_18 : i32 to vector<2048x16xi32>
    %ne3A_20 = arith.cmpi ne, %rem3A_17, %ne3A_19 : vector<2048x16xi32>
    %and3A = arith.andi %ne3A_16, %ne3A_20 : vector<2048x16xi1>
    %sub3A = arith.constant 1 : i32
    %sub3A_21 = vector.broadcast %sub3A : i32 to vector<2048x16xi32>
    %sub3A_22 = arith.subi %div3A_0, %sub3A_21 : vector<2048x16xi32>
    %select_n3A = arith.select %and3A, %sub3A_22, %div3A_0 : vector<2048x16xi1>, vector<2048x16xi32>
    %iota3A_23 = tpu.iota {dimensions = array<i32: 1>} : vector<2048x16xi32>
    %eq3A = arith.cmpi eq, %select_n3A, %iota3A_23 : vector<2048x16xi32>
    %convert_element_type3A = arith.extui %eq3A : vector<2048x16xi1> to vector<2048x16xi32>
    %convert_element_type3A_24 = arith.sitofp %convert_element_type3A : vector<2048x16xi32> to vector<2048x16xf32>
    %get3A = arith.constant 0 : index
    %get3A_25 = arith.constant 0 : index
    %get3A_26 = vector.load %arg3[%get3A, %get3A_25] : memref<16x128xf32, #tpu.memory_space<vmem>>, vector<16x128xf32>
    %dot_general3A = arith.constant dense<0.000000e+00> : vector<2048x128xf32>
    %dot_general3A_27 = tpu.matmul %convert_element_type3A_24, %get3A_26, %dot_general3A {dimension_numbers = #tpu.dot_dimension_numbers<[1], [0], [0], [1], [0, 0, 1, 1], [], []>, transpose_lhs_hint = false} : vector<2048x16xf32>, vector<16x128xf32>, vector<2048x128xf32> -> vector<2048x128xf32>
    %iota3A_28 = tpu.iota {dimensions = array<i32: 1>} : vector<2048x128xi32>
    %iota3A_29 = tpu.iota {dimensions = array<i32: 0>} : vector<2048x128xi32>
    %jit3A_30 = arith.constant 128 : i32
    %eq3A_31 = arith.constant 0 : i32
    %eq3A_32 = arith.cmpi eq, %jit3A_30, %eq3A_31 : i32
    %jit3A_33 = arith.constant 1 : i32
    %select_n3A_34 = arith.select %eq3A_32, %jit3A_33, %jit3A_30 : i32
    %rem3A_35 = vector.broadcast %select_n3A_34 : i32 to vector<2048x128xi32>
    %rem3A_36 = arith.remsi %iota3A_29, %rem3A_35 : vector<2048x128xi32>
    %ne3A_37 = arith.constant 0 : i32
    %ne3A_38 = vector.broadcast %ne3A_37 : i32 to vector<2048x128xi32>
    %ne3A_39 = arith.cmpi ne, %rem3A_36, %ne3A_38 : vector<2048x128xi32>
    %lt3A = arith.constant 0 : i32
    %lt3A_40 = vector.broadcast %lt3A : i32 to vector<2048x128xi32>
    %lt3A_41 = arith.cmpi slt, %rem3A_36, %lt3A_40 : vector<2048x128xi32>
    %lt3A_42 = arith.constant 0 : i32
    %lt3A_43 = arith.cmpi slt, %select_n3A_34, %lt3A_42 : i32
    %ne3A_44 = vector.broadcast %lt3A_43 : i1 to vector<2048x128xi1>
    %ne3A_45 = vector.broadcast %ne3A_44 : vector<2048x128xi1> to vector<2048x128xi1>
    %ne3A_46 = arith.xori %lt3A_41, %ne3A_45 : vector<2048x128xi1>
    %and3A_47 = arith.andi %ne3A_46, %ne3A_39 : vector<2048x128xi1>
    %add3A = vector.broadcast %select_n3A_34 : i32 to vector<2048x128xi32>
    %add3A_48 = arith.addi %rem3A_36, %add3A : vector<2048x128xi32>
    %select_n3A_49 = arith.select %and3A_47, %add3A_48, %rem3A_36 : vector<2048x128xi1>, vector<2048x128xi32>
    %eq3A_50 = arith.cmpi eq, %iota3A_28, %select_n3A_49 : vector<2048x128xi32>
    %jit3A_51 = arith.constant 0.000000e+00 : f32
    %broadcast_in_dim3A = vector.broadcast %jit3A_51 : f32 to vector<2048x128xf32>
    %select_n3A_52 = arith.select %eq3A_50, %dot_general3A_27, %broadcast_in_dim3A : vector<2048x128xi1>, vector<2048x128xf32>
    %reduce_sum3A = arith.constant dense<0.000000e+00> : vector<2048xf32>
    %reduce_sum3A_53 = vector.multi_reduction <add>, %select_n3A_52, %reduce_sum3A [1] : vector<2048x128xf32> to vector<2048xf32>
    %broadcast_in_dim3A_54 = vector.shape_cast %reduce_sum3A_53 : vector<2048xf32> to vector<2048x1xf32>
    %get3A_55 = arith.constant 0 : index
    %get3A_56 = arith.constant 0 : index
    %get3A_57 = vector.load %arg4[%get3A_55, %get3A_56] : memref<1x16xf32, #tpu.memory_space<vmem>>, vector<1x16xf32>
    %mul3A = vector.broadcast %broadcast_in_dim3A_54 : vector<2048x1xf32> to vector<2048x16xf32>
    %mul3A_58 = vector.broadcast %get3A_57 : vector<1x16xf32> to vector<2048x16xf32>
    %mul3A_59 = arith.mulf %mul3A, %mul3A_58 : vector<2048x16xf32>
    %get3A_60 = arith.constant 0 : index
    %get3A_61 = arith.constant 0 : index
    %get3A_62 = vector.load %arg5[%get3A_60, %get3A_61] : memref<1x16xf32, #tpu.memory_space<vmem>>, vector<1x16xf32>
    %add3A_63 = vector.broadcast %get3A_62 : vector<1x16xf32> to vector<2048x16xf32>
    %add3A_64 = arith.addf %mul3A_59, %add3A_63 : vector<2048x16xf32>
    %logistic3A = arith.negf %add3A_64 : vector<2048x16xf32>
    %logistic3A_65 = math.exp %logistic3A : vector<2048x16xf32>
    %logistic3A_66 = arith.constant 1.000000e+00 : f32
    %logistic3A_67 = vector.broadcast %logistic3A_66 : f32 to vector<2048x16xf32>
    %logistic3A_68 = arith.addf %logistic3A_67, %logistic3A_65 : vector<2048x16xf32>
    %logistic3A_69 = arith.divf %logistic3A_67, %logistic3A_68 : vector<2048x16xf32>
    %mul3A_70 = arith.mulf %add3A_64, %logistic3A_69 : vector<2048x16xf32>
    %get3A_71 = arith.constant 0 : index
    %get3A_72 = arith.constant 0 : index
    %get3A_73 = vector.load %arg6[%get3A_71, %get3A_72] : memref<16x16xf32, #tpu.memory_space<vmem>>, vector<16x16xf32>
    %dot_general3A_74 = arith.constant dense<0.000000e+00> : vector<2048x16xf32>
    %dot_general3A_75 = tpu.matmul %mul3A_70, %get3A_73, %dot_general3A_74 {dimension_numbers = #tpu.dot_dimension_numbers<[1], [0], [0], [1], [0, 0, 1, 1], [], []>, transpose_lhs_hint = false} : vector<2048x16xf32>, vector<16x16xf32>, vector<2048x16xf32> -> vector<2048x16xf32>
    %get3A_76 = arith.constant 0 : index
    %get3A_77 = arith.constant 0 : index
    %get3A_78 = vector.load %arg7[%get3A_76, %get3A_77] : memref<1x16xf32, #tpu.memory_space<vmem>>, vector<1x16xf32>
    %add3A_79 = vector.broadcast %get3A_78 : vector<1x16xf32> to vector<2048x16xf32>
    %add3A_80 = arith.addf %dot_general3A_75, %add3A_79 : vector<2048x16xf32>
    %get3A_81 = arith.constant 0 : index
    %get3A_82 = arith.constant 0 : index
    %get3A_83 = vector.load %arg1[%get3A_81, %get3A_82] : memref<2048x128xf32, #tpu.memory_space<vmem>>, vector<2048x128xf32>
    %convert_element_type3A_84 = arith.truncf %get3A_83 : vector<2048x128xf32> to vector<2048x128xbf16>
    %get3A_85 = arith.constant 0 : index
    %get3A_86 = arith.constant 0 : index
    %get3A_87 = vector.load %arg2[%get3A_85, %get3A_86] : memref<2048x128xf32, #tpu.memory_space<vmem>>, vector<2048x128xf32>
    %convert_element_type3A_88 = arith.truncf %get3A_87 : vector<2048x128xf32> to vector<2048x128xbf16>
    %get3A_89 = arith.constant 0 : index
    %get3A_90 = arith.constant 0 : index
    %get3A_91 = vector.load %arg8[%get3A_89, %get3A_90] : memref<128x128xf32, #tpu.memory_space<vmem>>, vector<128x128xf32>
    %convert_element_type3A_92 = arith.truncf %get3A_91 : vector<128x128xf32> to vector<128x128xbf16>
    %dot_general3A_93 = arith.constant dense<0.000000e+00> : vector<2048x128xf32>
    %dot_general3A_94 = tpu.matmul %convert_element_type3A_84, %convert_element_type3A_92, %dot_general3A_93 {dimension_numbers = #tpu.dot_dimension_numbers<[1], [0], [0], [1], [0, 0, 1, 1], [], []>, transpose_lhs_hint = false} : vector<2048x128xbf16>, vector<128x128xbf16>, vector<2048x128xf32> -> vector<2048x128xf32>
    %get3A_95 = arith.constant 0 : index
    %get3A_96 = arith.constant 0 : index
    %get3A_97 = vector.load %arg9[%get3A_95, %get3A_96] : memref<128x128xf32, #tpu.memory_space<vmem>>, vector<128x128xf32>
    %convert_element_type3A_98 = arith.truncf %get3A_97 : vector<128x128xf32> to vector<128x128xbf16>
    %dot_general3A_99 = arith.constant dense<0.000000e+00> : vector<2048x128xf32>
    %dot_general3A_100 = tpu.matmul %convert_element_type3A_88, %convert_element_type3A_98, %dot_general3A_99 {dimension_numbers = #tpu.dot_dimension_numbers<[1], [0], [0], [1], [0, 0, 1, 1], [], []>, transpose_lhs_hint = false} : vector<2048x128xbf16>, vector<128x128xbf16>, vector<2048x128xf32> -> vector<2048x128xf32>
    %add3A_101 = arith.addf %dot_general3A_94, %dot_general3A_100 : vector<2048x128xf32>
    %convert_element_type3A_102 = arith.truncf %add3A_80 : vector<2048x16xf32> to vector<2048x16xbf16>
    %get3A_103 = arith.constant 0 : index
    %get3A_104 = arith.constant 0 : index
    %get3A_105 = vector.load %arg10[%get3A_103, %get3A_104] : memref<16x128xf32, #tpu.memory_space<vmem>>, vector<16x128xf32>
    %convert_element_type3A_106 = arith.truncf %get3A_105 : vector<16x128xf32> to vector<16x128xbf16>
    %dot_general3A_107 = arith.constant dense<0.000000e+00> : vector<2048x128xf32>
    %dot_general3A_108 = tpu.matmul %convert_element_type3A_102, %convert_element_type3A_106, %dot_general3A_107 {dimension_numbers = #tpu.dot_dimension_numbers<[1], [0], [0], [1], [0, 0, 1, 1], [], []>, transpose_lhs_hint = false} : vector<2048x16xbf16>, vector<16x128xbf16>, vector<2048x128xf32> -> vector<2048x128xf32>
    %add3A_109 = arith.addf %add3A_101, %dot_general3A_108 : vector<2048x128xf32>
    %get3A_110 = arith.constant 0 : index
    %get3A_111 = arith.constant 0 : index
    %get3A_112 = vector.load %arg11[%get3A_110, %get3A_111] : memref<1x128xf32, #tpu.memory_space<vmem>>, vector<1x128xf32>
    %add3A_113 = vector.broadcast %get3A_112 : vector<1x128xf32> to vector<2048x128xf32>
    %add3A_114 = arith.addf %add3A_109, %add3A_113 : vector<2048x128xf32>
    %logistic3A_115 = arith.negf %add3A_114 : vector<2048x128xf32>
    %logistic3A_116 = math.exp %logistic3A_115 : vector<2048x128xf32>
    %logistic3A_117 = arith.constant 1.000000e+00 : f32
    %logistic3A_118 = vector.broadcast %logistic3A_117 : f32 to vector<2048x128xf32>
    %logistic3A_119 = arith.addf %logistic3A_118, %logistic3A_116 : vector<2048x128xf32>
    %logistic3A_120 = arith.divf %logistic3A_118, %logistic3A_119 : vector<2048x128xf32>
    %mul3A_121 = arith.mulf %add3A_114, %logistic3A_120 : vector<2048x128xf32>
    %convert_element_type3A_122 = arith.truncf %mul3A_121 : vector<2048x128xf32> to vector<2048x128xbf16>
    %get3A_123 = arith.constant 0 : index
    %get3A_124 = arith.constant 0 : index
    %get3A_125 = vector.load %arg12[%get3A_123, %get3A_124] : memref<128x128xf32, #tpu.memory_space<vmem>>, vector<128x128xf32>
    %convert_element_type3A_126 = arith.truncf %get3A_125 : vector<128x128xf32> to vector<128x128xbf16>
    %dot_general3A_127 = arith.constant dense<0.000000e+00> : vector<2048x128xf32>
    %dot_general3A_128 = tpu.matmul %convert_element_type3A_122, %convert_element_type3A_126, %dot_general3A_127 {dimension_numbers = #tpu.dot_dimension_numbers<[1], [0], [0], [1], [0, 0, 1, 1], [], []>, transpose_lhs_hint = false} : vector<2048x128xbf16>, vector<128x128xbf16>, vector<2048x128xf32> -> vector<2048x128xf32>
    %get3A_129 = arith.constant 0 : index
    %get3A_130 = arith.constant 0 : index
    %get3A_131 = vector.load %arg13[%get3A_129, %get3A_130] : memref<1x128xf32, #tpu.memory_space<vmem>>, vector<1x128xf32>
    %add3A_132 = vector.broadcast %get3A_131 : vector<1x128xf32> to vector<2048x128xf32>
    %add3A_133 = arith.addf %dot_general3A_128, %add3A_132 : vector<2048x128xf32>
    %swap3A = arith.constant 0 : index
    %swap3A_134 = arith.constant 0 : index
    %swap3A_135 = vector.load %arg19[%swap3A, %swap3A_134] : memref<2048x128xf32, #tpu.memory_space<vmem>>, vector<2048x128xf32>
    tpu.vector_store %arg19[%swap3A, %swap3A_134], %add3A_133 {strides = array<i32>} : memref<2048x128xf32, #tpu.memory_space<vmem>>, vector<2048x128xf32>,
    %get3A_136 = arith.constant 0 : index
    %get3A_137 = arith.constant 0 : index
    %get3A_138 = vector.load %arg14[%get3A_136, %get3A_137] : memref<128x128xf32, #tpu.memory_space<vmem>>, vector<128x128xf32>
    %convert_element_type3A_139 = arith.truncf %get3A_138 : vector<128x128xf32> to vector<128x128xbf16>
    %dot_general3A_140 = arith.constant dense<0.000000e+00> : vector<2048x128xf32>
    %dot_general3A_141 = tpu.matmul %convert_element_type3A_84, %convert_element_type3A_139, %dot_general3A_140 {dimension_numbers = #tpu.dot_dimension_numbers<[1], [0], [0], [1], [0, 0, 1, 1], [], []>, transpose_lhs_hint = false} : vector<2048x128xbf16>, vector<128x128xbf16>, vector<2048x128xf32> -> vector<2048x128xf32>
    %get3A_142 = arith.constant 0 : index
    %get3A_143 = arith.constant 0 : index
    %get3A_144 = vector.load %arg15[%get3A_142, %get3A_143] : memref<128x128xf32, #tpu.memory_space<vmem>>, vector<128x128xf32>
    %convert_element_type3A_145 = arith.truncf %get3A_144 : vector<128x128xf32> to vector<128x128xbf16>
    %dot_general3A_146 = arith.constant dense<0.000000e+00> : vector<2048x128xf32>
    %dot_general3A_147 = tpu.matmul %convert_element_type3A_88, %convert_element_type3A_145, %dot_general3A_146 {dimension_numbers = #tpu.dot_dimension_numbers<[1], [0], [0], [1], [0, 0, 1, 1], [], []>, transpose_lhs_hint = false} : vector<2048x128xbf16>, vector<128x128xbf16>, vector<2048x128xf32> -> vector<2048x128xf32>
    %add3A_148 = arith.addf %dot_general3A_141, %dot_general3A_147 : vector<2048x128xf32>
    %convert_element_type3A_149 = arith.truncf %add3A_80 : vector<2048x16xf32> to vector<2048x16xbf16>
    %get3A_150 = arith.constant 0 : index
    %get3A_151 = arith.constant 0 : index
    %get3A_152 = vector.load %arg16[%get3A_150, %get3A_151] : memref<16x128xf32, #tpu.memory_space<vmem>>, vector<16x128xf32>
    %convert_element_type3A_153 = arith.truncf %get3A_152 : vector<16x128xf32> to vector<16x128xbf16>
    %dot_general3A_154 = arith.constant dense<0.000000e+00> : vector<2048x128xf32>
    %dot_general3A_155 = tpu.matmul %convert_element_type3A_149, %convert_element_type3A_153, %dot_general3A_154 {dimension_numbers = #tpu.dot_dimension_numbers<[1], [0], [0], [1], [0, 0, 1, 1], [], []>, transpose_lhs_hint = false} : vector<2048x16xbf16>, vector<16x128xbf16>, vector<2048x128xf32> -> vector<2048x128xf32>
    %add3A_156 = arith.addf %add3A_148, %dot_general3A_155 : vector<2048x128xf32>
    %get3A_157 = arith.constant 0 : index
    %get3A_158 = arith.constant 0 : index
    %get3A_159 = vector.load %arg17[%get3A_157, %get3A_158] : memref<1x128xf32, #tpu.memory_space<vmem>>, vector<1x128xf32>
    %add3A_160 = vector.broadcast %get3A_159 : vector<1x128xf32> to vector<2048x128xf32>
    %add3A_161 = arith.addf %add3A_156, %add3A_160 : vector<2048x128xf32>
    %logistic3A_162 = arith.negf %add3A_161 : vector<2048x128xf32>
    %logistic3A_163 = math.exp %logistic3A_162 : vector<2048x128xf32>
    %logistic3A_164 = arith.constant 1.000000e+00 : f32
    %logistic3A_165 = vector.broadcast %logistic3A_164 : f32 to vector<2048x128xf32>
    %logistic3A_166 = arith.addf %logistic3A_165, %logistic3A_163 : vector<2048x128xf32>
    %logistic3A_167 = arith.divf %logistic3A_165, %logistic3A_166 : vector<2048x128xf32>
    %mul3A_168 = arith.mulf %add3A_161, %logistic3A_167 : vector<2048x128xf32>
    %get3A_169 = arith.constant 0 : index
    %get3A_170 = arith.constant 0 : index
    %get3A_171 = vector.load %arg18[%get3A_169, %get3A_170] : memref<1x128xf32, #tpu.memory_space<vmem>>, vector<1x128xf32>
    %dot_general3A_172 = arith.constant dense<0.000000e+00> : vector<1x2048xf32>
    %dot_general3A_173 = tpu.matmul %get3A_171, %mul3A_168, %dot_general3A_172 {dimension_numbers = #tpu.dot_dimension_numbers<[1], [1], [0], [0], [0, 0, 1, 0], [], []>, transpose_lhs_hint = false} : vector<1x128xf32>, vector<2048x128xf32>, vector<1x2048xf32> -> vector<1x2048xf32>
    %reshape3A = vector.shape_cast %dot_general3A_173 : vector<1x2048xf32> to vector<1x1x2048xf32>
    %swap3A_174 = arith.constant 0 : index
    %swap3A_175 = arith.constant 0 : index
    %swap3A_176 = arith.constant 0 : index
    %swap3A_177 = vector.load %arg20[%swap3A_174, %swap3A_175, %swap3A_176] : memref<1x1x2048xf32, #tpu.memory_space<vmem>>, vector<1x1x2048xf32>
    tpu.vector_store %arg20[%swap3A_174, %swap3A_175, %swap3A_176], %reshape3A {strides = array<i32>} : memref<1x1x2048xf32, #tpu.memory_space<vmem>>, vector<1x1x2048xf32>,
    return
  }
  func.func @transform_0(%arg0: i32) -> (i32, i32) {
    %c0_i32 = arith.constant 0 : i32
    %c0_i32_0 = arith.constant 0 : i32
    return %arg0, %c0_i32 : i32, i32
  }
  func.func @transform_1(%arg0: i32) -> (i32, i32) {
    %c0_i32 = arith.constant 0 : i32
    %c0_i32_0 = arith.constant 0 : i32
    return %arg0, %c0_i32 : i32, i32
  }
  func.func @transform_2(%arg0: i32) -> (i32, i32) {
    %c0_i32 = arith.constant 0 : i32
    %c0_i32_0 = arith.constant 0 : i32
    return %arg0, %c0_i32 : i32, i32
  }
  func.func @transform_3(%arg0: i32) -> (i32, i32) {
    %c0_i32 = arith.constant 0 : i32
    %c0_i32_0 = arith.constant 0 : i32
    %c0_i32_1 = arith.constant 0 : i32
    return %c0_i32, %c0_i32_0 : i32, i32
  }
  func.func @transform_4(%arg0: i32) -> (i32, i32) {
    %c0_i32 = arith.constant 0 : i32
    %c0_i32_0 = arith.constant 0 : i32
    %c0_i32_1 = arith.constant 0 : i32
    return %c0_i32, %c0_i32_0 : i32, i32
  }
  func.func @transform_5(%arg0: i32) -> (i32, i32) {
    %c0_i32 = arith.constant 0 : i32
    %c0_i32_0 = arith.constant 0 : i32
    %c0_i32_1 = arith.constant 0 : i32
    return %c0_i32, %c0_i32_0 : i32, i32
  }
  func.func @transform_6(%arg0: i32) -> (i32, i32) {
    %c0_i32 = arith.constant 0 : i32
    %c0_i32_0 = arith.constant 0 : i32
    %c0_i32_1 = arith.constant 0 : i32
    return %c0_i32, %c0_i32_0 : i32, i32
  }
  func.func @transform_7(%arg0: i32) -> (i32, i32) {
    %c0_i32 = arith.constant 0 : i32
    %c0_i32_0 = arith.constant 0 : i32
    %c0_i32_1 = arith.constant 0 : i32
    return %c0_i32, %c0_i32_0 : i32, i32
  }
  func.func @transform_8(%arg0: i32) -> (i32, i32) {
    %c0_i32 = arith.constant 0 : i32
    %c0_i32_0 = arith.constant 0 : i32
    %c0_i32_1 = arith.constant 0 : i32
    return %c0_i32, %c0_i32_0 : i32, i32
  }
  func.func @transform_9(%arg0: i32) -> (i32, i32) {
    %c0_i32 = arith.constant 0 : i32
    %c0_i32_0 = arith.constant 0 : i32
    %c0_i32_1 = arith.constant 0 : i32
    return %c0_i32, %c0_i32_0 : i32, i32
  }
  func.func @transform_10(%arg0: i32) -> (i32, i32) {
    %c0_i32 = arith.constant 0 : i32
    %c0_i32_0 = arith.constant 0 : i32
    %c0_i32_1 = arith.constant 0 : i32
    return %c0_i32, %c0_i32_0 : i32, i32
  }
  func.func @transform_11(%arg0: i32) -> (i32, i32) {
    %c0_i32 = arith.constant 0 : i32
    %c0_i32_0 = arith.constant 0 : i32
    %c0_i32_1 = arith.constant 0 : i32
    return %c0_i32, %c0_i32_0 : i32, i32
  }
  func.func @transform_12(%arg0: i32) -> (i32, i32) {
    %c0_i32 = arith.constant 0 : i32
    %c0_i32_0 = arith.constant 0 : i32
    %c0_i32_1 = arith.constant 0 : i32
    return %c0_i32, %c0_i32_0 : i32, i32
  }
  func.func @transform_13(%arg0: i32) -> (i32, i32) {
    %c0_i32 = arith.constant 0 : i32
    %c0_i32_0 = arith.constant 0 : i32
    %c0_i32_1 = arith.constant 0 : i32
    return %c0_i32, %c0_i32_0 : i32, i32
  }
  func.func @transform_14(%arg0: i32) -> (i32, i32) {
    %c0_i32 = arith.constant 0 : i32
    %c0_i32_0 = arith.constant 0 : i32
    %c0_i32_1 = arith.constant 0 : i32
    return %c0_i32, %c0_i32_0 : i32, i32
  }
  func.func @transform_15(%arg0: i32) -> (i32, i32) {
    %c0_i32 = arith.constant 0 : i32
    %c0_i32_0 = arith.constant 0 : i32
    %c0_i32_1 = arith.constant 0 : i32
    return %c0_i32, %c0_i32_0 : i32, i32
  }
  func.func @transform_16(%arg0: i32) -> (i32, i32) {
    %c0_i32 = arith.constant 0 : i32
    %c0_i32_0 = arith.constant 0 : i32
    %c0_i32_1 = arith.constant 0 : i32
    return %c0_i32, %c0_i32_0 : i32, i32
  }
  func.func @transform_17(%arg0: i32) -> (i32, i32) {
    %c0_i32 = arith.constant 0 : i32
    %c0_i32_0 = arith.constant 0 : i32
    %c0_i32_1 = arith.constant 0 : i32
    return %c0_i32, %c0_i32_0 : i32, i32
  }
  func.func @transform_18(%arg0: i32) -> (i32, i32) {
    %c0_i32 = arith.constant 0 : i32
    %c0_i32_0 = arith.constant 0 : i32
    return %arg0, %c0_i32 : i32, i32
  }
  func.func @transform_19(%arg0: i32) -> (i32, i32, i32) {
    %c0_i32 = arith.constant 0 : i32
    %c0_i32_0 = arith.constant 0 : i32
    %c0_i32_1 = arith.constant 0 : i32
    return %arg0, %c0_i32, %c0_i32_0 : i32, i32, i32
  }
}

</mosaic_0001>

<sc_bundles>
// kernel: kernel.12.cloned.1.call-start
scs
__scs_entry_jumppad:
0x0: {  	(pc) =	sbr.rel $0x88, $3  }
0x1: {  	(tag) =	ssettag $0x0;
	lr =	simm.s32 $0x1  }
0x2: {  	[smem:$0x3F92] =	sst lr;
	_ =	strace $0xD0000000  }
0x3: {  	_ = 	snop  }
0x4: {  	_ = 	snop  }
0x5: {  	_ = 	snop  }
0x6: {  	_ = 	snop  }
0x7: {  	_ = 	snop  }
__scs_overlays_trampoline_lowered:
0x8: {  	[smem:$0x3FA1] =	sst s0  }
0x9: {  	[smem:$0x3FA2] =	sst s1  }
0xa: {  	[smem:$0x3FA3] =	sst s2  }
0xb: {  	[smem:$0x3FA4] =	sst s3  }
0xc: {  	[smem:$0x3FA5] =	sst s4  }
0xd: {  	[smem:$0x3FA6] =	sst s5  }
0xe: {  	[smem:$0x3FA7] =	sst s6  }
0xf: {  	[smem:$0x3FA8] =	sst s7  }
0x10: {  	[smem:$0x3FA9] =	sst s8  }
0x11: {  	[smem:$0x3FAA] =	sst s9;
	s0 =	simm.s32 @!p0 $0x0  }
0x12: {  	s1 =	sld [smem:$0x3F90];
	s0 =	simm.s32 @p0 $0x1  }
0x13: {  	[smem:$0x3FAB] =	sst s0;
	s0 =	simm.s32 @!p1 $0x0  }
0x14: {  	s2 =	sld [smem:$0x3F8F];
	s0 =	simm.s32 @p1 $0x1  }
0x15: {  	[smem:$0x3FAC] =	sst s0;
	s0 =	simm.s32 @!p2 $0x0  }
0x16: {  	s3 =	sld [smem:$0x3FDB];
	s0 =	simm.s32 @p2 $0x1  }
0x17: {  	s4 =	simm.s32 $0x1BF5;
	[smem:$0x3FAE] =	sst s0  }
0x18: {  	s0 =	sld [smem:$0x3F91];
	_ =	swait.ge [sflag:s4], $0x0  }
0x19: {  	s7 =	sld [smem:$0x3F92]  }
0x1a: {  	s8 =	sadd.s32 $0xFFFFE003, lr  }
0x1b: {  	s9 =	sadd.s32 $0xFFFFFEF7, lr;
	s5 =	simm.s32 $0xFFFFFFFF;
	p2 =	slt.u32 s8, $0xFFFFF086  }
0x1c: {  	p1 =	slt.u32 s9, $0xF7A;
	s5 =	simm.s32 @!p2 $0x0  }
0x1d: {  	s5 =	simm.s32 @p1 $0x1;
	p0 =	seq.s32 s7, s2  }
0x1e: {  	s7 =	smul.u32 @!p0 $0xF7A, s2;
	p2 =	seq.s32 @!p0 s5, $0x0  }
0x1f: {  	s9 =	smul.u32 $0xF7A, s1;
	s8 =	simm.s32 @!p0 $0x1BF5;
	p2 =	por !p2, p0  }
0x20: {  	[sflag:s8] =	ssyncset.s32 @!p0 $0xFFFFF086;
	s6 =	sadd.s32 @!p0 s3, s7;
	s7 =	simm.s32 @!p0 $0x108  }
0x21: {  	s3 =	sadd.s32 s3, s9;
	s6 =	sadd.s32 @!p0 $0x88, s6;
	s7 =	simm.s32 @p2 $0x1082  }
0x22: {  	[simem:s7], [sflag:s8] =	dma.local @!p0 [hbm:s6], $0xF7A  }
0x23: {  	s9 =	sor.u32 $0xD0000000, s2;
	s6 =	simm.s32 $0x108;
	_ =	swait.ge @!p0 [sflag:s8], $0x0  }
0x24: {  	s3 =	sadd.s32 $0x88, s3;
	s6 =	simm.s32 @!p1 $0x1082;
	[sflag:s4] =	ssyncset.s32 $0xFFFFF086  }
0x25: {  	[simem:s6], [sflag:s4] =	dma.local [hbm:s3], $0xF7A  }
0x26: {  	[smem:$0x3F92] =	sst s1;
	(tag) =	ssettag s2;
	_ =	strace s9  }
0x27: {  	s1 =	sld [smem:$0x3FA2]  }
0x28: {  	s2 =	sld [smem:$0x3FA3]  }
0x29: {  	s4 =	sld [smem:$0x3FA5]  }
0x2a: {  	p0 =	seq.s32 s5, $0x0;
	s5 =	sld [smem:$0x3FA6]  }
0x2b: {  	s6 =	sld [smem:$0x3FA7]  }
0x2c: {  	s7 =	sld [smem:$0x3FA8]  }
0x2d: {  	s3 =	simm.s32 $0x108;
	s8 =	sld [smem:$0x3FA9]  }
0x2e: {  	s3 =	simm.s32 @!p0 $0x1082;
	s9 =	sld [smem:$0x3FAA]  }
0x2f: {  	lr =	sadd.s32 s0, s3;
	s0 =	sld [smem:$0x3FA1]  }
0x30: {  	s3 =	sld [smem:$0x3FA4]  }
0x31: {  	[smem:$0x3FAD] =	sst s10  }
0x32: {  	s10 =	sld [smem:$0x3FAB];
	_ =	sdelay $0x3  }
0x33: {  	p0 =	seq.s32 s10, $0x1;
	s10 =	sld [smem:$0x3FAD];
	_ =	sdelay $0x3  }
0x34: {  	[smem:$0x3FAD] =	sst s10  }
0x35: {  	s10 =	sld [smem:$0x3FAC];
	_ =	sdelay $0x3  }
0x36: {  	p1 =	seq.s32 s10, $0x1;
	s10 =	sld [smem:$0x3FAD];
	_ =	sdelay $0x3  }
0x37: {  	[smem:$0x3FAD] =	sst s10  }
0x38: {  	s10 =	sld [smem:$0x3FAE]  }
0x39: {  	_ = 	snop;
	(pc) =	sbr.ind lr, $3  }
0x3a: {  	_ = 	snop  }
0x3b: {  	_ = 	snop  }
0x3c: {  	p2 =	seq.s32 s10, $0x1;
	s10 =	sld [smem:$0x3FAD]  }
0x3d: {  	_ =	shalt  }
0x3e: {  	_ =	shalt  }
0x3f: {  	_ =	shalt  }
0x40: {  	_ =	shalt  }
0x41: {  	_ =	shalt  }
0x42: {  	_ =	shalt  }
0x43: {  	_ =	shalt  }
0x44: {  	_ =	shalt  }
0x45: {  	_ =	shalt  }
0x46: {  	_ =	shalt  }
0x47: {  	_ =	shalt  }
0x48: {  	_ =	shalt  }
0x49: {  	_ =	shalt  }
0x4a: {  	_ =	shalt  }
0x4b: {  	_ =	shalt  }
0x4c: {  	_ =	shalt  }
0x4d: {  	_ =	shalt  }
0x4e: {  	_ =	shalt  }
0x4f: {  	_ =	shalt  }
0x50: {  	_ =	shalt  }
0x51: {  	_ =	shalt  }
0x52: {  	_ =	shalt  }
0x53: {  	_ =	shalt  }
0x54: {  	_ =	shalt  }
0x55: {  	_ =	shalt  }
0x56: {  	_ =	shalt  }
0x57: {  	_ =	shalt  }
0x58: {  	_ =	shalt  }
0x59: {  	_ =	shalt  }
0x5a: {  	_ =	shalt  }
0x5b: {  	_ =	shalt  }
0x5c: {  	_ =	shalt  }
0x5d: {  	_ =	shalt  }
0x5e: {  	_ =	shalt  }
0x5f: {  	_ =	shalt  }
0x60: {  	_ =	shalt  }
0x61: {  	_ =	shalt  }
0x62: {  	_ =	shalt  }
0x63: {  	_ =	shalt  }
0x64: {  	_ =	shalt  }
0x65: {  	_ =	shalt  }
0x66: {  	_ =	shalt  }
0x67: {  	_ =	shalt  }
0x68: {  	_ =	shalt  }
0x69: {  	_ =	shalt  }
0x6a: {  	_ =	shalt  }
0x6b: {  	_ =	shalt  }
0x6c: {  	_ =	shalt  }
0x6d: {  	_ =	shalt  }
0x6e: {  	_ =	shalt  }
0x6f: {  	_ =	shalt  }
0x70: {  	_ =	shalt  }
0x71: {  	_ =	shalt  }
0x72: {  	_ =	shalt  }
0x73: {  	_ =	shalt  }
0x74: {  	_ =	shalt  }
0x75: {  	_ =	shalt  }
0x76: {  	_ =	shalt  }
0x77: {  	_ =	shalt  }
0x78: {  	_ =	shalt  }
0x79: {  	_ =	shalt  }
0x7a: {  	_ =	shalt  }
0x7b: {  	_ =	shalt  }
0x7c: {  	_ =	shalt  }
0x7d: {  	_ =	shalt  }
0x7e: {  	_ =	shalt  }
0x7f: {  	_ =	shalt  }
0x80: {  	_ =	shalt  }
0x81: {  	_ =	shalt  }
0x82: {  	_ =	shalt  }
0x83: {  	_ =	shalt  }
0x84: {  	_ =	shalt  }
0x85: {  	_ =	shalt  }
0x86: {  	_ =	shalt  }
0x87: {  	_ =	shalt  }
.Lfunc_end0:
.L_simem_size_0:
called_computation.2_lowered:
.L_overlay_start_0:
0x88: {  	s2 =	sld [smem:$0x3FD9]  }
0x89: {  	s3 =	sld [smem:$0x3FFE];
	_ =	sdelay $0x1  }
0x8a: {  	s1 =	srdreg.scid  }
0x8b: {  	s0 =	sand.u32 $0x1, s1  }
0x8c: {  	s16 =	sshll.u32 s0, $0xA;
	s2 =	sadd.s32 s3, s2  }
0x8d: {  	s2 =	sadd.s32 s2, s16  }
0x8e: {  	[smem:$0x3FB9] =	sst s2  }
0x8f: {  	_ = 	snop  }
0x90: {  	(tm) =	ssettm $0x1  }
0x91: {  	s17 =	sld [smem:$0x3FFB];
	_ =	sdelay $0x3  }
0x92: {  	_ =	strace s17  }
0x93: {  	s2 =	sld [smem:$0x3FFC];
	_ =	sdelay $0x3  }
0x94: {  	_ =	strace s2  }
0x95: {  	s2 =	sld [smem:$0x3FFD];
	_ =	sdelay $0x3  }
0x96: {  	_ =	strace s2  }
0x97: {  	_ =	strace $0x8FFFFFFF  }
0x98: {  	s18 =	sld [smem:$0x3FDB];
	_ =	sdelay $0x1  }
0x99: {  	s19 =	simm.s32 $_scs_section_size  }
0x9a: {  	s4 =	simm.s32 $_size__tile_overlayer_lowered;
	s5 =	simm.s32 $_tile_overlayer_lowered  }
0x9b: {  	s22 =	simm.s32 $0x1BFF;
	s21 =	sshll.u32 s5, $0x1;
	s2 =	sadd.s32 s19, s18  }
0x9c: {  	s6 =	simm.s32 $0x0;
	s20 =	sshll.u32 s4, $0x1;
	s4 =	sadd.s32 s21, s2  }
0x9d: {  	[timem:s6], [sflag:s22] =	dma.local [hbm:s4], s20  }
0x9e: {  	_ =	swait.ge [sflag:s22], s20  }
0x9f: {  	s3 =	ssub.s32 $0x0, s20;
	[sflag:s22] =	ssyncset.done $0x0  }
0xa0: {  	[sflag:s22] =	ssyncadd.s32 s3;
	_ =	sdelay $0x1  }
0xa1: {  	s23 =	simm.s32 $0x1B8B  }
0xa2: {  	_ =	swait.ge [sflag:s23], $0x1  }
0xa3: {  	[sflag:s23] =	ssyncset.done $0x0  }
0xa4: {  	s25 =	simm.s32 $0x1B8E;
	s24 =	sld [smem:$0x3FFE];
	[sflag:s23] =	ssyncadd.s32 $0xFFFFFFFF  }
0xa5: {  	s26 =	simm.s32 $execute0_lowered;
	[smem:$0x3FD2] =	sst s25  }
0xa6: {  	s4 =	sshll.u32 s26, $0x1;
	_ =	strace $0x80000049;
	[dreg:$0x1] =	wrdreg $0xFFFFFFFF  }
0xa7: {  	s28 =	simm.s32 $_size_execute0_lowered;
	s2 =	sadd.s32 s2, s4;
	[dreg:$0x0] =	wrdreg $0x0  }
0xa8: {  	s4 =	sshll.u32 s28, $0x1;
	[dreg:$0x2] =	wrdreg s2  }
0xa9: {  	[dreg:$0x3] =	wrdreg s4  }
0xaa: {  	[dreg:$0x4] =	wrdreg $0xC0  }
0xab: {  	_ =	task [dreg:s6], $0x5FFFF  }
0xac: {  	[dreg:$0x1] =	wrdreg $0xFFFFFFFF  }
0xad: {  	[dreg:$0x0] =	wrdreg $0x60  }
0xae: {  	[dreg:$0x2] =	wrdreg s24  }
0xaf: {  	[dreg:$0x3] =	wrdreg $0xA  }
0xb0: {  	_ =	task.clear_ibuf [dreg:s6], $0x4FFFF;
	_ =	strace $0x90000049  }
0xb1: {  	s29 =	simm.s32 $0xA;
	_ =	strace $0x8000004B  }
0xb2: {  	_ =	swait.ge [sflag:s29], $0x1  }
0xb3: {  	[sflag:s29] =	ssyncadd.s32 $0xFFFFFFFF  }
0xb4: {  	_ =	strace $0x9000004B  }
0xb5: {  	_ =	sfence  }
0xb6: {  	s30 =	sld [smem:$0x0];
	_ =	sdelay $0x2  }
0xb7: {  	s31 =	sshll.u32 s1, $0xD;
	s1 =	sshrl.u32 s1, $0x2  }
0xb8: {  	s3 =	sand.u32 $0x4000, s31;
	s1 =	sadd.s32 s1, s30  }
0xb9: {  	s0 =	sor.u32 s3, s0;
	s1 =	sshll.u32 s1, $0x11  }
0xba: {  	s0 =	sor.u32 s1, s0  }
0xbb: {  	s0 =	sadd.s32 $0x8F2B, s0  }
0xbc: {  	[sflag:s0] =	ssyncadd.remote.s32 $0x1  }
0xbd: {  	_ =	sfence.sel $0xFFFF  }
0xbe: {  	[dreg:$0x0] =	wrdreg $0xFFFFFFFF;
	(pc) =	sbr.abs _section_cstart, $3  }
0xbf: {  	[dreg:$0x1] =	wrdreg $0xFFFFFFFF  }
0xc0: {  	_ =	task.clear_ibuf [dreg:s6], $0x2FFFF;
	_ =	strace $0x9FFFFFFF  }
0xc1: {  	(tm) =	ssettm $0x7FFFFFFF  }
tec
execute0_lowered:
.L_overlay_start_1:
0x0: {  	(tag) =	ssettag $0x1  }
0x1: {  	s1 =	srdreg.scid  }
0x2: {  	s0 =	stileid.u32;
	s5 =	rddreg [dreg:$0x0]  }
0x3: {  	s2 =	simm.s32 $0x0;
	s10 =	simm.s32 $0x4B0;
	s11 =	simm.s32 $0x1  }
0x4: {  	s12 =	simm.s32 $0xA0F0;
	s13 =	simm.s32 $0x190;
	s14 =	simm.s32 $0x320  }
0x5: {  	s15 =	simm.s32 $0x0;
	s3 =	sand.u32 $0x1, s1;
	s4 =	smul.u32 $0x4E20, s0  }
0x6: {  	s1 =	rddreg [dreg:$0x1];
	s7 =	sshll.u32 s0, $0x1;
	s6 =	smul.u32 $0x2710, s3  }
0x7: {  	[smem:$0x7FF] =	sst s2;
	s29 =	sor.u32 s3, s7;
	s30 =	ssub.s32 $0x2, s3  }
0x8: {  	_ =	strace $0x8000004A;
	s4 =	sadd.s32 s6, s4;
	s6 =	smul.u32 $0x1388, s29  }
0x9: {  	s3 =	sadd.s32 $0x9E6800, s5;
	s31 =	sshrl.u32 s30, $0x1;
	s4 =	sshrl.u32 s4, $0x3  }
0xa: {  	s7 =	ssub.s32 s30, s31;
	s9 =	sadd.s32 s4, s5;
	s6 =	sadd.s32 s6, s5  }
0xb: {  	s4 =	sadd.s32 $0x20600, s5;
	s5 =	sadd.s32 $0x21A00, s6;
	s6 =	smax.u32 s7, $0x1  }
0xc: {  	s7 =	sadd.s32 $0x16800, s9;
	s8 =	sadd.s32 $0xCA00, s9;
	s9 =	sadd.s32 $0x2C00, s9  }
.LBB2_1:
0xd: {  	[tilespmem:s10], [sflag:$0x1] =	stream.linear.gather [hbm4b:s3+s2], $0x9C40, $0x38;
	[tilespmem:$0x13D30] =	vst v63  }
0xe: {  	_ =	swait.ge [sflag:s11], $0x9C40  }
0xf: {  	[sflag:s11] =	ssyncset.done $0x0  }
0x10: {  	[sflag:s11] =	ssyncadd.s32 $0xFFFF63C0  }
0x11: {  	[tilespmem:s12], [sflag:$0x1] =	stream.linear.gather [hbm4b:s4+s2], $0x9C40, $0x38;
	[tilespmem:$0x13D30] =	vst v63  }
0x12: {  	_ =	swait.ge [sflag:s11], $0x9C40  }
0x13: {  	[sflag:s11] =	ssyncset.done $0x0  }
0x14: {  	s16 =	simm.s32 $0x0;
	[sflag:s11] =	ssyncadd.s32 $0xFFFF63C0  }
.LBB2_2:
0x15: {  	s17 =	sadd.s32 s16, s9  }
0x16: {  	[tilespmem:s2], [sflag:$0x1] =	stream.linear.gather [hbm4b:s17+s2], $0x190, $0x38;
	[tilespmem:$0x13D30] =	vst v63  }
0x17: {  	_ =	swait.ge [sflag:s11], $0x190  }
0x18: {  	[sflag:s11] =	ssyncset.done $0x0  }
0x19: {  	s30 =	sadd.s32 s16, s8;
	[sflag:s11] =	ssyncadd.s32 $0xFFFFFE70  }
0x1a: {  	[tilespmem:s13], [sflag:$0x1] =	stream.linear.gather [hbm4b:s30+s2], $0x190, $0x38;
	[tilespmem:$0x13D30] =	vst v63  }
0x1b: {  	_ =	swait.ge [sflag:s11], $0x190  }
0x1c: {  	[sflag:s11] =	ssyncset.done $0x0  }
0x1d: {  	s31 =	sadd.s32 s16, s7;
	[sflag:s11] =	ssyncadd.s32 $0xFFFFFE70  }
0x1e: {  	[tilespmem:s14], [sflag:$0x1] =	stream.linear.gather [hbm4b:s31+s2], $0x190, $0x38;
	[tilespmem:$0x13D30] =	vst v63  }
0x1f: {  	_ =	swait.ge [sflag:s11], $0x190  }
0x20: {  	[sflag:s11] =	ssyncset.done $0x0  }
0x21: {  	[sflag:s11] =	ssyncadd.s32 $0xFFFFFE70  }
0x22: {  	v0 =	vld [tilespmem:$0x0]  }
0x23: {  	v1 =	vld [tilespmem:$0x190];
	_ =	sdelay $0x3  }
0x24: {  	v0 =	vshll.u32 v0, $0x2  }
0x25: {  	v1 =	vshll.u32 v1, $0x2;
	_ =	sdelay $0x3  }
0x26: {  	v2 =	vld.idx.msk [tilespmem:v0+s10+$0x0], $0xffff  }
0x27: {  	v3 =	vld.idx.msk [tilespmem:v1+s10+$0x0], $0xffff;
	_ =	sdelay $0x1  }
0x28: {  	v4 =	vld [tilespmem:$0x320];
	_ =	sdelay $0x2  }
0x29: {  	v30 =	vor.u32 $0x1, v0;
	v2 =	vsub.f32 v2, v3  }
0x2a: {  	v5 =	vor.u32 $0x1, v1  }
0x2b: {  	v2 =	vmul.f32 v2, v4;
	_ =	sdelay $0x1  }
0x2c: {  	[tilespmem:v1+s12+$0x0] =	vst.idx.add.f32.msk $0xffff, v2  }
0x2d: {  	v2 =	vld.idx.msk [tilespmem:v30+s10+$0x0], $0xffff  }
0x2e: {  	v31 =	vld.idx.msk [tilespmem:v5+s10+$0x0], $0xffff;
	_ =	sdelay $0x4  }
0x2f: {  	v0 =	vor.u32 $0x2, v0;
	v2 =	vsub.f32 v2, v31  }
0x30: {  	v1 =	vor.u32 $0x2, v1  }
0x31: {  	v2 =	vmul.f32 v2, v4;
	_ =	sdelay $0x1  }
0x32: {  	[tilespmem:v5+s12+$0x0] =	vst.idx.add.f32.msk $0xffff, v2  }
0x33: {  	v0 =	vld.idx.msk [tilespmem:v0+s10+$0x0], $0xffff  }
0x34: {  	v2 =	vld.idx.msk [tilespmem:v1+s10+$0x0], $0xffff;
	_ =	sdelay $0x4  }
0x35: {  	v0 =	vsub.f32 v0, v2;
	_ =	sdelay $0x1  }
0x36: {  	v0 =	vmul.f32 v0, v4;
	_ =	sdelay $0x1  }
0x37: {  	[tilespmem:v1+s12+$0x0] =	vst.idx.add.f32.msk $0xffff, v0  }
0x38: {  	v0 =	vld [tilespmem:$0x10]  }
0x39: {  	v1 =	vld [tilespmem:$0x1A0];
	_ =	sdelay $0x3  }
0x3a: {  	v0 =	vshll.u32 v0, $0x2  }
0x3b: {  	v1 =	vshll.u32 v1, $0x2;
	_ =	sdelay $0x3  }
0x3c: {  	v32 =	vld.idx.msk [tilespmem:v0+s10+$0x0], $0xffff  }
0x3d: {  	v33 =	vld.idx.msk [tilespmem:v1+s10+$0x0], $0xffff;
	_ =	sdelay $0x1  }
0x3e: {  	v34 =	vld [tilespmem:$0x330];
	_ =	sdelay $0x2  }
0x3f: {  	v35 =	vor.u32 $0x1, v0;
	v2 =	vsub.f32 v32, v33  }
0x40: {  	v36 =	vor.u32 $0x1, v1  }
0x41: {  	v2 =	vmul.f32 v2, v34;
	_ =	sdelay $0x1  }
0x42: {  	[tilespmem:v1+s12+$0x0] =	vst.idx.add.f32.msk $0xffff, v2  }
0x43: {  	v2 =	vld.idx.msk [tilespmem:v35+s10+$0x0], $0xffff  }
0x44: {  	v37 =	vld.idx.msk [tilespmem:v36+s10+$0x0], $0xffff;
	_ =	sdelay $0x4  }
0x45: {  	v0 =	vor.u32 $0x2, v0;
	v2 =	vsub.f32 v2, v37  }
0x46: {  	v1 =	vor.u32 $0x2, v1  }
0x47: {  	v2 =	vmul.f32 v2, v34;
	_ =	sdelay $0x1  }
0x48: {  	[tilespmem:v36+s12+$0x0] =	vst.idx.add.f32.msk $0xffff, v2  }
0x49: {  	v0 =	vld.idx.msk [tilespmem:v0+s10+$0x0], $0xffff  }
0x4a: {  	v2 =	vld.idx.msk [tilespmem:v1+s10+$0x0], $0xffff;
	_ =	sdelay $0x4  }
0x4b: {  	v0 =	vsub.f32 v0, v2;
	_ =	sdelay $0x1  }
0x4c: {  	v0 =	vmul.f32 v0, v34;
	_ =	sdelay $0x1  }
0x4d: {  	[tilespmem:v1+s12+$0x0] =	vst.idx.add.f32.msk $0xffff, v0  }
0x4e: {  	v0 =	vld [tilespmem:$0x20]  }
0x4f: {  	v1 =	vld [tilespmem:$0x1B0];
	_ =	sdelay $0x3  }
0x50: {  	v0 =	vshll.u32 v0, $0x2  }
0x51: {  	v1 =	vshll.u32 v1, $0x2;
	_ =	sdelay $0x3  }
0x52: {  	v38 =	vld.idx.msk [tilespmem:v0+s10+$0x0], $0xffff  }
0x53: {  	v39 =	vld.idx.msk [tilespmem:v1+s10+$0x0], $0xffff;
	_ =	sdelay $0x1  }
0x54: {  	v40 =	vld [tilespmem:$0x340];
	_ =	sdelay $0x2  }
0x55: {  	v41 =	vor.u32 $0x1, v0;
	v2 =	vsub.f32 v38, v39  }
0x56: {  	v42 =	vor.u32 $0x1, v1  }
0x57: {  	v2 =	vmul.f32 v2, v40;
	_ =	sdelay $0x1  }
0x58: {  	[tilespmem:v1+s12+$0x0] =	vst.idx.add.f32.msk $0xffff, v2  }
0x59: {  	v2 =	vld.idx.msk [tilespmem:v41+s10+$0x0], $0xffff  }
0x5a: {  	v43 =	vld.idx.msk [tilespmem:v42+s10+$0x0], $0xffff;
	_ =	sdelay $0x4  }
0x5b: {  	v0 =	vor.u32 $0x2, v0;
	v2 =	vsub.f32 v2, v43  }
0x5c: {  	v1 =	vor.u32 $0x2, v1  }
0x5d: {  	v2 =	vmul.f32 v2, v40;
	_ =	sdelay $0x1  }
0x5e: {  	[tilespmem:v42+s12+$0x0] =	vst.idx.add.f32.msk $0xffff, v2  }
0x5f: {  	v0 =	vld.idx.msk [tilespmem:v0+s10+$0x0], $0xffff  }
0x60: {  	v2 =	vld.idx.msk [tilespmem:v1+s10+$0x0], $0xffff;
	_ =	sdelay $0x4  }
0x61: {  	v0 =	vsub.f32 v0, v2;
	_ =	sdelay $0x1  }
0x62: {  	v0 =	vmul.f32 v0, v40;
	_ =	sdelay $0x1  }
0x63: {  	[tilespmem:v1+s12+$0x0] =	vst.idx.add.f32.msk $0xffff, v0  }
0x64: {  	v0 =	vld [tilespmem:$0x30]  }
0x65: {  	v1 =	vld [tilespmem:$0x1C0];
	_ =	sdelay $0x3  }
0x66: {  	v0 =	vshll.u32 v0, $0x2  }
0x67: {  	v1 =	vshll.u32 v1, $0x2;
	_ =	sdelay $0x3  }
0x68: {  	v44 =	vld.idx.msk [tilespmem:v0+s10+$0x0], $0xffff  }
0x69: {  	v45 =	vld.idx.msk [tilespmem:v1+s10+$0x0], $0xffff;
	_ =	sdelay $0x1  }
0x6a: {  	v46 =	vld [tilespmem:$0x350];
	_ =	sdelay $0x2  }
0x6b: {  	v47 =	vor.u32 $0x1, v0;
	v2 =	vsub.f32 v44, v45  }
0x6c: {  	v48 =	vor.u32 $0x1, v1  }
0x6d: {  	v2 =	vmul.f32 v2, v46;
	_ =	sdelay $0x1  }
0x6e: {  	[tilespmem:v1+s12+$0x0] =	vst.idx.add.f32.msk $0xffff, v2  }
0x6f: {  	v2 =	vld.idx.msk [tilespmem:v47+s10+$0x0], $0xffff  }
0x70: {  	v49 =	vld.idx.msk [tilespmem:v48+s10+$0x0], $0xffff;
	_ =	sdelay $0x4  }
0x71: {  	v0 =	vor.u32 $0x2, v0;
	v2 =	vsub.f32 v2, v49  }
0x72: {  	v1 =	vor.u32 $0x2, v1  }
0x73: {  	v2 =	vmul.f32 v2, v46;
	_ =	sdelay $0x1  }
0x74: {  	[tilespmem:v48+s12+$0x0] =	vst.idx.add.f32.msk $0xffff, v2  }
0x75: {  	v0 =	vld.idx.msk [tilespmem:v0+s10+$0x0], $0xffff  }
0x76: {  	v2 =	vld.idx.msk [tilespmem:v1+s10+$0x0], $0xffff;
	_ =	sdelay $0x4  }
0x77: {  	v0 =	vsub.f32 v0, v2;
	_ =	sdelay $0x1  }
0x78: {  	v0 =	vmul.f32 v0, v46;
	_ =	sdelay $0x1  }
0x79: {  	[tilespmem:v1+s12+$0x0] =	vst.idx.add.f32.msk $0xffff, v0  }
0x7a: {  	v0 =	vld [tilespmem:$0x40]  }
0x7b: {  	v1 =	vld [tilespmem:$0x1D0];
	_ =	sdelay $0x3  }
0x7c: {  	v0 =	vshll.u32 v0, $0x2  }
0x7d: {  	v1 =	vshll.u32 v1, $0x2;
	_ =	sdelay $0x3  }
0x7e: {  	v50 =	vld.idx.msk [tilespmem:v0+s10+$0x0], $0xffff  }
0x7f: {  	v51 =	vld.idx.msk [tilespmem:v1+s10+$0x0], $0xffff;
	_ =	sdelay $0x1  }
0x80: {  	v52 =	vld [tilespmem:$0x360];
	_ =	sdelay $0x2  }
0x81: {  	v53 =	vor.u32 $0x1, v0;
	v2 =	vsub.f32 v50, v51  }
0x82: {  	v54 =	vor.u32 $0x1, v1  }
0x83: {  	v2 =	vmul.f32 v2, v52;
	_ =	sdelay $0x1  }
0x84: {  	[tilespmem:v1+s12+$0x0] =	vst.idx.add.f32.msk $0xffff, v2  }
0x85: {  	v2 =	vld.idx.msk [tilespmem:v53+s10+$0x0], $0xffff  }
0x86: {  	v55 =	vld.idx.msk [tilespmem:v54+s10+$0x0], $0xffff;
	_ =	sdelay $0x4  }
0x87: {  	v0 =	vor.u32 $0x2, v0;
	v2 =	vsub.f32 v2, v55  }
0x88: {  	v1 =	vor.u32 $0x2, v1  }
0x89: {  	v2 =	vmul.f32 v2, v52;
	_ =	sdelay $0x1  }
0x8a: {  	[tilespmem:v54+s12+$0x0] =	vst.idx.add.f32.msk $0xffff, v2  }
0x8b: {  	v0 =	vld.idx.msk [tilespmem:v0+s10+$0x0], $0xffff  }
0x8c: {  	v2 =	vld.idx.msk [tilespmem:v1+s10+$0x0], $0xffff;
	_ =	sdelay $0x4  }
0x8d: {  	v0 =	vsub.f32 v0, v2;
	_ =	sdelay $0x1  }
0x8e: {  	v0 =	vmul.f32 v0, v52;
	_ =	sdelay $0x1  }
0x8f: {  	[tilespmem:v1+s12+$0x0] =	vst.idx.add.f32.msk $0xffff, v0  }
0x90: {  	v0 =	vld [tilespmem:$0x50]  }
0x91: {  	v1 =	vld [tilespmem:$0x1E0];
	_ =	sdelay $0x3  }
0x92: {  	v0 =	vshll.u32 v0, $0x2  }
0x93: {  	v1 =	vshll.u32 v1, $0x2;
	_ =	sdelay $0x3  }
0x94: {  	v56 =	vld.idx.msk [tilespmem:v0+s10+$0x0], $0xffff  }
0x95: {  	v57 =	vld.idx.msk [tilespmem:v1+s10+$0x0], $0xffff;
	_ =	sdelay $0x1  }
0x96: {  	v58 =	vld [tilespmem:$0x370];
	_ =	sdelay $0x2  }
0x97: {  	v59 =	vor.u32 $0x1, v0;
	v2 =	vsub.f32 v56, v57  }
0x98: {  	v60 =	vor.u32 $0x1, v1  }
0x99: {  	v2 =	vmul.f32 v2, v58;
	_ =	sdelay $0x1  }
0x9a: {  	[tilespmem:v1+s12+$0x0] =	vst.idx.add.f32.msk $0xffff, v2  }
0x9b: {  	v2 =	vld.idx.msk [tilespmem:v59+s10+$0x0], $0xffff  }
0x9c: {  	v61 =	vld.idx.msk [tilespmem:v60+s10+$0x0], $0xffff;
	_ =	sdelay $0x4  }
0x9d: {  	v0 =	vor.u32 $0x2, v0;
	v2 =	vsub.f32 v2, v61  }
0x9e: {  	v1 =	vor.u32 $0x2, v1  }
0x9f: {  	v2 =	vmul.f32 v2, v58;
	_ =	sdelay $0x1  }
0xa0: {  	[tilespmem:v60+s12+$0x0] =	vst.idx.add.f32.msk $0xffff, v2  }
0xa1: {  	v0 =	vld.idx.msk [tilespmem:v0+s10+$0x0], $0xffff  }
0xa2: {  	v2 =	vld.idx.msk [tilespmem:v1+s10+$0x0], $0xffff;
	_ =	sdelay $0x4  }
0xa3: {  	v0 =	vsub.f32 v0, v2;
	_ =	sdelay $0x1  }
0xa4: {  	v0 =	vmul.f32 v0, v58;
	_ =	sdelay $0x1  }
0xa5: {  	[tilespmem:v1+s12+$0x0] =	vst.idx.add.f32.msk $0xffff, v0  }
0xa6: {  	v0 =	vld [tilespmem:$0x60]  }
0xa7: {  	v1 =	vld [tilespmem:$0x1F0];
	_ =	sdelay $0x3  }
0xa8: {  	v0 =	vshll.u32 v0, $0x2  }
0xa9: {  	v1 =	vshll.u32 v1, $0x2;
	_ =	sdelay $0x3  }
0xaa: {  	v62 =	vld.idx.msk [tilespmem:v0+s10+$0x0], $0xffff  }
0xab: {  	v63 =	vld.idx.msk [tilespmem:v1+s10+$0x0], $0xffff;
	_ =	sdelay $0x1  }
0xac: {  	v8 =	vld [tilespmem:$0x380];
	_ =	sdelay $0x2  }
0xad: {  	v9 =	vor.u32 $0x1, v0;
	v2 =	vsub.f32 v62, v63  }
0xae: {  	v10 =	vor.u32 $0x1, v1  }
0xaf: {  	v2 =	vmul.f32 v2, v8;
	_ =	sdelay $0x1  }
0xb0: {  	[tilespmem:v1+s12+$0x0] =	vst.idx.add.f32.msk $0xffff, v2  }
0xb1: {  	v2 =	vld.idx.msk [tilespmem:v9+s10+$0x0], $0xffff  }
0xb2: {  	v11 =	vld.idx.msk [tilespmem:v10+s10+$0x0], $0xffff;
	_ =	sdelay $0x4  }
0xb3: {  	v0 =	vor.u32 $0x2, v0;
	v2 =	vsub.f32 v2, v11  }
0xb4: {  	v1 =	vor.u32 $0x2, v1  }
0xb5: {  	v2 =	vmul.f32 v2, v8;
	_ =	sdelay $0x1  }
0xb6: {  	[tilespmem:v10+s12+$0x0] =	vst.idx.add.f32.msk $0xffff, v2  }
0xb7: {  	v0 =	vld.idx.msk [tilespmem:v0+s10+$0x0], $0xffff  }
0xb8: {  	v2 =	vld.idx.msk [tilespmem:v1+s10+$0x0], $0xffff;
	_ =	sdelay $0x4  }
0xb9: {  	v0 =	vsub.f32 v0, v2;
	_ =	sdelay $0x1  }
0xba: {  	v0 =	vmul.f32 v0, v8;
	_ =	sdelay $0x1  }
0xbb: {  	[tilespmem:v1+s12+$0x0] =	vst.idx.add.f32.msk $0xffff, v0  }
0xbc: {  	v0 =	vld [tilespmem:$0x70]  }
0xbd: {  	v1 =	vld [tilespmem:$0x200];
	_ =	sdelay $0x3  }
0xbe: {  	v0 =	vshll.u32 v0, $0x2  }
0xbf: {  	v1 =	vshll.u32 v1, $0x2;
	_ =	sdelay $0x3  }
0xc0: {  	v12 =	vld.idx.msk [tilespmem:v0+s10+$0x0], $0xffff  }
0xc1: {  	v13 =	vld.idx.msk [tilespmem:v1+s10+$0x0], $0xffff;
	_ =	sdelay $0x1  }
0xc2: {  	v14 =	vld [tilespmem:$0x390];
	_ =	sdelay $0x2  }
0xc3: {  	v15 =	vor.u32 $0x1, v0;
	v2 =	vsub.f32 v12, v13  }
0xc4: {  	v16 =	vor.u32 $0x1, v1  }
0xc5: {  	v2 =	vmul.f32 v2, v14;
	_ =	sdelay $0x1  }
0xc6: {  	[tilespmem:v1+s12+$0x0] =	vst.idx.add.f32.msk $0xffff, v2  }
0xc7: {  	v2 =	vld.idx.msk [tilespmem:v15+s10+$0x0], $0xffff  }
0xc8: {  	v17 =	vld.idx.msk [tilespmem:v16+s10+$0x0], $0xffff;
	_ =	sdelay $0x4  }
0xc9: {  	v0 =	vor.u32 $0x2, v0;
	v2 =	vsub.f32 v2, v17  }
0xca: {  	v1 =	vor.u32 $0x2, v1  }
0xcb: {  	v2 =	vmul.f32 v2, v14;
	_ =	sdelay $0x1  }
0xcc: {  	[tilespmem:v16+s12+$0x0] =	vst.idx.add.f32.msk $0xffff, v2  }
0xcd: {  	v0 =	vld.idx.msk [tilespmem:v0+s10+$0x0], $0xffff  }
0xce: {  	v2 =	vld.idx.msk [tilespmem:v1+s10+$0x0], $0xffff;
	_ =	sdelay $0x4  }
0xcf: {  	v0 =	vsub.f32 v0, v2;
	_ =	sdelay $0x1  }
0xd0: {  	v0 =	vmul.f32 v0, v14;
	_ =	sdelay $0x1  }
0xd1: {  	[tilespmem:v1+s12+$0x0] =	vst.idx.add.f32.msk $0xffff, v0  }
0xd2: {  	v0 =	vld [tilespmem:$0x80]  }
0xd3: {  	v1 =	vld [tilespmem:$0x210];
	_ =	sdelay $0x3  }
0xd4: {  	v0 =	vshll.u32 v0, $0x2  }
0xd5: {  	v1 =	vshll.u32 v1, $0x2;
	_ =	sdelay $0x3  }
0xd6: {  	v18 =	vld.idx.msk [tilespmem:v0+s10+$0x0], $0xffff  }
0xd7: {  	v19 =	vld.idx.msk [tilespmem:v1+s10+$0x0], $0xffff;
	_ =	sdelay $0x1  }
0xd8: {  	v20 =	vld [tilespmem:$0x3A0];
	_ =	sdelay $0x2  }
0xd9: {  	v21 =	vor.u32 $0x1, v0;
	v2 =	vsub.f32 v18, v19  }
0xda: {  	v22 =	vor.u32 $0x1, v1  }
0xdb: {  	v2 =	vmul.f32 v2, v20;
	_ =	sdelay $0x1  }
0xdc: {  	[tilespmem:v1+s12+$0x0] =	vst.idx.add.f32.msk $0xffff, v2  }
0xdd: {  	v2 =	vld.idx.msk [tilespmem:v21+s10+$0x0], $0xffff  }
0xde: {  	v23 =	vld.idx.msk [tilespmem:v22+s10+$0x0], $0xffff;
	_ =	sdelay $0x4  }
0xdf: {  	v0 =	vor.u32 $0x2, v0;
	v2 =	vsub.f32 v2, v23  }
0xe0: {  	v1 =	vor.u32 $0x2, v1  }
0xe1: {  	v2 =	vmul.f32 v2, v20;
	_ =	sdelay $0x1  }
0xe2: {  	[tilespmem:v22+s12+$0x0] =	vst.idx.add.f32.msk $0xffff, v2  }
0xe3: {  	v0 =	vld.idx.msk [tilespmem:v0+s10+$0x0], $0xffff  }
0xe4: {  	v2 =	vld.idx.msk [tilespmem:v1+s10+$0x0], $0xffff;
	_ =	sdelay $0x4  }
0xe5: {  	v0 =	vsub.f32 v0, v2;
	_ =	sdelay $0x1  }
0xe6: {  	v0 =	vmul.f32 v0, v20;
	_ =	sdelay $0x1  }
0xe7: {  	[tilespmem:v1+s12+$0x0] =	vst.idx.add.f32.msk $0xffff, v0  }
0xe8: {  	v0 =	vld [tilespmem:$0x90]  }
0xe9: {  	v1 =	vld [tilespmem:$0x220];
	_ =	sdelay $0x3  }
0xea: {  	v0 =	vshll.u32 v0, $0x2  }
0xeb: {  	v1 =	vshll.u32 v1, $0x2;
	_ =	sdelay $0x3  }
0xec: {  	v24 =	vld.idx.msk [tilespmem:v0+s10+$0x0], $0xffff  }
0xed: {  	v25 =	vld.idx.msk [tilespmem:v1+s10+$0x0], $0xffff;
	_ =	sdelay $0x1  }
0xee: {  	v26 =	vld [tilespmem:$0x3B0];
	_ =	sdelay $0x2  }
0xef: {  	v27 =	vor.u32 $0x1, v0;
	v2 =	vsub.f32 v24, v25  }
0xf0: {  	v28 =	vor.u32 $0x1, v1  }
0xf1: {  	v2 =	vmul.f32 v2, v26;
	_ =	sdelay $0x1  }
0xf2: {  	[tilespmem:v1+s12+$0x0] =	vst.idx.add.f32.msk $0xffff, v2  }
0xf3: {  	v2 =	vld.idx.msk [tilespmem:v27+s10+$0x0], $0xffff  }
0xf4: {  	v29 =	vld.idx.msk [tilespmem:v28+s10+$0x0], $0xffff;
	_ =	sdelay $0x4  }
0xf5: {  	v0 =	vor.u32 $0x2, v0;
	v2 =	vsub.f32 v2, v29  }
0xf6: {  	v1 =	vor.u32 $0x2, v1  }
0xf7: {  	v2 =	vmul.f32 v2, v26;
	_ =	sdelay $0x1  }
0xf8: {  	[tilespmem:v28+s12+$0x0] =	vst.idx.add.f32.msk $0xffff, v2  }
0xf9: {  	v0 =	vld.idx.msk [tilespmem:v0+s10+$0x0], $0xffff  }
0xfa: {  	v2 =	vld.idx.msk [tilespmem:v1+s10+$0x0], $0xffff;
	_ =	sdelay $0x4  }
0xfb: {  	v0 =	vsub.f32 v0, v2;
	_ =	sdelay $0x1  }
0xfc: {  	v0 =	vmul.f32 v0, v26;
	_ =	sdelay $0x1  }
0xfd: {  	[tilespmem:v1+s12+$0x0] =	vst.idx.add.f32.msk $0xffff, v0  }
0xfe: {  	v0 =	vld [tilespmem:$0xA0]  }
0xff: {  	v1 =	vld [tilespmem:$0x230];
	_ =	sdelay $0x3  }
0x100: {  	v0 =	vshll.u32 v0, $0x2  }
0x101: {  	v1 =	vshll.u32 v1, $0x2;
	_ =	sdelay $0x3  }
0x102: {  	v30 =	vld.idx.msk [tilespmem:v0+s10+$0x0], $0xffff  }
0x103: {  	v31 =	vld.idx.msk [tilespmem:v1+s10+$0x0], $0xffff;
	_ =	sdelay $0x1  }
0x104: {  	v32 =	vld [tilespmem:$0x3C0];
	_ =	sdelay $0x2  }
0x105: {  	v33 =	vor.u32 $0x1, v0;
	v2 =	vsub.f32 v30, v31  }
0x106: {  	v34 =	vor.u32 $0x1, v1  }
0x107: {  	v2 =	vmul.f32 v2, v32;
	_ =	sdelay $0x1  }
0x108: {  	[tilespmem:v1+s12+$0x0] =	vst.idx.add.f32.msk $0xffff, v2  }
0x109: {  	v2 =	vld.idx.msk [tilespmem:v33+s10+$0x0], $0xffff  }
0x10a: {  	v35 =	vld.idx.msk [tilespmem:v34+s10+$0x0], $0xffff;
	_ =	sdelay $0x4  }
0x10b: {  	v0 =	vor.u32 $0x2, v0;
	v2 =	vsub.f32 v2, v35  }
0x10c: {  	v1 =	vor.u32 $0x2, v1  }
0x10d: {  	v2 =	vmul.f32 v2, v32;
	_ =	sdelay $0x1  }
0x10e: {  	[tilespmem:v34+s12+$0x0] =	vst.idx.add.f32.msk $0xffff, v2  }
0x10f: {  	v0 =	vld.idx.msk [tilespmem:v0+s10+$0x0], $0xffff  }
0x110: {  	v2 =	vld.idx.msk [tilespmem:v1+s10+$0x0], $0xffff;
	_ =	sdelay $0x4  }
0x111: {  	v0 =	vsub.f32 v0, v2;
	_ =	sdelay $0x1  }
0x112: {  	v0 =	vmul.f32 v0, v32;
	_ =	sdelay $0x1  }
0x113: {  	[tilespmem:v1+s12+$0x0] =	vst.idx.add.f32.msk $0xffff, v0  }
0x114: {  	v0 =	vld [tilespmem:$0xB0]  }
0x115: {  	v1 =	vld [tilespmem:$0x240];
	_ =	sdelay $0x3  }
0x116: {  	v0 =	vshll.u32 v0, $0x2  }
0x117: {  	v1 =	vshll.u32 v1, $0x2;
	_ =	sdelay $0x3  }
0x118: {  	v36 =	vld.idx.msk [tilespmem:v0+s10+$0x0], $0xffff  }
0x119: {  	v37 =	vld.idx.msk [tilespmem:v1+s10+$0x0], $0xffff;
	_ =	sdelay $0x1  }
0x11a: {  	v38 =	vld [tilespmem:$0x3D0];
	_ =	sdelay $0x2  }
0x11b: {  	v39 =	vor.u32 $0x1, v0;
	v2 =	vsub.f32 v36, v37  }
0x11c: {  	v40 =	vor.u32 $0x1, v1  }
0x11d: {  	v2 =	vmul.f32 v2, v38;
	_ =	sdelay $0x1  }
0x11e: {  	[tilespmem:v1+s12+$0x0] =	vst.idx.add.f32.msk $0xffff, v2  }
0x11f: {  	v2 =	vld.idx.msk [tilespmem:v39+s10+$0x0], $0xffff  }
0x120: {  	v41 =	vld.idx.msk [tilespmem:v40+s10+$0x0], $0xffff;
	_ =	sdelay $0x4  }
0x121: {  	v0 =	vor.u32 $0x2, v0;
	v2 =	vsub.f32 v2, v41  }
0x122: {  	v1 =	vor.u32 $0x2, v1  }
0x123: {  	v2 =	vmul.f32 v2, v38;
	_ =	sdelay $0x1  }
0x124: {  	[tilespmem:v40+s12+$0x0] =	vst.idx.add.f32.msk $0xffff, v2  }
0x125: {  	v0 =	vld.idx.msk [tilespmem:v0+s10+$0x0], $0xffff  }
0x126: {  	v2 =	vld.idx.msk [tilespmem:v1+s10+$0x0], $0xffff;
	_ =	sdelay $0x4  }
0x127: {  	v0 =	vsub.f32 v0, v2;
	_ =	sdelay $0x1  }
0x128: {  	v0 =	vmul.f32 v0, v38;
	_ =	sdelay $0x1  }
0x129: {  	[tilespmem:v1+s12+$0x0] =	vst.idx.add.f32.msk $0xffff, v0  }
0x12a: {  	v0 =	vld [tilespmem:$0xC0]  }
0x12b: {  	v1 =	vld [tilespmem:$0x250];
	_ =	sdelay $0x3  }
0x12c: {  	v0 =	vshll.u32 v0, $0x2  }
0x12d: {  	v1 =	vshll.u32 v1, $0x2;
	_ =	sdelay $0x3  }
0x12e: {  	v42 =	vld.idx.msk [tilespmem:v0+s10+$0x0], $0xffff  }
0x12f: {  	v43 =	vld.idx.msk [tilespmem:v1+s10+$0x0], $0xffff;
	_ =	sdelay $0x1  }
0x130: {  	v44 =	vld [tilespmem:$0x3E0];
	_ =	sdelay $0x2  }
0x131: {  	v45 =	vor.u32 $0x1, v0;
	v2 =	vsub.f32 v42, v43  }
0x132: {  	v46 =	vor.u32 $0x1, v1  }
0x133: {  	v2 =	vmul.f32 v2, v44;
	_ =	sdelay $0x1  }
0x134: {  	[tilespmem:v1+s12+$0x0] =	vst.idx.add.f32.msk $0xffff, v2  }
0x135: {  	v2 =	vld.idx.msk [tilespmem:v45+s10+$0x0], $0xffff  }
0x136: {  	v47 =	vld.idx.msk [tilespmem:v46+s10+$0x0], $0xffff;
	_ =	sdelay $0x4  }
0x137: {  	v0 =	vor.u32 $0x2, v0;
	v2 =	vsub.f32 v2, v47  }
0x138: {  	v1 =	vor.u32 $0x2, v1  }
0x139: {  	v2 =	vmul.f32 v2, v44;
	_ =	sdelay $0x1  }
0x13a: {  	[tilespmem:v46+s12+$0x0] =	vst.idx.add.f32.msk $0xffff, v2  }
0x13b: {  	v0 =	vld.idx.msk [tilespmem:v0+s10+$0x0], $0xffff  }
0x13c: {  	v2 =	vld.idx.msk [tilespmem:v1+s10+$0x0], $0xffff;
	_ =	sdelay $0x4  }
0x13d: {  	v0 =	vsub.f32 v0, v2;
	_ =	sdelay $0x1  }
0x13e: {  	v0 =	vmul.f32 v0, v44;
	_ =	sdelay $0x1  }
0x13f: {  	[tilespmem:v1+s12+$0x0] =	vst.idx.add.f32.msk $0xffff, v0  }
0x140: {  	v0 =	vld [tilespmem:$0xD0]  }
0x141: {  	v1 =	vld [tilespmem:$0x260];
	_ =	sdelay $0x3  }
0x142: {  	v0 =	vshll.u32 v0, $0x2  }
0x143: {  	v1 =	vshll.u32 v1, $0x2;
	_ =	sdelay $0x3  }
0x144: {  	v48 =	vld.idx.msk [tilespmem:v0+s10+$0x0], $0xffff  }
0x145: {  	v49 =	vld.idx.msk [tilespmem:v1+s10+$0x0], $0xffff;
	_ =	sdelay $0x1  }
0x146: {  	v50 =	vld [tilespmem:$0x3F0];
	_ =	sdelay $0x2  }
0x147: {  	v51 =	vor.u32 $0x1, v0;
	v2 =	vsub.f32 v48, v49  }
0x148: {  	v52 =	vor.u32 $0x1, v1  }
0x149: {  	v2 =	vmul.f32 v2, v50;
	_ =	sdelay $0x1  }
0x14a: {  	[tilespmem:v1+s12+$0x0] =	vst.idx.add.f32.msk $0xffff, v2  }
0x14b: {  	v2 =	vld.idx.msk [tilespmem:v51+s10+$0x0], $0xffff  }
0x14c: {  	v53 =	vld.idx.msk [tilespmem:v52+s10+$0x0], $0xffff;
	_ =	sdelay $0x4  }
0x14d: {  	v0 =	vor.u32 $0x2, v0;
	v2 =	vsub.f32 v2, v53  }
0x14e: {  	v1 =	vor.u32 $0x2, v1  }
0x14f: {  	v2 =	vmul.f32 v2, v50;
	_ =	sdelay $0x1  }
0x150: {  	[tilespmem:v52+s12+$0x0] =	vst.idx.add.f32.msk $0xffff, v2  }
0x151: {  	v0 =	vld.idx.msk [tilespmem:v0+s10+$0x0], $0xffff  }
0x152: {  	v2 =	vld.idx.msk [tilespmem:v1+s10+$0x0], $0xffff;
	_ =	sdelay $0x4  }
0x153: {  	v0 =	vsub.f32 v0, v2;
	_ =	sdelay $0x1  }
0x154: {  	v0 =	vmul.f32 v0, v50;
	_ =	sdelay $0x1  }
0x155: {  	[tilespmem:v1+s12+$0x0] =	vst.idx.add.f32.msk $0xffff, v0  }
0x156: {  	v0 =	vld [tilespmem:$0xE0]  }
0x157: {  	v1 =	vld [tilespmem:$0x270];
	_ =	sdelay $0x3  }
0x158: {  	v0 =	vshll.u32 v0, $0x2  }
0x159: {  	v1 =	vshll.u32 v1, $0x2;
	_ =	sdelay $0x3  }
0x15a: {  	v54 =	vld.idx.msk [tilespmem:v0+s10+$0x0], $0xffff  }
0x15b: {  	v55 =	vld.idx.msk [tilespmem:v1+s10+$0x0], $0xffff;
	_ =	sdelay $0x1  }
0x15c: {  	v56 =	vld [tilespmem:$0x400];
	_ =	sdelay $0x2  }
0x15d: {  	v57 =	vor.u32 $0x1, v0;
	v2 =	vsub.f32 v54, v55  }
0x15e: {  	v58 =	vor.u32 $0x1, v1  }
0x15f: {  	v2 =	vmul.f32 v2, v56;
	_ =	sdelay $0x1  }
0x160: {  	[tilespmem:v1+s12+$0x0] =	vst.idx.add.f32.msk $0xffff, v2  }
0x161: {  	v2 =	vld.idx.msk [tilespmem:v57+s10+$0x0], $0xffff  }
0x162: {  	v59 =	vld.idx.msk [tilespmem:v58+s10+$0x0], $0xffff;
	_ =	sdelay $0x4  }
0x163: {  	v0 =	vor.u32 $0x2, v0;
	v2 =	vsub.f32 v2, v59  }
0x164: {  	v1 =	vor.u32 $0x2, v1  }
0x165: {  	v2 =	vmul.f32 v2, v56;
	_ =	sdelay $0x1  }
0x166: {  	[tilespmem:v58+s12+$0x0] =	vst.idx.add.f32.msk $0xffff, v2  }
0x167: {  	v0 =	vld.idx.msk [tilespmem:v0+s10+$0x0], $0xffff  }
0x168: {  	v2 =	vld.idx.msk [tilespmem:v1+s10+$0x0], $0xffff;
	_ =	sdelay $0x4  }
0x169: {  	v0 =	vsub.f32 v0, v2;
	_ =	sdelay $0x1  }
0x16a: {  	v0 =	vmul.f32 v0, v56;
	_ =	sdelay $0x1  }
0x16b: {  	[tilespmem:v1+s12+$0x0] =	vst.idx.add.f32.msk $0xffff, v0  }
0x16c: {  	v0 =	vld [tilespmem:$0xF0]  }
0x16d: {  	v1 =	vld [tilespmem:$0x280];
	_ =	sdelay $0x3  }
0x16e: {  	v0 =	vshll.u32 v0, $0x2  }
0x16f: {  	v1 =	vshll.u32 v1, $0x2;
	_ =	sdelay $0x3  }
0x170: {  	v60 =	vld.idx.msk [tilespmem:v0+s10+$0x0], $0xffff  }
0x171: {  	v61 =	vld.idx.msk [tilespmem:v1+s10+$0x0], $0xffff;
	_ =	sdelay $0x1  }
0x172: {  	v62 =	vld [tilespmem:$0x410];
	_ =	sdelay $0x2  }
0x173: {  	v63 =	vor.u32 $0x1, v0;
	v2 =	vsub.f32 v60, v61  }
0x174: {  	v8 =	vor.u32 $0x1, v1  }
0x175: {  	v2 =	vmul.f32 v2, v62;
	_ =	sdelay $0x1  }
0x176: {  	[tilespmem:v1+s12+$0x0] =	vst.idx.add.f32.msk $0xffff, v2  }
0x177: {  	v2 =	vld.idx.msk [tilespmem:v63+s10+$0x0], $0xffff  }
0x178: {  	v9 =	vld.idx.msk [tilespmem:v8+s10+$0x0], $0xffff;
	_ =	sdelay $0x4  }
0x179: {  	v0 =	vor.u32 $0x2, v0;
	v2 =	vsub.f32 v2, v9  }
0x17a: {  	v1 =	vor.u32 $0x2, v1  }
0x17b: {  	v2 =	vmul.f32 v2, v62;
	_ =	sdelay $0x1  }
0x17c: {  	[tilespmem:v8+s12+$0x0] =	vst.idx.add.f32.msk $0xffff, v2  }
0x17d: {  	v0 =	vld.idx.msk [tilespmem:v0+s10+$0x0], $0xffff  }
0x17e: {  	v2 =	vld.idx.msk [tilespmem:v1+s10+$0x0], $0xffff;
	_ =	sdelay $0x4  }
0x17f: {  	v0 =	vsub.f32 v0, v2;
	_ =	sdelay $0x1  }
0x180: {  	v0 =	vmul.f32 v0, v62;
	_ =	sdelay $0x1  }
0x181: {  	[tilespmem:v1+s12+$0x0] =	vst.idx.add.f32.msk $0xffff, v0  }
0x182: {  	v0 =	vld [tilespmem:$0x100]  }
0x183: {  	v1 =	vld [tilespmem:$0x290];
	_ =	sdelay $0x3  }
0x184: {  	v0 =	vshll.u32 v0, $0x2  }
0x185: {  	v1 =	vshll.u32 v1, $0x2;
	_ =	sdelay $0x3  }
0x186: {  	v10 =	vld.idx.msk [tilespmem:v0+s10+$0x0], $0xffff  }
0x187: {  	v11 =	vld.idx.msk [tilespmem:v1+s10+$0x0], $0xffff;
	_ =	sdelay $0x1  }
0x188: {  	v12 =	vld [tilespmem:$0x420];
	_ =	sdelay $0x2  }
0x189: {  	v13 =	vor.u32 $0x1, v0;
	v2 =	vsub.f32 v10, v11  }
0x18a: {  	v14 =	vor.u32 $0x1, v1  }
0x18b: {  	v2 =	vmul.f32 v2, v12;
	_ =	sdelay $0x1  }
0x18c: {  	[tilespmem:v1+s12+$0x0] =	vst.idx.add.f32.msk $0xffff, v2  }
0x18d: {  	v2 =	vld.idx.msk [tilespmem:v13+s10+$0x0], $0xffff  }
0x18e: {  	v15 =	vld.idx.msk [tilespmem:v14+s10+$0x0], $0xffff;
	_ =	sdelay $0x4  }
0x18f: {  	v0 =	vor.u32 $0x2, v0;
	v2 =	vsub.f32 v2, v15  }
0x190: {  	v1 =	vor.u32 $0x2, v1  }
0x191: {  	v2 =	vmul.f32 v2, v12;
	_ =	sdelay $0x1  }
0x192: {  	[tilespmem:v14+s12+$0x0] =	vst.idx.add.f32.msk $0xffff, v2  }
0x193: {  	v0 =	vld.idx.msk [tilespmem:v0+s10+$0x0], $0xffff  }
0x194: {  	v2 =	vld.idx.msk [tilespmem:v1+s10+$0x0], $0xffff;
	_ =	sdelay $0x4  }
0x195: {  	v0 =	vsub.f32 v0, v2;
	_ =	sdelay $0x1  }
0x196: {  	v0 =	vmul.f32 v0, v12;
	_ =	sdelay $0x1  }
0x197: {  	[tilespmem:v1+s12+$0x0] =	vst.idx.add.f32.msk $0xffff, v0  }
0x198: {  	v0 =	vld [tilespmem:$0x110]  }
0x199: {  	v1 =	vld [tilespmem:$0x2A0];
	_ =	sdelay $0x3  }
0x19a: {  	v0 =	vshll.u32 v0, $0x2  }
0x19b: {  	v1 =	vshll.u32 v1, $0x2;
	_ =	sdelay $0x3  }
0x19c: {  	v16 =	vld.idx.msk [tilespmem:v0+s10+$0x0], $0xffff  }
0x19d: {  	v17 =	vld.idx.msk [tilespmem:v1+s10+$0x0], $0xffff;
	_ =	sdelay $0x1  }
0x19e: {  	v18 =	vld [tilespmem:$0x430];
	_ =	sdelay $0x2  }
0x19f: {  	v19 =	vor.u32 $0x1, v0;
	v2 =	vsub.f32 v16, v17  }
0x1a0: {  	v20 =	vor.u32 $0x1, v1  }
0x1a1: {  	v2 =	vmul.f32 v2, v18;
	_ =	sdelay $0x1  }
0x1a2: {  	[tilespmem:v1+s12+$0x0] =	vst.idx.add.f32.msk $0xffff, v2  }
0x1a3: {  	v2 =	vld.idx.msk [tilespmem:v19+s10+$0x0], $0xffff  }
0x1a4: {  	v21 =	vld.idx.msk [tilespmem:v20+s10+$0x0], $0xffff;
	_ =	sdelay $0x4  }
0x1a5: {  	v0 =	vor.u32 $0x2, v0;
	v2 =	vsub.f32 v2, v21  }
0x1a6: {  	v1 =	vor.u32 $0x2, v1  }
0x1a7: {  	v2 =	vmul.f32 v2, v18;
	_ =	sdelay $0x1  }
0x1a8: {  	[tilespmem:v20+s12+$0x0] =	vst.idx.add.f32.msk $0xffff, v2  }
0x1a9: {  	v0 =	vld.idx.msk [tilespmem:v0+s10+$0x0], $0xffff  }
0x1aa: {  	v2 =	vld.idx.msk [tilespmem:v1+s10+$0x0], $0xffff;
	_ =	sdelay $0x4  }
0x1ab: {  	v0 =	vsub.f32 v0, v2;
	_ =	sdelay $0x1  }
0x1ac: {  	v0 =	vmul.f32 v0, v18;
	_ =	sdelay $0x1  }
0x1ad: {  	[tilespmem:v1+s12+$0x0] =	vst.idx.add.f32.msk $0xffff, v0  }
0x1ae: {  	v0 =	vld [tilespmem:$0x120]  }
0x1af: {  	v1 =	vld [tilespmem:$0x2B0];
	_ =	sdelay $0x3  }
0x1b0: {  	v0 =	vshll.u32 v0, $0x2  }
0x1b1: {  	v1 =	vshll.u32 v1, $0x2;
	_ =	sdelay $0x3  }
0x1b2: {  	v22 =	vld.idx.msk [tilespmem:v0+s10+$0x0], $0xffff  }
0x1b3: {  	v23 =	vld.idx.msk [tilespmem:v1+s10+$0x0], $0xffff;
	_ =	sdelay $0x1  }
0x1b4: {  	v24 =	vld [tilespmem:$0x440];
	_ =	sdelay $0x2  }
0x1b5: {  	v25 =	vor.u32 $0x1, v0;
	v2 =	vsub.f32 v22, v23  }
0x1b6: {  	v26 =	vor.u32 $0x1, v1  }
0x1b7: {  	v2 =	vmul.f32 v2, v24;
	_ =	sdelay $0x1  }
0x1b8: {  	[tilespmem:v1+s12+$0x0] =	vst.idx.add.f32.msk $0xffff, v2  }
0x1b9: {  	v2 =	vld.idx.msk [tilespmem:v25+s10+$0x0], $0xffff  }
0x1ba: {  	v27 =	vld.idx.msk [tilespmem:v26+s10+$0x0], $0xffff;
	_ =	sdelay $0x4  }
0x1bb: {  	v0 =	vor.u32 $0x2, v0;
	v2 =	vsub.f32 v2, v27  }
0x1bc: {  	v1 =	vor.u32 $0x2, v1  }
0x1bd: {  	v2 =	vmul.f32 v2, v24;
	_ =	sdelay $0x1  }
0x1be: {  	[tilespmem:v26+s12+$0x0] =	vst.idx.add.f32.msk $0xffff, v2  }
0x1bf: {  	v0 =	vld.idx.msk [tilespmem:v0+s10+$0x0], $0xffff  }
0x1c0: {  	v2 =	vld.idx.msk [tilespmem:v1+s10+$0x0], $0xffff;
	_ =	sdelay $0x4  }
0x1c1: {  	v0 =	vsub.f32 v0, v2;
	_ =	sdelay $0x1  }
0x1c2: {  	v0 =	vmul.f32 v0, v24;
	_ =	sdelay $0x1  }
0x1c3: {  	[tilespmem:v1+s12+$0x0] =	vst.idx.add.f32.msk $0xffff, v0  }
0x1c4: {  	v0 =	vld [tilespmem:$0x130]  }
0x1c5: {  	v1 =	vld [tilespmem:$0x2C0];
	_ =	sdelay $0x3  }
0x1c6: {  	v0 =	vshll.u32 v0, $0x2  }
0x1c7: {  	v1 =	vshll.u32 v1, $0x2;
	_ =	sdelay $0x3  }
0x1c8: {  	v28 =	vld.idx.msk [tilespmem:v0+s10+$0x0], $0xffff  }
0x1c9: {  	v29 =	vld.idx.msk [tilespmem:v1+s10+$0x0], $0xffff;
	_ =	sdelay $0x1  }
0x1ca: {  	v30 =	vld [tilespmem:$0x450];
	_ =	sdelay $0x2  }
0x1cb: {  	v31 =	vor.u32 $0x1, v0;
	v2 =	vsub.f32 v28, v29  }
0x1cc: {  	v32 =	vor.u32 $0x1, v1  }
0x1cd: {  	v2 =	vmul.f32 v2, v30;
	_ =	sdelay $0x1  }
0x1ce: {  	[tilespmem:v1+s12+$0x0] =	vst.idx.add.f32.msk $0xffff, v2  }
0x1cf: {  	v2 =	vld.idx.msk [tilespmem:v31+s10+$0x0], $0xffff  }
0x1d0: {  	v33 =	vld.idx.msk [tilespmem:v32+s10+$0x0], $0xffff;
	_ =	sdelay $0x4  }
0x1d1: {  	v0 =	vor.u32 $0x2, v0;
	v2 =	vsub.f32 v2, v33  }
0x1d2: {  	v1 =	vor.u32 $0x2, v1  }
0x1d3: {  	v2 =	vmul.f32 v2, v30;
	_ =	sdelay $0x1  }
0x1d4: {  	[tilespmem:v32+s12+$0x0] =	vst.idx.add.f32.msk $0xffff, v2  }
0x1d5: {  	v0 =	vld.idx.msk [tilespmem:v0+s10+$0x0], $0xffff  }
0x1d6: {  	v2 =	vld.idx.msk [tilespmem:v1+s10+$0x0], $0xffff;
	_ =	sdelay $0x4  }
0x1d7: {  	v0 =	vsub.f32 v0, v2;
	_ =	sdelay $0x1  }
0x1d8: {  	v0 =	vmul.f32 v0, v30;
	_ =	sdelay $0x1  }
0x1d9: {  	[tilespmem:v1+s12+$0x0] =	vst.idx.add.f32.msk $0xffff, v0  }
0x1da: {  	v0 =	vld [tilespmem:$0x140]  }
0x1db: {  	v1 =	vld [tilespmem:$0x2D0];
	_ =	sdelay $0x3  }
0x1dc: {  	v0 =	vshll.u32 v0, $0x2  }
0x1dd: {  	v1 =	vshll.u32 v1, $0x2;
	_ =	sdelay $0x3  }
0x1de: {  	v34 =	vld.idx.msk [tilespmem:v0+s10+$0x0], $0xffff  }
0x1df: {  	v35 =	vld.idx.msk [tilespmem:v1+s10+$0x0], $0xffff;
	_ =	sdelay $0x1  }
0x1e0: {  	v36 =	vld [tilespmem:$0x460];
	_ =	sdelay $0x2  }
0x1e1: {  	v37 =	vor.u32 $0x1, v0;
	v2 =	vsub.f32 v34, v35  }
0x1e2: {  	v38 =	vor.u32 $0x1, v1  }
0x1e3: {  	v2 =	vmul.f32 v2, v36;
	_ =	sdelay $0x1  }
0x1e4: {  	[tilespmem:v1+s12+$0x0] =	vst.idx.add.f32.msk $0xffff, v2  }
0x1e5: {  	v2 =	vld.idx.msk [tilespmem:v37+s10+$0x0], $0xffff  }
0x1e6: {  	v39 =	vld.idx.msk [tilespmem:v38+s10+$0x0], $0xffff;
	_ =	sdelay $0x4  }
0x1e7: {  	v0 =	vor.u32 $0x2, v0;
	v2 =	vsub.f32 v2, v39  }
0x1e8: {  	v1 =	vor.u32 $0x2, v1  }
0x1e9: {  	v2 =	vmul.f32 v2, v36;
	_ =	sdelay $0x1  }
0x1ea: {  	[tilespmem:v38+s12+$0x0] =	vst.idx.add.f32.msk $0xffff, v2  }
0x1eb: {  	v0 =	vld.idx.msk [tilespmem:v0+s10+$0x0], $0xffff  }
0x1ec: {  	v2 =	vld.idx.msk [tilespmem:v1+s10+$0x0], $0xffff;
	_ =	sdelay $0x4  }
0x1ed: {  	v0 =	vsub.f32 v0, v2;
	_ =	sdelay $0x1  }
0x1ee: {  	v0 =	vmul.f32 v0, v36;
	_ =	sdelay $0x1  }
0x1ef: {  	[tilespmem:v1+s12+$0x0] =	vst.idx.add.f32.msk $0xffff, v0  }
0x1f0: {  	v0 =	vld [tilespmem:$0x150]  }
0x1f1: {  	v1 =	vld [tilespmem:$0x2E0];
	_ =	sdelay $0x3  }
0x1f2: {  	v0 =	vshll.u32 v0, $0x2  }
0x1f3: {  	v1 =	vshll.u32 v1, $0x2;
	_ =	sdelay $0x3  }
0x1f4: {  	v40 =	vld.idx.msk [tilespmem:v0+s10+$0x0], $0xffff  }
0x1f5: {  	v41 =	vld.idx.msk [tilespmem:v1+s10+$0x0], $0xffff;
	_ =	sdelay $0x1  }
0x1f6: {  	v42 =	vld [tilespmem:$0x470];
	_ =	sdelay $0x2  }
0x1f7: {  	v43 =	vor.u32 $0x1, v0;
	v2 =	vsub.f32 v40, v41  }
0x1f8: {  	v44 =	vor.u32 $0x1, v1  }
0x1f9: {  	v2 =	vmul.f32 v2, v42;
	_ =	sdelay $0x1  }
0x1fa: {  	[tilespmem:v1+s12+$0x0] =	vst.idx.add.f32.msk $0xffff, v2  }
0x1fb: {  	v2 =	vld.idx.msk [tilespmem:v43+s10+$0x0], $0xffff  }
0x1fc: {  	v45 =	vld.idx.msk [tilespmem:v44+s10+$0x0], $0xffff;
	_ =	sdelay $0x4  }
0x1fd: {  	v0 =	vor.u32 $0x2, v0;
	v2 =	vsub.f32 v2, v45  }
0x1fe: {  	v1 =	vor.u32 $0x2, v1  }
0x1ff: {  	v2 =	vmul.f32 v2, v42;
	_ =	sdelay $0x1  }
0x200: {  	[tilespmem:v44+s12+$0x0] =	vst.idx.add.f32.msk $0xffff, v2  }
0x201: {  	v0 =	vld.idx.msk [tilespmem:v0+s10+$0x0], $0xffff  }
0x202: {  	v2 =	vld.idx.msk [tilespmem:v1+s10+$0x0], $0xffff;
	_ =	sdelay $0x4  }
0x203: {  	v0 =	vsub.f32 v0, v2;
	_ =	sdelay $0x1  }
0x204: {  	v0 =	vmul.f32 v0, v42;
	_ =	sdelay $0x1  }
0x205: {  	[tilespmem:v1+s12+$0x0] =	vst.idx.add.f32.msk $0xffff, v0  }
0x206: {  	v0 =	vld [tilespmem:$0x160]  }
0x207: {  	v1 =	vld [tilespmem:$0x2F0];
	_ =	sdelay $0x3  }
0x208: {  	v0 =	vshll.u32 v0, $0x2  }
0x209: {  	v1 =	vshll.u32 v1, $0x2;
	_ =	sdelay $0x3  }
0x20a: {  	v46 =	vld.idx.msk [tilespmem:v0+s10+$0x0], $0xffff  }
0x20b: {  	v47 =	vld.idx.msk [tilespmem:v1+s10+$0x0], $0xffff;
	_ =	sdelay $0x1  }
0x20c: {  	v48 =	vld [tilespmem:$0x480];
	_ =	sdelay $0x2  }
0x20d: {  	v49 =	vor.u32 $0x1, v0;
	v2 =	vsub.f32 v46, v47  }
0x20e: {  	v50 =	vor.u32 $0x1, v1  }
0x20f: {  	v2 =	vmul.f32 v2, v48;
	_ =	sdelay $0x1  }
0x210: {  	[tilespmem:v1+s12+$0x0] =	vst.idx.add.f32.msk $0xffff, v2  }
0x211: {  	v2 =	vld.idx.msk [tilespmem:v49+s10+$0x0], $0xffff  }
0x212: {  	v51 =	vld.idx.msk [tilespmem:v50+s10+$0x0], $0xffff;
	_ =	sdelay $0x4  }
0x213: {  	v0 =	vor.u32 $0x2, v0;
	v2 =	vsub.f32 v2, v51  }
0x214: {  	v1 =	vor.u32 $0x2, v1  }
0x215: {  	v2 =	vmul.f32 v2, v48;
	_ =	sdelay $0x1  }
0x216: {  	[tilespmem:v50+s12+$0x0] =	vst.idx.add.f32.msk $0xffff, v2  }
0x217: {  	v0 =	vld.idx.msk [tilespmem:v0+s10+$0x0], $0xffff  }
0x218: {  	v2 =	vld.idx.msk [tilespmem:v1+s10+$0x0], $0xffff;
	_ =	sdelay $0x4  }
0x219: {  	v0 =	vsub.f32 v0, v2;
	_ =	sdelay $0x1  }
0x21a: {  	v0 =	vmul.f32 v0, v48;
	_ =	sdelay $0x1  }
0x21b: {  	[tilespmem:v1+s12+$0x0] =	vst.idx.add.f32.msk $0xffff, v0  }
0x21c: {  	v0 =	vld [tilespmem:$0x170]  }
0x21d: {  	v1 =	vld [tilespmem:$0x300];
	_ =	sdelay $0x3  }
0x21e: {  	v0 =	vshll.u32 v0, $0x2  }
0x21f: {  	v1 =	vshll.u32 v1, $0x2;
	_ =	sdelay $0x3  }
0x220: {  	v52 =	vld.idx.msk [tilespmem:v0+s10+$0x0], $0xffff  }
0x221: {  	v53 =	vld.idx.msk [tilespmem:v1+s10+$0x0], $0xffff;
	_ =	sdelay $0x1  }
0x222: {  	v54 =	vld [tilespmem:$0x490];
	_ =	sdelay $0x2  }
0x223: {  	v55 =	vor.u32 $0x1, v0;
	v2 =	vsub.f32 v52, v53  }
0x224: {  	v56 =	vor.u32 $0x1, v1  }
0x225: {  	v2 =	vmul.f32 v2, v54;
	_ =	sdelay $0x1  }
0x226: {  	[tilespmem:v1+s12+$0x0] =	vst.idx.add.f32.msk $0xffff, v2  }
0x227: {  	v2 =	vld.idx.msk [tilespmem:v55+s10+$0x0], $0xffff  }
0x228: {  	v57 =	vld.idx.msk [tilespmem:v56+s10+$0x0], $0xffff;
	_ =	sdelay $0x4  }
0x229: {  	v0 =	vor.u32 $0x2, v0;
	v2 =	vsub.f32 v2, v57  }
0x22a: {  	v1 =	vor.u32 $0x2, v1  }
0x22b: {  	v2 =	vmul.f32 v2, v54;
	_ =	sdelay $0x1  }
0x22c: {  	[tilespmem:v56+s12+$0x0] =	vst.idx.add.f32.msk $0xffff, v2  }
0x22d: {  	v0 =	vld.idx.msk [tilespmem:v0+s10+$0x0], $0xffff  }
0x22e: {  	v2 =	vld.idx.msk [tilespmem:v1+s10+$0x0], $0xffff;
	_ =	sdelay $0x4  }
0x22f: {  	v0 =	vsub.f32 v0, v2;
	_ =	sdelay $0x1  }
0x230: {  	v0 =	vmul.f32 v0, v54;
	_ =	sdelay $0x1  }
0x231: {  	[tilespmem:v1+s12+$0x0] =	vst.idx.add.f32.msk $0xffff, v0  }
0x232: {  	v0 =	vld [tilespmem:$0x180]  }
0x233: {  	v1 =	vld [tilespmem:$0x310];
	_ =	sdelay $0x3  }
0x234: {  	v0 =	vshll.u32 v0, $0x2  }
0x235: {  	v1 =	vshll.u32 v1, $0x2;
	_ =	sdelay $0x3  }
0x236: {  	v58 =	vld.idx.msk [tilespmem:v0+s10+$0x0], $0xffff  }
0x237: {  	v59 =	vld.idx.msk [tilespmem:v1+s10+$0x0], $0xffff;
	_ =	sdelay $0x1  }
0x238: {  	v60 =	vld [tilespmem:$0x4A0];
	_ =	sdelay $0x2  }
0x239: {  	v61 =	vor.u32 $0x1, v0;
	v2 =	vsub.f32 v58, v59  }
0x23a: {  	v62 =	vor.u32 $0x1, v1  }
0x23b: {  	v2 =	vmul.f32 v2, v60;
	_ =	sdelay $0x1  }
0x23c: {  	[tilespmem:v1+s12+$0x0] =	vst.idx.add.f32.msk $0xffff, v2  }
0x23d: {  	v2 =	vld.idx.msk [tilespmem:v61+s10+$0x0], $0xffff  }
0x23e: {  	v63 =	vld.idx.msk [tilespmem:v62+s10+$0x0], $0xffff;
	_ =	sdelay $0x4  }
0x23f: {  	v0 =	vor.u32 $0x2, v0;
	v2 =	vsub.f32 v2, v63  }
0x240: {  	v1 =	vor.u32 $0x2, v1  }
0x241: {  	v2 =	vmul.f32 v2, v60;
	_ =	sdelay $0x1  }
0x242: {  	[tilespmem:v62+s12+$0x0] =	vst.idx.add.f32.msk $0xffff, v2  }
0x243: {  	v0 =	vld.idx.msk [tilespmem:v0+s10+$0x0], $0xffff  }
0x244: {  	v2 =	vld.idx.msk [tilespmem:v1+s10+$0x0], $0xffff;
	_ =	sdelay $0x3  }
0x245: {  	p0 =	sne.s32 s16, $0x4B0  }
.Ltmp0:
0x246: {  	v0 =	vsub.f32 v0, v2;
	(pc) =	sbr.rel @p0 .LBB2_2-.Ltmp0, $3  }
0x247: {  	_ = 	snop  }
0x248: {  	v0 =	vmul.f32 v0, v60;
	_ =	sdelay $0x1  }
0x249: {  	s16 =	sadd.s32 $0x32, s16;
	[tilespmem:v1+s12+$0x0] =	vst.idx.add.f32.msk $0xffff, v0  }
0x24a: {  	s15 =	sadd.s32 $0x1, s15  }
0x24b: {  	p0 =	sne.s32 s15, s6  }
.Ltmp1:
0x24c: {  	_ = 	snop;
	(pc) =	sbr.rel @p0 .LBB2_1-.Ltmp1, $4  }
0x24d: {  	[hbm4b:s5+s2] =	stream.linear.scatter [tilespmem:s12], [sflag:$0x1], $0x9C40, $0x38;
	[tilespmem:$0x13D30] =	vst v63  }
0x24e: {  	_ =	swait.ge [sflag:s11], $0x9C40  }
0x24f: {  	[sflag:s11] =	ssyncset.done $0x0  }
0x250: {  	[sflag:s11] =	ssyncadd.s32 $0xFFFF63C0  }
0x251: {  	_ =	sfence.sel $0x180000  }
0x252: {  	[bflag:$0x0] =	sbarrier.arrive $0xFFFF  }
0x253: {  	p0 =	sne.s32 s0, $0x0;
	_ =	strace $0x9000004A  }
0x254: {  	s0 =	sadd.s32 @!p0 $0x100000, s1;
	[bflag:$0x2] =	sbarrier.arrive $0xFFFF  }
0x255: {  	[sflag:s0] =	ssyncadd.tile.s32 @!p0 $0x1;
	_ =	shalt  }
.Lfunc_end2:
_tile_overlayer_lowered:
.L_overlay_start_2:
0x256: {  	(tag) =	ssettag $0x2  }
0x257: {  	s0 =	rddreg [dreg:$0x0];
	s2 =	stileid.u32  }
0x258: {  	s1 =	rddreg [dreg:$0x1];
	p0 =	sne.s32 s2, $0x0  }
0x259: {  	s3 =	rddreg [dreg:$0x2];
	[bflag:$0x3] =	sbarrier.arrive $0xFFFF;
	s2 =	simm.s32 @!p0 $0x1C01  }
0x25a: {  	[timem:s3], [sflag:s2] =	dma.local @!p0 [hbm:s0], s1  }
0x25b: {  	s0 =	simm.s32 @!p0 $0x1  }
0x25c: {  	_ =	swait.ge @!p0 [sflag:s0], s1  }
0x25d: {  	s1 =	ssub.s32 @!p0 $0x0, s1;
	[sflag:s0] =	ssyncset.done @!p0 $0x0  }
0x25e: {  	[sflag:s0] =	ssyncadd.s32 @!p0 s1  }
0x25f: {  	[bflag:$0x3] =	sbarrier.arrive $0xFFFF  }
0x260: {  	_ =	shalt  }

// kernel: kernel.6.cloned.1.call-start
scs
__scs_entry_jumppad:
0x0: {  	(pc) =	sbr.rel $0x88, $3  }
0x1: {  	(tag) =	ssettag $0x0;
	lr =	simm.s32 $0x1  }
0x2: {  	[smem:$0x3F92] =	sst lr;
	_ =	strace $0xD0000000  }
0x3: {  	_ = 	snop  }
0x4: {  	_ = 	snop  }
0x5: {  	_ = 	snop  }
0x6: {  	_ = 	snop  }
0x7: {  	_ = 	snop  }
__scs_overlays_trampoline_lowered:
0x8: {  	[smem:$0x3FA1] =	sst s0  }
0x9: {  	[smem:$0x3FA2] =	sst s1  }
0xa: {  	[smem:$0x3FA3] =	sst s2  }
0xb: {  	[smem:$0x3FA4] =	sst s3  }
0xc: {  	[smem:$0x3FA5] =	sst s4  }
0xd: {  	[smem:$0x3FA6] =	sst s5  }
0xe: {  	[smem:$0x3FA7] =	sst s6  }
0xf: {  	[smem:$0x3FA8] =	sst s7  }
0x10: {  	[smem:$0x3FA9] =	sst s8  }
0x11: {  	[smem:$0x3FAA] =	sst s9;
	s0 =	simm.s32 @!p0 $0x0  }
0x12: {  	s1 =	sld [smem:$0x3F90];
	s0 =	simm.s32 @p0 $0x1  }
0x13: {  	[smem:$0x3FAB] =	sst s0;
	s0 =	simm.s32 @!p1 $0x0  }
0x14: {  	s2 =	sld [smem:$0x3F8F];
	s0 =	simm.s32 @p1 $0x1  }
0x15: {  	[smem:$0x3FAC] =	sst s0;
	s0 =	simm.s32 @!p2 $0x0  }
0x16: {  	s3 =	sld [smem:$0x3FDB];
	s0 =	simm.s32 @p2 $0x1  }
0x17: {  	s4 =	simm.s32 $0x1BF5;
	[smem:$0x3FAE] =	sst s0  }
0x18: {  	s0 =	sld [smem:$0x3F91];
	_ =	swait.ge [sflag:s4], $0x0  }
0x19: {  	s7 =	sld [smem:$0x3F92]  }
0x1a: {  	s8 =	sadd.s32 $0xFFFFE003, lr  }
0x1b: {  	s9 =	sadd.s32 $0xFFFFFEF7, lr;
	s5 =	simm.s32 $0xFFFFFFFF;
	p2 =	slt.u32 s8, $0xFFFFF086  }
0x1c: {  	p1 =	slt.u32 s9, $0xF7A;
	s5 =	simm.s32 @!p2 $0x0  }
0x1d: {  	s5 =	simm.s32 @p1 $0x1;
	p0 =	seq.s32 s7, s2  }
0x1e: {  	s7 =	smul.u32 @!p0 $0xF7A, s2;
	p2 =	seq.s32 @!p0 s5, $0x0  }
0x1f: {  	s9 =	smul.u32 $0xF7A, s1;
	s8 =	simm.s32 @!p0 $0x1BF5;
	p2 =	por !p2, p0  }
0x20: {  	[sflag:s8] =	ssyncset.s32 @!p0 $0xFFFFF086;
	s6 =	sadd.s32 @!p0 s3, s7;
	s7 =	simm.s32 @!p0 $0x108  }
0x21: {  	s3 =	sadd.s32 s3, s9;
	s6 =	sadd.s32 @!p0 $0x88, s6;
	s7 =	simm.s32 @p2 $0x1082  }
0x22: {  	[simem:s7], [sflag:s8] =	dma.local @!p0 [hbm:s6], $0xF7A  }
0x23: {  	s9 =	sor.u32 $0xD0000000, s2;
	s6 =	simm.s32 $0x108;
	_ =	swait.ge @!p0 [sflag:s8], $0x0  }
0x24: {  	s3 =	sadd.s32 $0x88, s3;
	s6 =	simm.s32 @!p1 $0x1082;
	[sflag:s4] =	ssyncset.s32 $0xFFFFF086  }
0x25: {  	[simem:s6], [sflag:s4] =	dma.local [hbm:s3], $0xF7A  }
0x26: {  	[smem:$0x3F92] =	sst s1;
	(tag) =	ssettag s2;
	_ =	strace s9  }
0x27: {  	s1 =	sld [smem:$0x3FA2]  }
0x28: {  	s2 =	sld [smem:$0x3FA3]  }
0x29: {  	s4 =	sld [smem:$0x3FA5]  }
0x2a: {  	p0 =	seq.s32 s5, $0x0;
	s5 =	sld [smem:$0x3FA6]  }
0x2b: {  	s6 =	sld [smem:$0x3FA7]  }
0x2c: {  	s7 =	sld [smem:$0x3FA8]  }
0x2d: {  	s3 =	simm.s32 $0x108;
	s8 =	sld [smem:$0x3FA9]  }
0x2e: {  	s3 =	simm.s32 @!p0 $0x1082;
	s9 =	sld [smem:$0x3FAA]  }
0x2f: {  	lr =	sadd.s32 s0, s3;
	s0 =	sld [smem:$0x3FA1]  }
0x30: {  	s3 =	sld [smem:$0x3FA4]  }
0x31: {  	[smem:$0x3FAD] =	sst s10  }
0x32: {  	s10 =	sld [smem:$0x3FAB];
	_ =	sdelay $0x3  }
0x33: {  	p0 =	seq.s32 s10, $0x1;
	s10 =	sld [smem:$0x3FAD];
	_ =	sdelay $0x3  }
0x34: {  	[smem:$0x3FAD] =	sst s10  }
0x35: {  	s10 =	sld [smem:$0x3FAC];
	_ =	sdelay $0x3  }
0x36: {  	p1 =	seq.s32 s10, $0x1;
	s10 =	sld [smem:$0x3FAD];
	_ =	sdelay $0x3  }
0x37: {  	[smem:$0x3FAD] =	sst s10  }
0x38: {  	s10 =	sld [smem:$0x3FAE]  }
0x39: {  	_ = 	snop;
	(pc) =	sbr.ind lr, $3  }
0x3a: {  	_ = 	snop  }
0x3b: {  	_ = 	snop  }
0x3c: {  	p2 =	seq.s32 s10, $0x1;
	s10 =	sld [smem:$0x3FAD]  }
0x3d: {  	_ =	shalt  }
0x3e: {  	_ =	shalt  }
0x3f: {  	_ =	shalt  }
0x40: {  	_ =	shalt  }
0x41: {  	_ =	shalt  }
0x42: {  	_ =	shalt  }
0x43: {  	_ =	shalt  }
0x44: {  	_ =	shalt  }
0x45: {  	_ =	shalt  }
0x46: {  	_ =	shalt  }
0x47: {  	_ =	shalt  }
0x48: {  	_ =	shalt  }
0x49: {  	_ =	shalt  }
0x4a: {  	_ =	shalt  }
0x4b: {  	_ =	shalt  }
0x4c: {  	_ =	shalt  }
0x4d: {  	_ =	shalt  }
0x4e: {  	_ =	shalt  }
0x4f: {  	_ =	shalt  }
0x50: {  	_ =	shalt  }
0x51: {  	_ =	shalt  }
0x52: {  	_ =	shalt  }
0x53: {  	_ =	shalt  }
0x54: {  	_ =	shalt  }
0x55: {  	_ =	shalt  }
0x56: {  	_ =	shalt  }
0x57: {  	_ =	shalt  }
0x58: {  	_ =	shalt  }
0x59: {  	_ =	shalt  }
0x5a: {  	_ =	shalt  }
0x5b: {  	_ =	shalt  }
0x5c: {  	_ =	shalt  }
0x5d: {  	_ =	shalt  }
0x5e: {  	_ =	shalt  }
0x5f: {  	_ =	shalt  }
0x60: {  	_ =	shalt  }
0x61: {  	_ =	shalt  }
0x62: {  	_ =	shalt  }
0x63: {  	_ =	shalt  }
0x64: {  	_ =	shalt  }
0x65: {  	_ =	shalt  }
0x66: {  	_ =	shalt  }
0x67: {  	_ =	shalt  }
0x68: {  	_ =	shalt  }
0x69: {  	_ =	shalt  }
0x6a: {  	_ =	shalt  }
0x6b: {  	_ =	shalt  }
0x6c: {  	_ =	shalt  }
0x6d: {  	_ =	shalt  }
0x6e: {  	_ =	shalt  }
0x6f: {  	_ =	shalt  }
0x70: {  	_ =	shalt  }
0x71: {  	_ =	shalt  }
0x72: {  	_ =	shalt  }
0x73: {  	_ =	shalt  }
0x74: {  	_ =	shalt  }
0x75: {  	_ =	shalt  }
0x76: {  	_ =	shalt  }
0x77: {  	_ =	shalt  }
0x78: {  	_ =	shalt  }
0x79: {  	_ =	shalt  }
0x7a: {  	_ =	shalt  }
0x7b: {  	_ =	shalt  }
0x7c: {  	_ =	shalt  }
0x7d: {  	_ =	shalt  }
0x7e: {  	_ =	shalt  }
0x7f: {  	_ =	shalt  }
0x80: {  	_ =	shalt  }
0x81: {  	_ =	shalt  }
0x82: {  	_ =	shalt  }
0x83: {  	_ =	shalt  }
0x84: {  	_ =	shalt  }
0x85: {  	_ =	shalt  }
0x86: {  	_ =	shalt  }
0x87: {  	_ =	shalt  }
.Lfunc_end0:
.L_simem_size_0:
called_computation_lowered:
.L_overlay_start_0:
0x88: {  	s2 =	sld [smem:$0x3FD9]  }
0x89: {  	s3 =	sld [smem:$0x3FFE];
	_ =	sdelay $0x1  }
0x8a: {  	s1 =	srdreg.scid  }
0x8b: {  	s0 =	sand.u32 $0x1, s1  }
0x8c: {  	s17 =	sshll.u32 s0, $0xA;
	s2 =	sadd.s32 s3, s2  }
0x8d: {  	s2 =	sadd.s32 s2, s17  }
0x8e: {  	[smem:$0x3FB9] =	sst s2  }
0x8f: {  	_ = 	snop  }
0x90: {  	s2 =	sld [smem:$0x3FC9];
	(tm) =	ssettm $0x1  }
0x91: {  	s18 =	sld [smem:$0x3FFB];
	_ =	sdelay $0x3  }
0x92: {  	_ =	strace s18  }
0x93: {  	s3 =	sld [smem:$0x3FFC];
	_ =	sdelay $0x3  }
0x94: {  	_ =	strace s3  }
0x95: {  	s3 =	sld [smem:$0x3FFD];
	_ =	sdelay $0x3  }
0x96: {  	_ =	strace s3  }
0x97: {  	_ =	strace $0x8FFFFFFF  }
0x98: {  	s19 =	sld [smem:$0x3FDB];
	_ =	sdelay $0x1  }
0x99: {  	s4 =	simm.s32 $_scs_section_size  }
0x9a: {  	s5 =	simm.s32 $_size__tile_overlayer_lowered;
	s6 =	simm.s32 $_tile_overlayer_lowered  }
0x9b: {  	s22 =	simm.s32 $0x1BFF;
	s21 =	sshll.u32 s6, $0x1;
	s3 =	sadd.s32 s4, s19  }
0x9c: {  	s7 =	simm.s32 $0x0;
	s20 =	sshll.u32 s5, $0x1;
	s5 =	sadd.s32 s21, s3  }
0x9d: {  	[timem:s7], [sflag:s22] =	dma.local [hbm:s5], s20  }
0x9e: {  	_ =	swait.ge [sflag:s22], s20  }
0x9f: {  	s4 =	ssub.s32 $0x0, s20;
	[sflag:s22] =	ssyncset.done $0x0  }
0xa0: {  	[sflag:s22] =	ssyncadd.s32 s4;
	_ =	sdelay $0x1  }
0xa1: {  	s23 =	simm.s32 $0x1B8B  }
0xa2: {  	_ =	swait.ge [sflag:s23], $0x1  }
0xa3: {  	[sflag:s23] =	ssyncset.done $0x0  }
0xa4: {  	s25 =	simm.s32 $0x1B8E;
	s24 =	sld [smem:$0x3FFE];
	[sflag:s23] =	ssyncadd.s32 $0xFFFFFFFF  }
0xa5: {  	s26 =	simm.s32 $execute0_lowered;
	[smem:$0x3FD2] =	sst s25  }
0xa6: {  	s5 =	sshll.u32 s26, $0x1;
	_ =	strace $0x80000046;
	[dreg:$0x1] =	wrdreg $0xFFFFFFFF  }
0xa7: {  	s28 =	simm.s32 $_size_execute0_lowered;
	s3 =	sadd.s32 s3, s5;
	[dreg:$0x0] =	wrdreg $0x0  }
0xa8: {  	s5 =	sshll.u32 s28, $0x1;
	[dreg:$0x2] =	wrdreg s3  }
0xa9: {  	[dreg:$0x3] =	wrdreg s5  }
0xaa: {  	[dreg:$0x4] =	wrdreg $0xC0  }
0xab: {  	_ =	task [dreg:s7], $0x5FFFF  }
0xac: {  	[dreg:$0x1] =	wrdreg $0xFFFFFFFF  }
0xad: {  	[dreg:$0x0] =	wrdreg $0x60  }
0xae: {  	[dreg:$0x2] =	wrdreg s2  }
0xaf: {  	[dreg:$0x3] =	wrdreg s24  }
0xb0: {  	[dreg:$0x4] =	wrdreg $0x9  }
0xb1: {  	_ =	task.clear_ibuf [dreg:s7], $0x5FFFF;
	_ =	strace $0x90000046  }
0xb2: {  	s29 =	simm.s32 $0x9;
	_ =	strace $0x80000048  }
0xb3: {  	_ =	swait.ge [sflag:s29], $0x1  }
0xb4: {  	[sflag:s29] =	ssyncadd.s32 $0xFFFFFFFF  }
0xb5: {  	_ =	strace $0x90000048  }
0xb6: {  	_ =	sfence  }
0xb7: {  	s30 =	sld [smem:$0x0];
	_ =	sdelay $0x2  }
0xb8: {  	s31 =	sshll.u32 s1, $0xD;
	s1 =	sshrl.u32 s1, $0x2  }
0xb9: {  	s3 =	sand.u32 $0x4000, s31;
	s1 =	sadd.s32 s1, s30  }
0xba: {  	s0 =	sor.u32 s3, s0;
	s1 =	sshll.u32 s1, $0x11  }
0xbb: {  	s0 =	sor.u32 s1, s0  }
0xbc: {  	s0 =	sadd.s32 $0x8F2B, s0  }
0xbd: {  	[sflag:s0] =	ssyncadd.remote.s32 $0x1  }
0xbe: {  	_ =	sfence.sel $0xFFFF  }
0xbf: {  	[dreg:$0x0] =	wrdreg $0xFFFFFFFF;
	(pc) =	sbr.abs _section_cstart, $3  }
0xc0: {  	[dreg:$0x1] =	wrdreg $0xFFFFFFFF  }
0xc1: {  	_ =	task.clear_ibuf [dreg:s7], $0x2FFFF;
	_ =	strace $0x9FFFFFFF  }
0xc2: {  	(tm) =	ssettm $0x7FFFFFFF  }
0xc3: {  	_ =	shalt  }
tec
execute0_lowered:
.L_overlay_start_1:
0x0: {  	(tag) =	ssettag $0x1  }
0x1: {  	s2 =	rddreg [dreg:$0x0];
	s1 =	srdreg.scid  }
0x2: {  	s0 =	stileid.u32;
	s4 =	rddreg [dreg:$0x1];
	s3 =	simm.s32 $0x0  }
0x3: {  	s10 =	simm.s32 $0xC8;
	s11 =	simm.s32 $0x80;
	s12 =	simm.s32 $0x190  }
0x4: {  	s13 =	simm.s32 $0x48;
	s14 =	simm.s32 $0x4190;
	s15 =	simm.s32 $0x6590  }
0x5: {  	s16 =	simm.s32 $0x148;
	s17 =	simm.s32 $0xA590;
	s18 =	simm.s32 $0x1  }
0x6: {  	s19 =	simm.s32 $0x2;
	s20 =	simm.s32 $0x0;
	s6 =	smul.u32 $0x4E20, s0  }
0x7: {  	s5 =	sand.u32 $0x1, s1;
	s1 =	rddreg [dreg:$0x2];
	s8 =	smul.u32 $0x4E200, s0  }
0x8: {  	[smem:$0x7FF] =	sst s3;
	s7 =	smul.u32 $0x2710, s5;
	s9 =	ssub.s32 $0x2, s5  }
0x9: {  	_ =	strace $0x80000047;
	s5 =	smul.u32 $0x27100, s5;
	s30 =	sshrl.u32 s9, $0x1  }
0xa: {  	s29 =	sadd.s32 s8, s4;
	s6 =	sadd.s32 s7, s6;
	s8 =	ssub.s32 s9, s30  }
0xb: {  	s7 =	sadd.s32 s5, s29;
	s9 =	simm.s32 $0x3;
	s6 =	sshrl.u32 s6, $0x3  }
0xc: {  	s5 =	sadd.s32 $0x4FE800, s7;
	s31 =	sadd.s32 s6, s4;
	s4 =	smax.u32 s8, $0x1  }
0xd: {  	s6 =	sadd.s32 $0x16800, s7;
	s7 =	sadd.s32 $0xCA00, s31;
	s8 =	sadd.s32 $0x2C00, s31  }
.LBB2_1:
0xe: {  	s21 =	sadd.s32 $0x0, s8  }
0xf: {  	[tilespmem:s3], [sflag:$0x3] =	stream.linear.gather [hbm4b:s21+s3], $0xC8, $0x38;
	[tilespmem:$0xC990] =	vst v63  }
0x10: {  	_ =	swait.ge [sflag:s9], $0xC8  }
0x11: {  	[sflag:s9] =	ssyncset.done $0x0  }
0x12: {  	s31 =	sadd.s32 $0x0, s7;
	[sflag:s9] =	ssyncadd.s32 $0xFFFFFF38  }
0x13: {  	[tilespmem:s10], [sflag:$0x3] =	stream.linear.gather [hbm4b:s31+s3], $0xC8, $0x38;
	[tilespmem:$0xC990] =	vst v63  }
0x14: {  	_ =	swait.ge [sflag:s9], $0xC8  }
0x15: {  	[sflag:s9] =	ssyncset.done $0x0  }
0x16: {  	[sflag:s9] =	ssyncadd.s32 $0xFFFFFF38  }
0x17: {  	[tilespmem:s12], [sflag:$0x1] =	stream.indirect.gather [hbm4b:s2+s11], $0x80, s3, s11, $0xb8;
	[tilespmem:$0xC990] =	vst v63  }
0x18: {  	_ = 	snop  }
0x19: {  	[tilespmem:s14], [sflag:$0x1] =	stream.indirect.gather [hbm4b:s2+s13], $0x80, s11, s13, $0xb8;
	[tilespmem:$0xC990] =	vst v63  }
0x1a: {  	_ = 	snop  }
0x1b: {  	[tilespmem:s15], [sflag:$0x2] =	stream.indirect.gather [hbm4b:s2+s11], $0x80, s10, s11, $0xb8;
	[tilespmem:$0xC990] =	vst v63  }
0x1c: {  	_ = 	snop  }
0x1d: {  	[tilespmem:s17], [sflag:$0x2] =	stream.indirect.gather [hbm4b:s2+s13], $0x80, s16, s13, $0xb8;
	[tilespmem:$0xC990] =	vst v63  }
0x1e: {  	_ =	swait.ge [sflag:s18], $0x4000  }
0x1f: {  	[sflag:s18] =	ssyncset.done $0x0  }
0x20: {  	[sflag:s18] =	ssyncadd.s32 $0xFFFFC000  }
0x21: {  	_ =	swait.ge [sflag:s18], $0x2400  }
0x22: {  	[sflag:s18] =	ssyncset.done $0x0  }
0x23: {  	[sflag:s18] =	ssyncadd.s32 $0xFFFFDC00  }
0x24: {  	[hbm4b:s6+s3] =	stream.linear.scatter [tilespmem:s12], [sflag:$0x3], $0x6400, $0x38;
	[tilespmem:$0xC990] =	vst v63  }
0x25: {  	_ =	swait.ge [sflag:s9], $0x6400  }
0x26: {  	[sflag:s9] =	ssyncset.done $0x0  }
0x27: {  	[sflag:s9] =	ssyncadd.s32 $0xFFFF9C00  }
0x28: {  	_ =	swait.ge [sflag:s19], $0x4000  }
0x29: {  	[sflag:s19] =	ssyncset.done $0x0  }
0x2a: {  	[sflag:s19] =	ssyncadd.s32 $0xFFFFC000  }
0x2b: {  	_ =	swait.ge [sflag:s19], $0x2400  }
0x2c: {  	[sflag:s19] =	ssyncset.done $0x0  }
0x2d: {  	[sflag:s19] =	ssyncadd.s32 $0xFFFFDC00  }
0x2e: {  	[hbm4b:s5+s3] =	stream.linear.scatter [tilespmem:s15], [sflag:$0x3], $0x6400, $0x38;
	[tilespmem:$0xC990] =	vst v63  }
0x2f: {  	s23 =	simm.s32 $0x19;
	s25 =	simm.s32 $0x32;
	_ =	swait.ge [sflag:s9], $0x6400  }
0x30: {  	s22 =	sadd.s32 $0xC80, s6;
	s21 =	sadd.s32 $0xC80, s5;
	[sflag:s9] =	ssyncset.done $0x0  }
.LBB2_2:
0x31: {  	s26 =	sadd.s32 s23, s8  }
0x32: {  	[sflag:s9] =	ssyncadd.s32 $0xFFFF9C00;
	s28 =	smov.u32 s25;
	s24 =	sadd.s32 $0x19, s25  }
0x33: {  	[tilespmem:s3], [sflag:$0x3] =	stream.linear.gather [hbm4b:s26+s3], $0xC8, $0x38;
	[tilespmem:$0xC990] =	vst v63  }
0x34: {  	p0 =	sne.s32 s25, $0x4C9;
	_ =	swait.ge [sflag:s9], $0xC8  }
0x35: {  	[sflag:s9] =	ssyncset.done $0x0  }
0x36: {  	s25 =	sadd.s32 s23, s7;
	s23 =	smov.u32 s28;
	[sflag:s9] =	ssyncadd.s32 $0xFFFFFF38  }
0x37: {  	[tilespmem:s10], [sflag:$0x3] =	stream.linear.gather [hbm4b:s25+s3], $0xC8, $0x38;
	[tilespmem:$0xC990] =	vst v63  }
0x38: {  	_ =	swait.ge [sflag:s9], $0xC8  }
0x39: {  	[sflag:s9] =	ssyncset.done $0x0  }
0x3a: {  	[sflag:s9] =	ssyncadd.s32 $0xFFFFFF38  }
0x3b: {  	[tilespmem:s12], [sflag:$0x1] =	stream.indirect.gather [hbm4b:s2+s11], $0x80, s3, s11, $0xb8;
	[tilespmem:$0xC990] =	vst v63  }
0x3c: {  	_ = 	snop  }
0x3d: {  	[tilespmem:s14], [sflag:$0x1] =	stream.indirect.gather [hbm4b:s2+s13], $0x80, s11, s13, $0xb8;
	[tilespmem:$0xC990] =	vst v63  }
0x3e: {  	_ = 	snop  }
0x3f: {  	[tilespmem:s15], [sflag:$0x2] =	stream.indirect.gather [hbm4b:s2+s11], $0x80, s10, s11, $0xb8;
	[tilespmem:$0xC990] =	vst v63  }
0x40: {  	_ = 	snop  }
0x41: {  	[tilespmem:s17], [sflag:$0x2] =	stream.indirect.gather [hbm4b:s2+s13], $0x80, s16, s13, $0xb8;
	[tilespmem:$0xC990] =	vst v63  }
0x42: {  	_ =	swait.ge [sflag:s18], $0x4000  }
0x43: {  	[sflag:s18] =	ssyncset.done $0x0  }
0x44: {  	[sflag:s18] =	ssyncadd.s32 $0xFFFFC000  }
0x45: {  	_ =	swait.ge [sflag:s18], $0x2400  }
0x46: {  	[sflag:s18] =	ssyncset.done $0x0  }
0x47: {  	[sflag:s18] =	ssyncadd.s32 $0xFFFFDC00  }
0x48: {  	[hbm4b:s22+s3] =	stream.linear.scatter [tilespmem:s12], [sflag:$0x3], $0x6400, $0x38;
	[tilespmem:$0xC990] =	vst v63  }
0x49: {  	_ =	swait.ge [sflag:s9], $0x6400  }
0x4a: {  	[sflag:s9] =	ssyncset.done $0x0  }
0x4b: {  	[sflag:s9] =	ssyncadd.s32 $0xFFFF9C00  }
0x4c: {  	_ =	swait.ge [sflag:s19], $0x4000  }
0x4d: {  	[sflag:s19] =	ssyncset.done $0x0  }
0x4e: {  	[sflag:s19] =	ssyncadd.s32 $0xFFFFC000  }
0x4f: {  	_ =	swait.ge [sflag:s19], $0x2400  }
.Ltmp0:
0x50: {  	[sflag:s19] =	ssyncset.done $0x0;
	(pc) =	sbr.rel @p0 .LBB2_2-.Ltmp0, $4  }
0x51: {  	[sflag:s19] =	ssyncadd.s32 $0xFFFFDC00  }
0x52: {  	[hbm4b:s21+s3] =	stream.linear.scatter [tilespmem:s15], [sflag:$0x3], $0x6400, $0x38;
	[tilespmem:$0xC990] =	vst v63  }
0x53: {  	s25 =	smov.u32 s24;
	_ =	swait.ge [sflag:s9], $0x6400  }
0x54: {  	s22 =	sadd.s32 $0xC80, s22;
	s21 =	sadd.s32 $0xC80, s21;
	[sflag:s9] =	ssyncset.done $0x0  }
0x55: {  	s24 =	sadd.s32 s23, s8;
	[sflag:s9] =	ssyncadd.s32 $0xFFFF9C00  }
0x56: {  	[tilespmem:s3], [sflag:$0x3] =	stream.linear.gather [hbm4b:s24+s3], $0xC8, $0x38;
	[tilespmem:$0xC990] =	vst v63  }
0x57: {  	_ =	swait.ge [sflag:s9], $0xC8  }
0x58: {  	[sflag:s9] =	ssyncset.done $0x0  }
0x59: {  	s31 =	sadd.s32 s23, s7;
	[sflag:s9] =	ssyncadd.s32 $0xFFFFFF38  }
0x5a: {  	[tilespmem:s10], [sflag:$0x3] =	stream.linear.gather [hbm4b:s31+s3], $0xC8, $0x38;
	[tilespmem:$0xC990] =	vst v63  }
0x5b: {  	_ =	swait.ge [sflag:s9], $0xC8  }
0x5c: {  	[sflag:s9] =	ssyncset.done $0x0  }
0x5d: {  	[sflag:s9] =	ssyncadd.s32 $0xFFFFFF38  }
0x5e: {  	[tilespmem:s12], [sflag:$0x1] =	stream.indirect.gather [hbm4b:s2+s11], $0x80, s3, s11, $0xb8;
	[tilespmem:$0xC990] =	vst v63  }
0x5f: {  	_ = 	snop  }
0x60: {  	[tilespmem:s14], [sflag:$0x1] =	stream.indirect.gather [hbm4b:s2+s13], $0x80, s11, s13, $0xb8;
	[tilespmem:$0xC990] =	vst v63  }
0x61: {  	_ = 	snop  }
0x62: {  	[tilespmem:s15], [sflag:$0x2] =	stream.indirect.gather [hbm4b:s2+s11], $0x80, s10, s11, $0xb8;
	[tilespmem:$0xC990] =	vst v63  }
0x63: {  	_ = 	snop  }
0x64: {  	[tilespmem:s17], [sflag:$0x2] =	stream.indirect.gather [hbm4b:s2+s13], $0x80, s16, s13, $0xb8;
	[tilespmem:$0xC990] =	vst v63  }
0x65: {  	_ =	swait.ge [sflag:s18], $0x4000  }
0x66: {  	[sflag:s18] =	ssyncset.done $0x0  }
0x67: {  	[sflag:s18] =	ssyncadd.s32 $0xFFFFC000  }
0x68: {  	_ =	swait.ge [sflag:s18], $0x2400  }
0x69: {  	[sflag:s18] =	ssyncset.done $0x0  }
0x6a: {  	[sflag:s18] =	ssyncadd.s32 $0xFFFFDC00  }
0x6b: {  	[hbm4b:s22+s3] =	stream.linear.scatter [tilespmem:s12], [sflag:$0x3], $0x6400, $0x38;
	[tilespmem:$0xC990] =	vst v63  }
0x6c: {  	_ =	swait.ge [sflag:s9], $0x6400  }
0x6d: {  	[sflag:s9] =	ssyncset.done $0x0  }
0x6e: {  	[sflag:s9] =	ssyncadd.s32 $0xFFFF9C00  }
0x6f: {  	_ =	swait.ge [sflag:s19], $0x4000  }
0x70: {  	[sflag:s19] =	ssyncset.done $0x0  }
0x71: {  	[sflag:s19] =	ssyncadd.s32 $0xFFFFC000  }
0x72: {  	s20 =	sadd.s32 $0x1, s20;
	_ =	swait.ge [sflag:s19], $0x2400  }
0x73: {  	p0 =	sne.s32 s20, s4;
	[sflag:s19] =	ssyncset.done $0x0  }
.Ltmp1:
0x74: {  	[sflag:s19] =	ssyncadd.s32 $0xFFFFDC00;
	(pc) =	sbr.rel @p0 .LBB2_1-.Ltmp1, $4  }
0x75: {  	[hbm4b:s21+s3] =	stream.linear.scatter [tilespmem:s15], [sflag:$0x3], $0x6400, $0x38;
	[tilespmem:$0xC990] =	vst v63  }
0x76: {  	_ =	swait.ge [sflag:s9], $0x6400  }
0x77: {  	[sflag:s9] =	ssyncset.done $0x0  }
0x78: {  	[sflag:s9] =	ssyncadd.s32 $0xFFFF9C00  }
0x79: {  	_ =	sfence.sel $0x180000  }
0x7a: {  	[bflag:$0x0] =	sbarrier.arrive $0xFFFF  }
0x7b: {  	p0 =	sne.s32 s0, $0x0;
	_ =	strace $0x90000047  }
0x7c: {  	s0 =	sadd.s32 @!p0 $0x100000, s1;
	[bflag:$0x2] =	sbarrier.arrive $0xFFFF  }
0x7d: {  	[sflag:s0] =	ssyncadd.tile.s32 @!p0 $0x1;
	_ =	shalt  }
.Lfunc_end2:
_tile_overlayer_lowered:
.L_overlay_start_2:
0x7e: {  	(tag) =	ssettag $0x2  }
0x7f: {  	s0 =	rddreg [dreg:$0x0];
	s2 =	stileid.u32  }
0x80: {  	s1 =	rddreg [dreg:$0x1];
	p0 =	sne.s32 s2, $0x0  }
0x81: {  	s3 =	rddreg [dreg:$0x2];
	[bflag:$0x3] =	sbarrier.arrive $0xFFFF;
	s2 =	simm.s32 @!p0 $0x1C03  }
0x82: {  	[timem:s3], [sflag:s2] =	dma.local @!p0 [hbm:s0], s1  }
0x83: {  	s0 =	simm.s32 @!p0 $0x3  }
0x84: {  	_ =	swait.ge @!p0 [sflag:s0], s1  }
0x85: {  	s1 =	ssub.s32 @!p0 $0x0, s1;
	[sflag:s0] =	ssyncset.done @!p0 $0x0  }
0x86: {  	[sflag:s0] =	ssyncadd.s32 @!p0 s1  }
0x87: {  	[bflag:$0x3] =	sbarrier.arrive $0xFFFF  }
0x88: {  	_ =	shalt  }

// kernel: kernel.9.cloned.1.call-start
scs
__scs_entry_jumppad:
0x0: {  	(pc) =	sbr.rel $0x88, $3  }
0x1: {  	(tag) =	ssettag $0x0;
	lr =	simm.s32 $0x1  }
0x2: {  	[smem:$0x3F92] =	sst lr;
	_ =	strace $0xD0000000  }
0x3: {  	_ = 	snop  }
0x4: {  	_ = 	snop  }
0x5: {  	_ = 	snop  }
0x6: {  	_ = 	snop  }
0x7: {  	_ = 	snop  }
__scs_overlays_trampoline_lowered:
0x8: {  	[smem:$0x3FA1] =	sst s0  }
0x9: {  	[smem:$0x3FA2] =	sst s1  }
0xa: {  	[smem:$0x3FA3] =	sst s2  }
0xb: {  	[smem:$0x3FA4] =	sst s3  }
0xc: {  	[smem:$0x3FA5] =	sst s4  }
0xd: {  	[smem:$0x3FA6] =	sst s5  }
0xe: {  	[smem:$0x3FA7] =	sst s6  }
0xf: {  	[smem:$0x3FA8] =	sst s7  }
0x10: {  	[smem:$0x3FA9] =	sst s8  }
0x11: {  	[smem:$0x3FAA] =	sst s9;
	s0 =	simm.s32 @!p0 $0x0  }
0x12: {  	s1 =	sld [smem:$0x3F90];
	s0 =	simm.s32 @p0 $0x1  }
0x13: {  	[smem:$0x3FAB] =	sst s0;
	s0 =	simm.s32 @!p1 $0x0  }
0x14: {  	s2 =	sld [smem:$0x3F8F];
	s0 =	simm.s32 @p1 $0x1  }
0x15: {  	[smem:$0x3FAC] =	sst s0;
	s0 =	simm.s32 @!p2 $0x0  }
0x16: {  	s3 =	sld [smem:$0x3FDB];
	s0 =	simm.s32 @p2 $0x1  }
0x17: {  	s4 =	simm.s32 $0x1BF5;
	[smem:$0x3FAE] =	sst s0  }
0x18: {  	s0 =	sld [smem:$0x3F91];
	_ =	swait.ge [sflag:s4], $0x0  }
0x19: {  	s7 =	sld [smem:$0x3F92]  }
0x1a: {  	s8 =	sadd.s32 $0xFFFFE003, lr  }
0x1b: {  	s9 =	sadd.s32 $0xFFFFFEF7, lr;
	s5 =	simm.s32 $0xFFFFFFFF;
	p2 =	slt.u32 s8, $0xFFFFF086  }
0x1c: {  	p1 =	slt.u32 s9, $0xF7A;
	s5 =	simm.s32 @!p2 $0x0  }
0x1d: {  	s5 =	simm.s32 @p1 $0x1;
	p0 =	seq.s32 s7, s2  }
0x1e: {  	s7 =	smul.u32 @!p0 $0xF7A, s2;
	p2 =	seq.s32 @!p0 s5, $0x0  }
0x1f: {  	s9 =	smul.u32 $0xF7A, s1;
	s8 =	simm.s32 @!p0 $0x1BF5;
	p2 =	por !p2, p0  }
0x20: {  	[sflag:s8] =	ssyncset.s32 @!p0 $0xFFFFF086;
	s6 =	sadd.s32 @!p0 s3, s7;
	s7 =	simm.s32 @!p0 $0x108  }
0x21: {  	s3 =	sadd.s32 s3, s9;
	s6 =	sadd.s32 @!p0 $0x88, s6;
	s7 =	simm.s32 @p2 $0x1082  }
0x22: {  	[simem:s7], [sflag:s8] =	dma.local @!p0 [hbm:s6], $0xF7A  }
0x23: {  	s9 =	sor.u32 $0xD0000000, s2;
	s6 =	simm.s32 $0x108;
	_ =	swait.ge @!p0 [sflag:s8], $0x0  }
0x24: {  	s3 =	sadd.s32 $0x88, s3;
	s6 =	simm.s32 @!p1 $0x1082;
	[sflag:s4] =	ssyncset.s32 $0xFFFFF086  }
0x25: {  	[simem:s6], [sflag:s4] =	dma.local [hbm:s3], $0xF7A  }
0x26: {  	[smem:$0x3F92] =	sst s1;
	(tag) =	ssettag s2;
	_ =	strace s9  }
0x27: {  	s1 =	sld [smem:$0x3FA2]  }
0x28: {  	s2 =	sld [smem:$0x3FA3]  }
0x29: {  	s4 =	sld [smem:$0x3FA5]  }
0x2a: {  	p0 =	seq.s32 s5, $0x0;
	s5 =	sld [smem:$0x3FA6]  }
0x2b: {  	s6 =	sld [smem:$0x3FA7]  }
0x2c: {  	s7 =	sld [smem:$0x3FA8]  }
0x2d: {  	s3 =	simm.s32 $0x108;
	s8 =	sld [smem:$0x3FA9]  }
0x2e: {  	s3 =	simm.s32 @!p0 $0x1082;
	s9 =	sld [smem:$0x3FAA]  }
0x2f: {  	lr =	sadd.s32 s0, s3;
	s0 =	sld [smem:$0x3FA1]  }
0x30: {  	s3 =	sld [smem:$0x3FA4]  }
0x31: {  	[smem:$0x3FAD] =	sst s10  }
0x32: {  	s10 =	sld [smem:$0x3FAB];
	_ =	sdelay $0x3  }
0x33: {  	p0 =	seq.s32 s10, $0x1;
	s10 =	sld [smem:$0x3FAD];
	_ =	sdelay $0x3  }
0x34: {  	[smem:$0x3FAD] =	sst s10  }
0x35: {  	s10 =	sld [smem:$0x3FAC];
	_ =	sdelay $0x3  }
0x36: {  	p1 =	seq.s32 s10, $0x1;
	s10 =	sld [smem:$0x3FAD];
	_ =	sdelay $0x3  }
0x37: {  	[smem:$0x3FAD] =	sst s10  }
0x38: {  	s10 =	sld [smem:$0x3FAE]  }
0x39: {  	_ = 	snop;
	(pc) =	sbr.ind lr, $3  }
0x3a: {  	_ = 	snop  }
0x3b: {  	_ = 	snop  }
0x3c: {  	p2 =	seq.s32 s10, $0x1;
	s10 =	sld [smem:$0x3FAD]  }
0x3d: {  	_ =	shalt  }
0x3e: {  	_ =	shalt  }
0x3f: {  	_ =	shalt  }
0x40: {  	_ =	shalt  }
0x41: {  	_ =	shalt  }
0x42: {  	_ =	shalt  }
0x43: {  	_ =	shalt  }
0x44: {  	_ =	shalt  }
0x45: {  	_ =	shalt  }
0x46: {  	_ =	shalt  }
0x47: {  	_ =	shalt  }
0x48: {  	_ =	shalt  }
0x49: {  	_ =	shalt  }
0x4a: {  	_ =	shalt  }
0x4b: {  	_ =	shalt  }
0x4c: {  	_ =	shalt  }
0x4d: {  	_ =	shalt  }
0x4e: {  	_ =	shalt  }
0x4f: {  	_ =	shalt  }
0x50: {  	_ =	shalt  }
0x51: {  	_ =	shalt  }
0x52: {  	_ =	shalt  }
0x53: {  	_ =	shalt  }
0x54: {  	_ =	shalt  }
0x55: {  	_ =	shalt  }
0x56: {  	_ =	shalt  }
0x57: {  	_ =	shalt  }
0x58: {  	_ =	shalt  }
0x59: {  	_ =	shalt  }
0x5a: {  	_ =	shalt  }
0x5b: {  	_ =	shalt  }
0x5c: {  	_ =	shalt  }
0x5d: {  	_ =	shalt  }
0x5e: {  	_ =	shalt  }
0x5f: {  	_ =	shalt  }
0x60: {  	_ =	shalt  }
0x61: {  	_ =	shalt  }
0x62: {  	_ =	shalt  }
0x63: {  	_ =	shalt  }
0x64: {  	_ =	shalt  }
0x65: {  	_ =	shalt  }
0x66: {  	_ =	shalt  }
0x67: {  	_ =	shalt  }
0x68: {  	_ =	shalt  }
0x69: {  	_ =	shalt  }
0x6a: {  	_ =	shalt  }
0x6b: {  	_ =	shalt  }
0x6c: {  	_ =	shalt  }
0x6d: {  	_ =	shalt  }
0x6e: {  	_ =	shalt  }
0x6f: {  	_ =	shalt  }
0x70: {  	_ =	shalt  }
0x71: {  	_ =	shalt  }
0x72: {  	_ =	shalt  }
0x73: {  	_ =	shalt  }
0x74: {  	_ =	shalt  }
0x75: {  	_ =	shalt  }
0x76: {  	_ =	shalt  }
0x77: {  	_ =	shalt  }
0x78: {  	_ =	shalt  }
0x79: {  	_ =	shalt  }
0x7a: {  	_ =	shalt  }
0x7b: {  	_ =	shalt  }
0x7c: {  	_ =	shalt  }
0x7d: {  	_ =	shalt  }
0x7e: {  	_ =	shalt  }
0x7f: {  	_ =	shalt  }
0x80: {  	_ =	shalt  }
0x81: {  	_ =	shalt  }
0x82: {  	_ =	shalt  }
0x83: {  	_ =	shalt  }
0x84: {  	_ =	shalt  }
0x85: {  	_ =	shalt  }
0x86: {  	_ =	shalt  }
0x87: {  	_ =	shalt  }
.Lfunc_end0:
.L_simem_size_0:
called_computation.1_lowered:
.L_overlay_start_0:
0x88: {  	s2 =	sld [smem:$0x3FD9]  }
0x89: {  	s3 =	sld [smem:$0x3FFE];
	_ =	sdelay $0x1  }
0x8a: {  	s1 =	srdreg.scid  }
0x8b: {  	s0 =	sand.u32 $0x1, s1  }
0x8c: {  	s15 =	sshll.u32 s0, $0xA;
	s2 =	sadd.s32 s3, s2  }
0x8d: {  	s2 =	sadd.s32 s2, s15  }
0x8e: {  	[smem:$0x3FB9] =	sst s2  }
0x8f: {  	_ = 	snop  }
0x90: {  	s2 =	sld [smem:$0x3FD0];
	_ =	sdelay $0x2  }
0x91: {  	s16 =	simm.s32 $0xB;
	s4 =	simm.s32 $0x10  }
0x92: {  	[smem:s4], [sflag:s16] =	dma.local [hbm:s2], $0x1  }
0x93: {  	_ =	swait.eq [sflag:s16], $0x1  }
0x94: {  	[sflag:s16] =	ssyncset.done $0x0  }
0x95: {  	[sflag:s16] =	ssyncadd.s32 $0xFFFFFFFF  }
0x96: {  	s17 =	sld [smem:$0x10];
	(tm) =	ssettm $0x1  }
0x97: {  	s18 =	sld [smem:$0x3FFB];
	_ =	sdelay $0x3  }
0x98: {  	_ =	strace s18  }
0x99: {  	s2 =	sld [smem:$0x3FFC];
	_ =	sdelay $0x3  }
0x9a: {  	_ =	strace s2  }
0x9b: {  	s2 =	sld [smem:$0x3FFD];
	_ =	sdelay $0x3  }
0x9c: {  	_ =	strace s2  }
0x9d: {  	_ =	strace $0x8FFFFFFF  }
0x9e: {  	s19 =	sld [smem:$0x3FDB];
	_ =	sdelay $0x1  }
0x9f: {  	s20 =	simm.s32 $_scs_section_size  }
0xa0: {  	s5 =	simm.s32 $_size__tile_overlayer_lowered;
	s6 =	simm.s32 $_tile_overlayer_lowered  }
0xa1: {  	s7 =	simm.s32 $0x1BFF;
	s21 =	sshll.u32 s6, $0x1;
	s4 =	sadd.s32 s20, s19  }
0xa2: {  	s22 =	simm.s32 $0x0;
	s5 =	sshll.u32 s5, $0x1;
	s6 =	sadd.s32 s21, s4  }
0xa3: {  	[timem:s22], [sflag:s7] =	dma.local [hbm:s6], s5  }
0xa4: {  	_ =	swait.ge [sflag:s7], s5  }
0xa5: {  	s5 =	ssub.s32 $0x0, s5;
	[sflag:s7] =	ssyncset.done $0x0  }
0xa6: {  	[sflag:s7] =	ssyncadd.s32 s5;
	_ =	sdelay $0x1  }
0xa7: {  	s23 =	simm.s32 $0x1B8B  }
0xa8: {  	_ =	swait.ge [sflag:s23], $0x1  }
0xa9: {  	[sflag:s23] =	ssyncset.done $0x0  }
0xaa: {  	[sflag:s23] =	ssyncadd.s32 $0xFFFFFFFF  }
0xab: {  	s5 =	sld [smem:$0x0]  }
0xac: {  	s6 =	sand.u32 $0xFFFFFFFE, s1  }
0xad: {  	p0 =	sne.s32 s1, s6  }
0xae: {  	s6 =	sshll.u32 @p0 s6, $0xE  }
0xaf: {  	s6 =	sadd.s32 @p0 $0x11B8D, s6;
	s7 =	sshll.u32 @p0 s5, $0x11  }
0xb0: {  	s6 =	sor.u32 @p0 s7, s6  }
0xb1: {  	[sflag:s6] =	ssyncadd.remote.s32 @p0 $0x1;
	_ =	sdelay $0x1  }
0xb2: {  	s6 =	simm.s32 @p0 $0x1B8D  }
0xb3: {  	_ =	swait.eq @p0 [sflag:s6], $0x1  }
0xb4: {  	[sflag:s6] =	ssyncadd.s32 @p0 $0xFFFFFFFF  }
0xb5: {  	s7 =	sshll.u32 @!p0 s1, $0xE  }
0xb6: {  	s7 =	sor.u32 @!p0 $0x4000, s7;
	s6 =	simm.s32 @!p0 $0x1B8D  }
0xb7: {  	s5 =	sshll.u32 @!p0 s5, $0x11;
	s7 =	sadd.s32 @!p0 $0x11B8D, s7;
	_ =	swait.eq @!p0 [sflag:s6], $0x1  }
0xb8: {  	s5 =	sor.u32 @!p0 s5, s7;
	[sflag:s6] =	ssyncadd.s32 @!p0 $0xFFFFFFFF  }
0xb9: {  	s25 =	simm.s32 $0x1B8E;
	s24 =	sld [smem:$0x3FFE];
	[sflag:s5] =	ssyncadd.remote.s32 @!p0 $0x1  }
0xba: {  	s26 =	simm.s32 $execute0_lowered;
	[smem:$0x3FD2] =	sst s25  }
0xbb: {  	s6 =	sshll.u32 s26, $0x1;
	_ =	strace $0x8000004C;
	[dreg:$0x1] =	wrdreg $0xFFFFFFFF  }
0xbc: {  	s28 =	simm.s32 $_size_execute0_lowered;
	s4 =	sadd.s32 s4, s6;
	[dreg:$0x0] =	wrdreg $0x0  }
0xbd: {  	s6 =	sshll.u32 s28, $0x1;
	[dreg:$0x2] =	wrdreg s4  }
0xbe: {  	[dreg:$0x3] =	wrdreg s6  }
0xbf: {  	[dreg:$0x4] =	wrdreg $0xC0  }
0xc0: {  	_ =	task [dreg:s22], $0x5FFFF  }
0xc1: {  	[dreg:$0x1] =	wrdreg $0xFFFFFFFF  }
0xc2: {  	[dreg:$0x0] =	wrdreg $0x60  }
0xc3: {  	[dreg:$0x2] =	wrdreg s24  }
0xc4: {  	[dreg:$0x3] =	wrdreg s17  }
0xc5: {  	[dreg:$0x4] =	wrdreg $0x28500  }
0xc6: {  	[dreg:$0x5] =	wrdreg $0x9  }
0xc7: {  	_ =	task.clear_ibuf [dreg:s22], $0x6FFFF;
	_ =	strace $0x9000004C  }
0xc8: {  	s29 =	simm.s32 $0x9;
	_ =	strace $0x8000004E  }
0xc9: {  	_ =	swait.ge [sflag:s29], $0x1  }
0xca: {  	[sflag:s29] =	ssyncadd.s32 $0xFFFFFFFF  }
0xcb: {  	_ =	strace $0x9000004E  }
0xcc: {  	_ =	sfence  }
0xcd: {  	s30 =	sld [smem:$0x0];
	_ =	sdelay $0x2  }
0xce: {  	s31 =	sshll.u32 s1, $0xD;
	s1 =	sshrl.u32 s1, $0x2  }
0xcf: {  	s4 =	sand.u32 $0x4000, s31;
	s1 =	sadd.s32 s1, s30  }
0xd0: {  	s0 =	sor.u32 s4, s0;
	s1 =	sshll.u32 s1, $0x11  }
0xd1: {  	s0 =	sor.u32 s1, s0  }
0xd2: {  	s0 =	sadd.s32 $0x8F2B, s0  }
0xd3: {  	[sflag:s0] =	ssyncadd.remote.s32 $0x1  }
0xd4: {  	_ =	sfence.sel $0xFFFF  }
0xd5: {  	[dreg:$0x0] =	wrdreg $0xFFFFFFFF;
	(pc) =	sbr.abs _section_cstart, $3  }
0xd6: {  	[dreg:$0x1] =	wrdreg $0xFFFFFFFF  }
0xd7: {  	_ =	task.clear_ibuf [dreg:s22], $0x2FFFF;
	_ =	strace $0x9FFFFFFF  }
0xd8: {  	(tm) =	ssettm $0x7FFFFFFF  }
0xd9: {  	_ =	shalt  }
tec
execute0_lowered:
.L_overlay_start_1:
0x0: {  	(tag) =	ssettag $0x1  }
0x1: {  	s4 =	rddreg [dreg:$0x0]  }
0x2: {  	s0 =	stileid.u32;
	s1 =	srdreg.scid  }
0x3: {  	s6 =	rddreg [dreg:$0x1];
	s5 =	smul.u32 $0x4E200, s0  }
0x4: {  	s2 =	rddreg [dreg:$0x2];
	s3 =	simm.s32 $0x0;
	s8 =	smul.u32 $0x4E20, s0  }
0x5: {  	s7 =	sand.u32 $0x1, s1;
	s1 =	rddreg [dreg:$0x3];
	s10 =	smul.u32 $0x13880, s0  }
0x6: {  	[smem:$0x7FF] =	sst s3;
	s9 =	smul.u32 $0x2710, s7  }
0x7: {  	s29 =	sshll.u32 s0, $0x6;
	s11 =	smul.u32 $0x138800, s7;
	_ =	strace $0x8000004D  }
0x8: {  	s25 =	ssub.s32 $0x2, s7;
	s30 =	smul.u32 $0x27100, s7;
	s12 =	sadd.s32 s5, s4  }
0x9: {  	s26 =	sshrl.u32 s25, $0x1;
	s28 =	sshrl.u32 s10, $0x3;
	s23 =	sadd.s32 s9, s8  }
0xa: {  	s24 =	sadd.s32 s10, s11;
	s9 =	ssub.s32 s25, s26;
	s10 =	sadd.s32 s10, s2  }
0xb: {  	s31 =	sadd.s32 s30, s12;
	s11 =	simm.s32 $0x1;
	s12 =	simm.s32 $0x50  }
0xc: {  	s5 =	sshrl.u32 s23, $0x3;
	s8 =	sshrl.u32 s24, $0x3;
	s7 =	smax.u32 s9, $0x1  }
0xd: {  	s10 =	sshrl.u32 s10, $0x3;
	s13 =	sadd.s32 s5, s4;
	s8 =	sadd.s32 s8, s4  }
0xe: {  	s4 =	sadd.s32 s6, s28;
	s5 =	sor.u32 $0x1C01, s29;
	s6 =	sadd.s32 $0x48C00, s8  }
0xf: {  	s8 =	sadd.s32 $0x9E7C00, s31;
	s9 =	sadd.s32 $0xCA00, s13;
	s13 =	simm.s32 $0x0  }
.LBB2_1:
0x10: {  	[spmem:s10], [sflag:s5] =	dma.local [hbm:s4], $0x2710  }
0x11: {  	_ =	swait.ge [sflag:s11], $0x2710  }
0x12: {  	[sflag:s11] =	ssyncset.done $0x0  }
0x13: {  	[sflag:s11] =	ssyncadd.s32 $0xFFFFD8F0  }
0x14: {  	s14 =	sadd.s32 $0x0, s9;
	[bflag:$0x0] =	sbarrier.arrive $0xFFFF  }
0x15: {  	[tilespmem:s3], [sflag:$0x1] =	stream.linear.gather [hbm4b:s14+s3], $0x50, $0x38;
	[tilespmem:$0x160D0] =	vst v63  }
0x16: {  	_ =	swait.ge [sflag:s11], $0x50  }
0x17: {  	[sflag:s11] =	ssyncset.done $0x0  }
0x18: {  	[sflag:s11] =	ssyncadd.s32 $0xFFFFFFB0  }
0x19: {  	[tilespmem:s12], [sflag:$0x1] =	stream.linear.gather [hbm4b:s8+s3], $0x2800, $0x38;
	[tilespmem:$0x160D0] =	vst v63  }
0x1a: {  	_ =	swait.ge [sflag:s11], $0x2800  }
0x1b: {  	[sflag:s11] =	ssyncset.done $0x0  }
0x1c: {  	[sflag:s11] =	ssyncadd.s32 $0xFFFFD800  }
0x1d: {  	[spmem:s2] =	stream.indirect.scatter.add.f32 [tilespmem:s12], [sflag:$0x1], $0x80, s3, s12, $0xb8;
	[tilespmem:$0x160D0] =	vst v63  }
0x1e: {  	s15 =	simm.s32 $0xA;
	_ =	swait.ge [sflag:s11], $0x2800  }
0x1f: {  	s16 =	simm.s32 $0x14;
	s14 =	sadd.s32 $0x500, s8;
	[sflag:s11] =	ssyncset.done $0x0  }
.LBB2_2:
0x20: {  	s17 =	sadd.s32 s15, s9  }
0x21: {  	[sflag:s11] =	ssyncadd.s32 $0xFFFFD800;
	s15 =	smov.u32 s16;
	s18 =	sadd.s32 $0xA, s16  }
0x22: {  	[tilespmem:s3], [sflag:$0x1] =	stream.linear.gather [hbm4b:s17+s3], $0x50, $0x38;
	[tilespmem:$0x160D0] =	vst v63  }
0x23: {  	p0 =	sne.s32 s16, $0x4D8;
	_ =	swait.ge [sflag:s11], $0x50  }
0x24: {  	[sflag:s11] =	ssyncset.done $0x0  }
0x25: {  	[sflag:s11] =	ssyncadd.s32 $0xFFFFFFB0  }
0x26: {  	[tilespmem:s12], [sflag:$0x1] =	stream.linear.gather [hbm4b:s14+s3], $0x2800, $0x38;
	[tilespmem:$0x160D0] =	vst v63  }
0x27: {  	_ =	swait.ge [sflag:s11], $0x2800  }
.Ltmp0:
0x28: {  	[sflag:s11] =	ssyncset.done $0x0;
	(pc) =	sbr.rel @p0 .LBB2_2-.Ltmp0, $4  }
0x29: {  	[sflag:s11] =	ssyncadd.s32 $0xFFFFD800  }
0x2a: {  	[spmem:s2] =	stream.indirect.scatter.add.f32 [tilespmem:s12], [sflag:$0x1], $0x80, s3, s12, $0xb8;
	[tilespmem:$0x160D0] =	vst v63  }
0x2b: {  	_ =	swait.ge [sflag:s11], $0x2800  }
0x2c: {  	s16 =	smov.u32 s18;
	s14 =	sadd.s32 $0x500, s14;
	[sflag:s11] =	ssyncset.done $0x0  }
0x2d: {  	s15 =	sadd.s32 s15, s9;
	[sflag:s11] =	ssyncadd.s32 $0xFFFFD800  }
0x2e: {  	[tilespmem:s3], [sflag:$0x1] =	stream.linear.gather [hbm4b:s15+s3], $0x50, $0x38;
	[tilespmem:$0x160D0] =	vst v63  }
0x2f: {  	_ =	swait.ge [sflag:s11], $0x50  }
0x30: {  	[sflag:s11] =	ssyncset.done $0x0  }
0x31: {  	[sflag:s11] =	ssyncadd.s32 $0xFFFFFFB0  }
0x32: {  	[tilespmem:s12], [sflag:$0x1] =	stream.linear.gather [hbm4b:s14+s3], $0x2800, $0x38;
	[tilespmem:$0x160D0] =	vst v63  }
0x33: {  	_ =	swait.ge [sflag:s11], $0x2800  }
0x34: {  	[sflag:s11] =	ssyncset.done $0x0  }
0x35: {  	[sflag:s11] =	ssyncadd.s32 $0xFFFFD800  }
0x36: {  	[spmem:s2] =	stream.indirect.scatter.add.f32 [tilespmem:s12], [sflag:$0x1], $0x80, s3, s12, $0xb8;
	[tilespmem:$0x160D0] =	vst v63  }
0x37: {  	_ =	swait.ge [sflag:s11], $0x2800  }
0x38: {  	s13 =	sadd.s32 $0x1, s13;
	[sflag:s11] =	ssyncset.done $0x0  }
0x39: {  	p0 =	sne.s32 s13, s7;
	[sflag:s11] =	ssyncadd.s32 $0xFFFFD800  }
.Ltmp1:
0x3a: {  	[bflag:$0x0] =	sbarrier.arrive $0xFFFF;
	(pc) =	sbr.rel @p0 .LBB2_1-.Ltmp1, $4  }
0x3b: {  	[hbm:s6], [sflag:s5] =	dma.local [spmem:s10], $0x2710  }
0x3c: {  	_ =	swait.ge [sflag:s11], $0x2710  }
0x3d: {  	[sflag:s11] =	ssyncset.done $0x0  }
0x3e: {  	[sflag:s11] =	ssyncadd.s32 $0xFFFFD8F0  }
0x3f: {  	_ =	sfence.sel $0x180000  }
0x40: {  	[bflag:$0x0] =	sbarrier.arrive $0xFFFF  }
0x41: {  	p0 =	sne.s32 s0, $0x0;
	_ =	strace $0x9000004D  }
0x42: {  	s0 =	sadd.s32 @!p0 $0x100000, s1;
	[bflag:$0x2] =	sbarrier.arrive $0xFFFF  }
0x43: {  	[sflag:s0] =	ssyncadd.tile.s32 @!p0 $0x1;
	_ =	shalt  }
.Lfunc_end2:
_tile_overlayer_lowered:
.L_overlay_start_2:
0x44: {  	(tag) =	ssettag $0x2  }
0x45: {  	s0 =	rddreg [dreg:$0x0];
	s2 =	stileid.u32  }
0x46: {  	s1 =	rddreg [dreg:$0x1];
	p0 =	sne.s32 s2, $0x0  }
0x47: {  	s3 =	rddreg [dreg:$0x2];
	[bflag:$0x3] =	sbarrier.arrive $0xFFFF;
	s2 =	simm.s32 @!p0 $0x1C01  }
0x48: {  	[timem:s3], [sflag:s2] =	dma.local @!p0 [hbm:s0], s1  }
0x49: {  	s0 =	simm.s32 @!p0 $0x1  }
0x4a: {  	_ =	swait.ge @!p0 [sflag:s0], s1  }
0x4b: {  	s1 =	ssub.s32 @!p0 $0x0, s1;
	[sflag:s0] =	ssyncset.done @!p0 $0x0  }
0x4c: {  	[sflag:s0] =	ssyncadd.s32 @!p0 s1  }
0x4d: {  	[bflag:$0x3] =	sbarrier.arrive $0xFFFF  }
0x4e: {  	_ =	shalt  }

</sc_bundles>
